<compile_context>
chip_gen: v7x
topology: tpu7x:2x2x1
jax: 0.10.2.dev20260603
libtpu: 0.0.44.dev20260713+nightly
codegen_flags: <defaults>
</compile_context>

<pallas_src>
import functools

import jax
import jax.numpy as jnp
from jax import lax
from jax.experimental import pallas as pl
from jax.experimental.pallas import tpu as pltpu
from jax.experimental.pallas import tpu_sc as plsc

N = 10000
E = 320000
D = 128

NC = 2
NS = 16
NW = NC * NS
EPW = E // NW
CHUNK = 80
NCHUNK = EPW // CHUNK
NPAD = 10240
RPS = NPAD // NS
NROW = 3
NSS = 4
NDS = 6


def _sc_segment_sum(h, src, dst):
  mesh = plsc.VectorSubcoreMesh(core_axis_name="c", subcore_axis_name="s")

  @functools.partial(
      pl.kernel,
      out_type=jax.ShapeDtypeStruct((NC, NPAD, D), jnp.float32),
      mesh=mesh,
      scratch_types=(
          [pltpu.VMEM_SHARED((NPAD, D), jnp.float32)]
          + [pltpu.VMEM((CHUNK, D), jnp.float32)] * NROW
          + [pltpu.VMEM((CHUNK,), jnp.int32)] * NSS
          + [pltpu.VMEM((CHUNK,), jnp.int32)] * NDS
          + [pltpu.SemaphoreType.DMA] * (2 * NROW + NSS + NDS)
      ),
  )
  def seg_sum(h_hbm, src_hbm, dst_hbm, out_hbm, acc, *scr):
    rows = scr[:NROW]
    sslot = scr[NROW:NROW + NSS]
    dslot = scr[NROW + NSS:NROW + NSS + NDS]
    sems = scr[NROW + NSS + NDS:]
    gsem = sems[:NROW]
    ssem = sems[NROW:2 * NROW]
    isem = sems[2 * NROW:2 * NROW + NSS]
    dsem = sems[2 * NROW + NSS:]

    c = lax.axis_index("c")
    s = lax.axis_index("s")
    wid = c * NS + s
    ebase = wid * EPW
    rbase = s * RPS

    def fetch_src(i, q):
      pltpu.async_copy(src_hbm.at[pl.ds(ebase + i * CHUNK, CHUNK)],
                       sslot[q], isem[q])

    def fetch_dst(i, q):
      pltpu.async_copy(dst_hbm.at[pl.ds(ebase + i * CHUNK, CHUNK)],
                       dslot[q], dsem[q])

    def wait_idx(slot, sem):
      pltpu.make_async_copy(src_hbm.at[pl.ds(ebase, CHUNK)], slot, sem).wait()

    def gather(q, b):
      pltpu.async_copy(h_hbm.at[sslot[q]], rows[b], gsem[b])

    def wait_sem(b, sem_ring):
      pltpu.make_async_copy(h_hbm.at[sslot[0]], rows[b], sem_ring[b]).wait()

    def step(i, im, a_on=True, fs_on=True, b_on=True, c_on=True, d_on=True):
      b, q4, q6 = im % NROW, im % NSS, im % NDS
      if a_on:
        wait_sem(b, gsem)
        if fs_on:
          fetch_src(i + 4, q4)
        wait_idx(dslot[q6], dsem[q6])
        pltpu.async_copy(rows[b], acc.at[dslot[q6]], ssem[b], add=True)
      if b_on:
        wait_sem((im + 2) % NROW, ssem)
      if c_on:
        fetch_dst(i + 5, (im + 5) % NDS)
      if d_on:
        wait_idx(sslot[(q4 + 2) % NSS], isem[(q4 + 2) % NSS])
        gather((q4 + 2) % NSS, (im + 2) % NROW)

    zv = jnp.zeros((16,), jnp.float32)

    def zrow(r, carry):
      for j in range(D // 16):
        rows[0][r, pl.ds(j * 16, 16)] = zv
      return carry

    lax.fori_loop(0, CHUNK, zrow, 0)
    for r2 in range(RPS // CHUNK):
      pltpu.sync_copy(rows[0], acc.at[pl.ds(rbase + r2 * CHUNK, CHUNK)])
    for q in range(NSS):
      fetch_src(q, q)
    for q in range(NDS - 1):
      fetch_dst(q, q)
    plsc.subcore_barrier()
    for b in range(2):
      wait_idx(sslot[b], isem[b])
      gather(b, b)

    step(0, 0, b_on=False)
    step(1, 1, b_on=(NROW == 3))

    def outer(io, carry):
      for k in range(12):
        step(12 * io + 2 + k, 2 + k)
      return carry

    lax.fori_loop(0, 9, outer, 0)
    for i in range(110, 125 + NROW - 2):
      step(i, i % 12,
           a_on=(i <= 124),
           fs_on=(i <= 120),
           b_on=(i - (NROW - 2) <= 124),
           c_on=(i <= 119),
           d_on=(i <= 122))

    plsc.subcore_barrier()
    pltpu.sync_copy(acc.at[pl.ds(rbase, RPS)],
                    out_hbm.at[c, pl.ds(rbase, RPS)])

  return seg_sum(h, src, dst)


BLK = 2000


def _tc_hinput(x, maskf, W, b):

  def body(x_ref, m_ref, w_ref, b_ref, o_ref):
    o_ref[...] = (lax.dot_general(x_ref[...], w_ref[...],
                                  (((1,), (1,)), ((), ())),
                                  preferred_element_type=jnp.float32)
                  + b_ref[...]) * m_ref[...]

  return pl.pallas_call(
      body,
      grid=(N // BLK,),
      in_specs=[
          pl.BlockSpec((BLK, D), lambda i: (i, 0)),
          pl.BlockSpec((BLK, 1), lambda i: (i, 0)),
          pl.BlockSpec((D, D), lambda i: (0, 0)),
          pl.BlockSpec((1, D), lambda i: (0, 0)),
      ],
      out_specs=pl.BlockSpec((BLK, D), lambda i: (i, 0)),
      out_shape=jax.ShapeDtypeStruct((N, D), jnp.float32),
  )(x, maskf, W, b)


def _tc_combine(hin, partials):

  def body(h_ref, p0_ref, p1_ref, o_ref):
    o_ref[...] = jnp.tanh(h_ref[...] + p0_ref[0] + p1_ref[0])

  return pl.pallas_call(
      body,
      grid=(N // BLK,),
      in_specs=[
          pl.BlockSpec((BLK, D), lambda i: (i, 0)),
          pl.BlockSpec((1, BLK, D), lambda i: (0, i, 0)),
          pl.BlockSpec((1, BLK, D), lambda i: (1, i, 0)),
      ],
      out_specs=pl.BlockSpec((BLK, D), lambda i: (i, 0)),
      out_shape=jax.ShapeDtypeStruct((N, D), jnp.float32),
  )(hin, partials, partials)


def kernel(x, h, mask, edge_index, W_in, b_in):
  src = edge_index[0].astype(jnp.int32)
  dst = edge_index[1].astype(jnp.int32)
  maskf = mask.astype(jnp.float32)[:, None]
  hin = _tc_hinput(x, maskf, W_in, b_in.reshape(1, D))
  partials = _sc_segment_sum(h, src, dst)
  return _tc_combine(hin, partials)

# --- scband reference (transcript-rebuilt; emitter-appended) ---
"""Pipeline reference for scband-tree-rnncell-5557687681543 (READ-ONLY COPY).

The authoritative reference and input builder live on the scoring server;
editing this copy changes nothing except your own understanding.
"""

import jax, jax.numpy as jnp
import numpy as np

N = 10000
E = 320000
X_SIZE = 128
H_SIZE = 128

def setup_inputs(seed: int = 0) -> dict:
    key = jax.random.key(seed)
    k1, k2, k3, k4 = jax.random.split(key, 4)
    x = jax.random.normal(k1, (N, X_SIZE), dtype=jnp.float32)
    h = jax.random.normal(k2, (N, H_SIZE), dtype=jnp.float32)
    mask = jnp.ones((N,), dtype=jnp.bool_)
    edge_index = jax.random.randint(k3, (2, E), 0, N, dtype=jnp.int64)
    # W_in: nn.Linear(x_size, h_size, bias=True)
    W_in = jax.random.normal(k4, (H_SIZE, X_SIZE), dtype=jnp.float32) * 0.05
    b_in = jnp.zeros((H_SIZE,), dtype=jnp.float32)
    return {"x": x, "h": h, "mask": mask, "edge_index": edge_index, "W_in": W_in, "b_in": b_in}

def reference(x, h, mask, edge_index, W_in, b_in):
    # compute_input_values: h_input = W_in(x) * mask.float().unsqueeze(-1)
    h_input = (x @ W_in.T + b_in) * mask.astype(jnp.float32)[:, None]
    # message_func: gather h from src nodes along each edge
    src = edge_index[0]
    dst = edge_index[1]
    m = jnp.take(h, src, axis=0)
    # reduce_func: aggregate child messages per dst node (sum aggregator)
    h_aggr = jax.ops.segment_sum(m, dst, num_segments=x.shape[0])
    # apply_node_func: h = tanh(h_input + h_aggr)
    return jnp.tanh(h_input + h_aggr)

if __name__ == "__main__":
    import jax
    _d = setup_inputs()
    print(jax.jit(kernel)(*tuple(_d.values())))

</pallas_src>

<mosaic_0001>
#map = affine_map<(d0, d1) -> (0, 0)>
#map1 = affine_map<(d0, d1) -> (0)>
#map2 = affine_map<(d0, d1) -> (0, 0, 0)>
module attributes {stable_mosaic.version = 14 : i64} {
  func.func @seg_sum(%arg0: i32, %arg1: i32, %arg2: memref<10000x128xf32, #tpu.memory_space<hbm>>, %arg3: memref<320000xi32, #tpu.memory_space<hbm>>, %arg4: memref<320000xi32, #tpu.memory_space<hbm>>, %arg5: memref<2x10240x128xf32, #tpu.memory_space<hbm>>, %arg6: memref<10240x128xf32, #tpu.memory_space<vmem_shared>>, %arg7: memref<80x128xf32, #tpu.memory_space<vmem>>, %arg8: memref<80x128xf32, #tpu.memory_space<vmem>>, %arg9: memref<80x128xf32, #tpu.memory_space<vmem>>, %arg10: memref<80xi32, #tpu.memory_space<vmem>>, %arg11: memref<80xi32, #tpu.memory_space<vmem>>, %arg12: memref<80xi32, #tpu.memory_space<vmem>>, %arg13: memref<80xi32, #tpu.memory_space<vmem>>, %arg14: memref<80xi32, #tpu.memory_space<vmem>>, %arg15: memref<80xi32, #tpu.memory_space<vmem>>, %arg16: memref<80xi32, #tpu.memory_space<vmem>>, %arg17: memref<80xi32, #tpu.memory_space<vmem>>, %arg18: memref<80xi32, #tpu.memory_space<vmem>>, %arg19: memref<80xi32, #tpu.memory_space<vmem>>, %arg20: memref<!tpu.dma_semaphore, #tpu.memory_space<semaphore_mem>>, %arg21: memref<!tpu.dma_semaphore, #tpu.memory_space<semaphore_mem>>, %arg22: memref<!tpu.dma_semaphore, #tpu.memory_space<semaphore_mem>>, %arg23: memref<!tpu.dma_semaphore, #tpu.memory_space<semaphore_mem>>, %arg24: memref<!tpu.dma_semaphore, #tpu.memory_space<semaphore_mem>>, %arg25: memref<!tpu.dma_semaphore, #tpu.memory_space<semaphore_mem>>, %arg26: memref<!tpu.dma_semaphore, #tpu.memory_space<semaphore_mem>>, %arg27: memref<!tpu.dma_semaphore, #tpu.memory_space<semaphore_mem>>, %arg28: memref<!tpu.dma_semaphore, #tpu.memory_space<semaphore_mem>>, %arg29: memref<!tpu.dma_semaphore, #tpu.memory_space<semaphore_mem>>, %arg30: memref<!tpu.dma_semaphore, #tpu.memory_space<semaphore_mem>>, %arg31: memref<!tpu.dma_semaphore, #tpu.memory_space<semaphore_mem>>, %arg32: memref<!tpu.dma_semaphore, #tpu.memory_space<semaphore_mem>>, %arg33: memref<!tpu.dma_semaphore, #tpu.memory_space<semaphore_mem>>, %arg34: memref<!tpu.dma_semaphore, #tpu.memory_space<semaphore_mem>>, %arg35: memref<!tpu.dma_semaphore, #tpu.memory_space<semaphore_mem>>) attributes {dimension_semantics = [#tpu.dimension_semantics<core_parallel>, #tpu.dimension_semantics<subcore_parallel>], iteration_bounds = array<i64: 2, 16>, scalar_prefetch = 0 : i64, scratch_operands = 30 : i64, tpu.core_type = #tpu.core_type<sc_vector_subcore>, window_params = [{transform_indices = #map}, {transform_indices = #map1}, {transform_indices = #map1}, {transform_indices = #map2}]} {
    %mul3A = arith.constant 16 : i32
    %mul3A_0 = arith.muli %arg0, %mul3A : i32
    %add3A = arith.addi %mul3A_0, %arg1 : i32
    %mul3A_1 = arith.constant 10000 : i32
    %mul3A_2 = arith.muli %add3A, %mul3A_1 : i32
    %mul3A_3 = arith.constant 640 : i32
    %mul3A_4 = arith.muli %arg1, %mul3A_3 : i32
    %broadcast_in_dim3A = arith.constant 0.000000e+00 : f32
    %broadcast_in_dim3A_5 = vector.broadcast %broadcast_in_dim3A : f32 to vector<16xf32>
    %scan3A = arith.constant 0 : i32
    %scan3A_6 = arith.constant 0 : i32
    %scan3A_7 = arith.constant 80 : i32
    %scan3A_8 = arith.addi %scan3A_6, %scan3A_7 : i32
    %scan3A_9 = arith.constant 1 : i32
    scf.for %scan3A_440 = %scan3A_6 to %scan3A_8 step %scan3A_9  : i32 {
      %swap3A = arith.index_cast %scan3A_440 : i32 to index
      %swap3A_441 = arith.constant 0 : index
      %swap3A_442 = tpu.vector_load %arg7[%swap3A, %swap3A_441] {strides = array<i32>} : memref<80x128xf32, #tpu.memory_space<vmem>>, vector<1x16xf32>,
      %swap3A_443 = vector.shape_cast %swap3A_442 : vector<1x16xf32> to vector<16xf32>
      %swap3A_444 = vector.shape_cast %broadcast_in_dim3A_5 : vector<16xf32> to vector<1x16xf32>
      tpu.vector_store %arg7[%swap3A, %swap3A_441], %swap3A_444 {strides = array<i32>} : memref<80x128xf32, #tpu.memory_space<vmem>>, vector<1x16xf32>,
      %swap3A_445 = arith.index_cast %scan3A_440 : i32 to index
      %swap3A_446 = arith.constant 16 : index
      %swap3A_447 = tpu.vector_load %arg7[%swap3A_445, %swap3A_446] {strides = array<i32>} : memref<80x128xf32, #tpu.memory_space<vmem>>, vector<1x16xf32>,
      %swap3A_448 = vector.shape_cast %swap3A_447 : vector<1x16xf32> to vector<16xf32>
      %swap3A_449 = vector.shape_cast %broadcast_in_dim3A_5 : vector<16xf32> to vector<1x16xf32>
      tpu.vector_store %arg7[%swap3A_445, %swap3A_446], %swap3A_449 {strides = array<i32>} : memref<80x128xf32, #tpu.memory_space<vmem>>, vector<1x16xf32>,
      %swap3A_450 = arith.index_cast %scan3A_440 : i32 to index
      %swap3A_451 = arith.constant 32 : index
      %swap3A_452 = tpu.vector_load %arg7[%swap3A_450, %swap3A_451] {strides = array<i32>} : memref<80x128xf32, #tpu.memory_space<vmem>>, vector<1x16xf32>,
      %swap3A_453 = vector.shape_cast %swap3A_452 : vector<1x16xf32> to vector<16xf32>
      %swap3A_454 = vector.shape_cast %broadcast_in_dim3A_5 : vector<16xf32> to vector<1x16xf32>
      tpu.vector_store %arg7[%swap3A_450, %swap3A_451], %swap3A_454 {strides = array<i32>} : memref<80x128xf32, #tpu.memory_space<vmem>>, vector<1x16xf32>,
      %swap3A_455 = arith.index_cast %scan3A_440 : i32 to index
      %swap3A_456 = arith.constant 48 : index
      %swap3A_457 = tpu.vector_load %arg7[%swap3A_455, %swap3A_456] {strides = array<i32>} : memref<80x128xf32, #tpu.memory_space<vmem>>, vector<1x16xf32>,
      %swap3A_458 = vector.shape_cast %swap3A_457 : vector<1x16xf32> to vector<16xf32>
      %swap3A_459 = vector.shape_cast %broadcast_in_dim3A_5 : vector<16xf32> to vector<1x16xf32>
      tpu.vector_store %arg7[%swap3A_455, %swap3A_456], %swap3A_459 {strides = array<i32>} : memref<80x128xf32, #tpu.memory_space<vmem>>, vector<1x16xf32>,
      %swap3A_460 = arith.index_cast %scan3A_440 : i32 to index
      %swap3A_461 = arith.constant 64 : index
      %swap3A_462 = tpu.vector_load %arg7[%swap3A_460, %swap3A_461] {strides = array<i32>} : memref<80x128xf32, #tpu.memory_space<vmem>>, vector<1x16xf32>,
      %swap3A_463 = vector.shape_cast %swap3A_462 : vector<1x16xf32> to vector<16xf32>
      %swap3A_464 = vector.shape_cast %broadcast_in_dim3A_5 : vector<16xf32> to vector<1x16xf32>
      tpu.vector_store %arg7[%swap3A_460, %swap3A_461], %swap3A_464 {strides = array<i32>} : memref<80x128xf32, #tpu.memory_space<vmem>>, vector<1x16xf32>,
      %swap3A_465 = arith.index_cast %scan3A_440 : i32 to index
      %swap3A_466 = arith.constant 80 : index
      %swap3A_467 = tpu.vector_load %arg7[%swap3A_465, %swap3A_466] {strides = array<i32>} : memref<80x128xf32, #tpu.memory_space<vmem>>, vector<1x16xf32>,
      %swap3A_468 = vector.shape_cast %swap3A_467 : vector<1x16xf32> to vector<16xf32>
      %swap3A_469 = vector.shape_cast %broadcast_in_dim3A_5 : vector<16xf32> to vector<1x16xf32>
      tpu.vector_store %arg7[%swap3A_465, %swap3A_466], %swap3A_469 {strides = array<i32>} : memref<80x128xf32, #tpu.memory_space<vmem>>, vector<1x16xf32>,
      %swap3A_470 = arith.index_cast %scan3A_440 : i32 to index
      %swap3A_471 = arith.constant 96 : index
      %swap3A_472 = tpu.vector_load %arg7[%swap3A_470, %swap3A_471] {strides = array<i32>} : memref<80x128xf32, #tpu.memory_space<vmem>>, vector<1x16xf32>,
      %swap3A_473 = vector.shape_cast %swap3A_472 : vector<1x16xf32> to vector<16xf32>
      %swap3A_474 = vector.shape_cast %broadcast_in_dim3A_5 : vector<16xf32> to vector<1x16xf32>
      tpu.vector_store %arg7[%swap3A_470, %swap3A_471], %swap3A_474 {strides = array<i32>} : memref<80x128xf32, #tpu.memory_space<vmem>>, vector<1x16xf32>,
      %swap3A_475 = arith.index_cast %scan3A_440 : i32 to index
      %swap3A_476 = arith.constant 112 : index
      %swap3A_477 = tpu.vector_load %arg7[%swap3A_475, %swap3A_476] {strides = array<i32>} : memref<80x128xf32, #tpu.memory_space<vmem>>, vector<1x16xf32>,
      %swap3A_478 = vector.shape_cast %swap3A_477 : vector<1x16xf32> to vector<16xf32>
      %swap3A_479 = vector.shape_cast %broadcast_in_dim3A_5 : vector<16xf32> to vector<1x16xf32>
      tpu.vector_store %arg7[%swap3A_475, %swap3A_476], %swap3A_479 {strides = array<i32>} : memref<80x128xf32, #tpu.memory_space<vmem>>, vector<1x16xf32>,
    }
    %scan3A_10 = arith.constant 80 : i32
    %add3A_11 = arith.constant 0 : i32
    %add3A_12 = arith.addi %mul3A_4, %add3A_11 : i32
    "tpu.region"() ({
      %run_scoped3A = tpu.sem_alloc : memref<!tpu.dma_semaphore, #tpu.memory_space<semaphore_mem>>
      %dma_start3A_440 = arith.constant 0 : i32
      %dma_start3A_441 = tpu.memref_slice %arg6[%add3A_12, %dma_start3A_440] : memref<10240x128xf32, #tpu.memory_space<vmem_shared>> -> memref<80x128xf32, #tpu.memory_space<vmem_shared>>
      %dma_start3A_442 = arith.constant 0 : i32
      %dma_start3A_443 = tpu.memref_slice %arg6[%add3A_12, %dma_start3A_442] : memref<10240x128xf32, #tpu.memory_space<vmem_shared>> -> memref<80x128xf32, #tpu.memory_space<vmem_shared>>
      tpu.enqueue_dma source(%arg7 : memref<80x128xf32, #tpu.memory_space<vmem>>) target(%dma_start3A_443 : memref<80x128xf32, #tpu.memory_space<vmem_shared>>) target_semaphore(%run_scoped3A : memref<!tpu.dma_semaphore, #tpu.memory_space<semaphore_mem>>)
      %dma_wait3A_444 = arith.constant 0 : i32
      %dma_wait3A_445 = tpu.memref_slice %arg6[%add3A_12, %dma_wait3A_444] : memref<10240x128xf32, #tpu.memory_space<vmem_shared>> -> memref<80x128xf32, #tpu.memory_space<vmem_shared>>
      %dma_wait3A_446 = arith.constant 0 : i32
      %dma_wait3A_447 = tpu.memref_slice %arg6[%add3A_12, %dma_wait3A_446] : memref<10240x128xf32, #tpu.memory_space<vmem_shared>> -> memref<80x128xf32, #tpu.memory_space<vmem_shared>>
      tpu.wait_dma2 semaphore(%run_scoped3A : memref<!tpu.dma_semaphore, #tpu.memory_space<semaphore_mem>>) src(%arg7 : memref<80x128xf32, #tpu.memory_space<vmem>>) dst(%dma_wait3A_447 : memref<80x128xf32, #tpu.memory_space<vmem_shared>>)
      tpu.yield
    }) : () -> ()
    %add3A_13 = arith.constant 80 : i32
    %add3A_14 = arith.addi %mul3A_4, %add3A_13 : i32
    "tpu.region"() ({
      %run_scoped3A = tpu.sem_alloc : memref<!tpu.dma_semaphore, #tpu.memory_space<semaphore_mem>>
      %dma_start3A_440 = arith.constant 0 : i32
      %dma_start3A_441 = tpu.memref_slice %arg6[%add3A_14, %dma_start3A_440] : memref<10240x128xf32, #tpu.memory_space<vmem_shared>> -> memref<80x128xf32, #tpu.memory_space<vmem_shared>>
      %dma_start3A_442 = arith.constant 0 : i32
      %dma_start3A_443 = tpu.memref_slice %arg6[%add3A_14, %dma_start3A_442] : memref<10240x128xf32, #tpu.memory_space<vmem_shared>> -> memref<80x128xf32, #tpu.memory_space<vmem_shared>>
      tpu.enqueue_dma source(%arg7 : memref<80x128xf32, #tpu.memory_space<vmem>>) target(%dma_start3A_443 : memref<80x128xf32, #tpu.memory_space<vmem_shared>>) target_semaphore(%run_scoped3A : memref<!tpu.dma_semaphore, #tpu.memory_space<semaphore_mem>>)
      %dma_wait3A_444 = arith.constant 0 : i32
      %dma_wait3A_445 = tpu.memref_slice %arg6[%add3A_14, %dma_wait3A_444] : memref<10240x128xf32, #tpu.memory_space<vmem_shared>> -> memref<80x128xf32, #tpu.memory_space<vmem_shared>>
      %dma_wait3A_446 = arith.constant 0 : i32
      %dma_wait3A_447 = tpu.memref_slice %arg6[%add3A_14, %dma_wait3A_446] : memref<10240x128xf32, #tpu.memory_space<vmem_shared>> -> memref<80x128xf32, #tpu.memory_space<vmem_shared>>
      tpu.wait_dma2 semaphore(%run_scoped3A : memref<!tpu.dma_semaphore, #tpu.memory_space<semaphore_mem>>) src(%arg7 : memref<80x128xf32, #tpu.memory_space<vmem>>) dst(%dma_wait3A_447 : memref<80x128xf32, #tpu.memory_space<vmem_shared>>)
      tpu.yield
    }) : () -> ()
    %add3A_15 = arith.constant 160 : i32
    %add3A_16 = arith.addi %mul3A_4, %add3A_15 : i32
    "tpu.region"() ({
      %run_scoped3A = tpu.sem_alloc : memref<!tpu.dma_semaphore, #tpu.memory_space<semaphore_mem>>
      %dma_start3A_440 = arith.constant 0 : i32
      %dma_start3A_441 = tpu.memref_slice %arg6[%add3A_16, %dma_start3A_440] : memref<10240x128xf32, #tpu.memory_space<vmem_shared>> -> memref<80x128xf32, #tpu.memory_space<vmem_shared>>
      %dma_start3A_442 = arith.constant 0 : i32
      %dma_start3A_443 = tpu.memref_slice %arg6[%add3A_16, %dma_start3A_442] : memref<10240x128xf32, #tpu.memory_space<vmem_shared>> -> memref<80x128xf32, #tpu.memory_space<vmem_shared>>
      tpu.enqueue_dma source(%arg7 : memref<80x128xf32, #tpu.memory_space<vmem>>) target(%dma_start3A_443 : memref<80x128xf32, #tpu.memory_space<vmem_shared>>) target_semaphore(%run_scoped3A : memref<!tpu.dma_semaphore, #tpu.memory_space<semaphore_mem>>)
      %dma_wait3A_444 = arith.constant 0 : i32
      %dma_wait3A_445 = tpu.memref_slice %arg6[%add3A_16, %dma_wait3A_444] : memref<10240x128xf32, #tpu.memory_space<vmem_shared>> -> memref<80x128xf32, #tpu.memory_space<vmem_shared>>
      %dma_wait3A_446 = arith.constant 0 : i32
      %dma_wait3A_447 = tpu.memref_slice %arg6[%add3A_16, %dma_wait3A_446] : memref<10240x128xf32, #tpu.memory_space<vmem_shared>> -> memref<80x128xf32, #tpu.memory_space<vmem_shared>>
      tpu.wait_dma2 semaphore(%run_scoped3A : memref<!tpu.dma_semaphore, #tpu.memory_space<semaphore_mem>>) src(%arg7 : memref<80x128xf32, #tpu.memory_space<vmem>>) dst(%dma_wait3A_447 : memref<80x128xf32, #tpu.memory_space<vmem_shared>>)
      tpu.yield
    }) : () -> ()
    %add3A_17 = arith.constant 240 : i32
    %add3A_18 = arith.addi %mul3A_4, %add3A_17 : i32
    "tpu.region"() ({
      %run_scoped3A = tpu.sem_alloc : memref<!tpu.dma_semaphore, #tpu.memory_space<semaphore_mem>>
      %dma_start3A_440 = arith.constant 0 : i32
      %dma_start3A_441 = tpu.memref_slice %arg6[%add3A_18, %dma_start3A_440] : memref<10240x128xf32, #tpu.memory_space<vmem_shared>> -> memref<80x128xf32, #tpu.memory_space<vmem_shared>>
      %dma_start3A_442 = arith.constant 0 : i32
      %dma_start3A_443 = tpu.memref_slice %arg6[%add3A_18, %dma_start3A_442] : memref<10240x128xf32, #tpu.memory_space<vmem_shared>> -> memref<80x128xf32, #tpu.memory_space<vmem_shared>>
      tpu.enqueue_dma source(%arg7 : memref<80x128xf32, #tpu.memory_space<vmem>>) target(%dma_start3A_443 : memref<80x128xf32, #tpu.memory_space<vmem_shared>>) target_semaphore(%run_scoped3A : memref<!tpu.dma_semaphore, #tpu.memory_space<semaphore_mem>>)
      %dma_wait3A_444 = arith.constant 0 : i32
      %dma_wait3A_445 = tpu.memref_slice %arg6[%add3A_18, %dma_wait3A_444] : memref<10240x128xf32, #tpu.memory_space<vmem_shared>> -> memref<80x128xf32, #tpu.memory_space<vmem_shared>>
      %dma_wait3A_446 = arith.constant 0 : i32
      %dma_wait3A_447 = tpu.memref_slice %arg6[%add3A_18, %dma_wait3A_446] : memref<10240x128xf32, #tpu.memory_space<vmem_shared>> -> memref<80x128xf32, #tpu.memory_space<vmem_shared>>
      tpu.wait_dma2 semaphore(%run_scoped3A : memref<!tpu.dma_semaphore, #tpu.memory_space<semaphore_mem>>) src(%arg7 : memref<80x128xf32, #tpu.memory_space<vmem>>) dst(%dma_wait3A_447 : memref<80x128xf32, #tpu.memory_space<vmem_shared>>)
      tpu.yield
    }) : () -> ()
    %add3A_19 = arith.constant 320 : i32
    %add3A_20 = arith.addi %mul3A_4, %add3A_19 : i32
    "tpu.region"() ({
      %run_scoped3A = tpu.sem_alloc : memref<!tpu.dma_semaphore, #tpu.memory_space<semaphore_mem>>
      %dma_start3A_440 = arith.constant 0 : i32
      %dma_start3A_441 = tpu.memref_slice %arg6[%add3A_20, %dma_start3A_440] : memref<10240x128xf32, #tpu.memory_space<vmem_shared>> -> memref<80x128xf32, #tpu.memory_space<vmem_shared>>
      %dma_start3A_442 = arith.constant 0 : i32
      %dma_start3A_443 = tpu.memref_slice %arg6[%add3A_20, %dma_start3A_442] : memref<10240x128xf32, #tpu.memory_space<vmem_shared>> -> memref<80x128xf32, #tpu.memory_space<vmem_shared>>
      tpu.enqueue_dma source(%arg7 : memref<80x128xf32, #tpu.memory_space<vmem>>) target(%dma_start3A_443 : memref<80x128xf32, #tpu.memory_space<vmem_shared>>) target_semaphore(%run_scoped3A : memref<!tpu.dma_semaphore, #tpu.memory_space<semaphore_mem>>)
      %dma_wait3A_444 = arith.constant 0 : i32
      %dma_wait3A_445 = tpu.memref_slice %arg6[%add3A_20, %dma_wait3A_444] : memref<10240x128xf32, #tpu.memory_space<vmem_shared>> -> memref<80x128xf32, #tpu.memory_space<vmem_shared>>
      %dma_wait3A_446 = arith.constant 0 : i32
      %dma_wait3A_447 = tpu.memref_slice %arg6[%add3A_20, %dma_wait3A_446] : memref<10240x128xf32, #tpu.memory_space<vmem_shared>> -> memref<80x128xf32, #tpu.memory_space<vmem_shared>>
      tpu.wait_dma2 semaphore(%run_scoped3A : memref<!tpu.dma_semaphore, #tpu.memory_space<semaphore_mem>>) src(%arg7 : memref<80x128xf32, #tpu.memory_space<vmem>>) dst(%dma_wait3A_447 : memref<80x128xf32, #tpu.memory_space<vmem_shared>>)
      tpu.yield
    }) : () -> ()
    %add3A_21 = arith.constant 400 : i32
    %add3A_22 = arith.addi %mul3A_4, %add3A_21 : i32
    "tpu.region"() ({
      %run_scoped3A = tpu.sem_alloc : memref<!tpu.dma_semaphore, #tpu.memory_space<semaphore_mem>>
      %dma_start3A_440 = arith.constant 0 : i32
      %dma_start3A_441 = tpu.memref_slice %arg6[%add3A_22, %dma_start3A_440] : memref<10240x128xf32, #tpu.memory_space<vmem_shared>> -> memref<80x128xf32, #tpu.memory_space<vmem_shared>>
      %dma_start3A_442 = arith.constant 0 : i32
      %dma_start3A_443 = tpu.memref_slice %arg6[%add3A_22, %dma_start3A_442] : memref<10240x128xf32, #tpu.memory_space<vmem_shared>> -> memref<80x128xf32, #tpu.memory_space<vmem_shared>>
      tpu.enqueue_dma source(%arg7 : memref<80x128xf32, #tpu.memory_space<vmem>>) target(%dma_start3A_443 : memref<80x128xf32, #tpu.memory_space<vmem_shared>>) target_semaphore(%run_scoped3A : memref<!tpu.dma_semaphore, #tpu.memory_space<semaphore_mem>>)
      %dma_wait3A_444 = arith.constant 0 : i32
      %dma_wait3A_445 = tpu.memref_slice %arg6[%add3A_22, %dma_wait3A_444] : memref<10240x128xf32, #tpu.memory_space<vmem_shared>> -> memref<80x128xf32, #tpu.memory_space<vmem_shared>>
      %dma_wait3A_446 = arith.constant 0 : i32
      %dma_wait3A_447 = tpu.memref_slice %arg6[%add3A_22, %dma_wait3A_446] : memref<10240x128xf32, #tpu.memory_space<vmem_shared>> -> memref<80x128xf32, #tpu.memory_space<vmem_shared>>
      tpu.wait_dma2 semaphore(%run_scoped3A : memref<!tpu.dma_semaphore, #tpu.memory_space<semaphore_mem>>) src(%arg7 : memref<80x128xf32, #tpu.memory_space<vmem>>) dst(%dma_wait3A_447 : memref<80x128xf32, #tpu.memory_space<vmem_shared>>)
      tpu.yield
    }) : () -> ()
    %add3A_23 = arith.constant 480 : i32
    %add3A_24 = arith.addi %mul3A_4, %add3A_23 : i32
    "tpu.region"() ({
      %run_scoped3A = tpu.sem_alloc : memref<!tpu.dma_semaphore, #tpu.memory_space<semaphore_mem>>
      %dma_start3A_440 = arith.constant 0 : i32
      %dma_start3A_441 = tpu.memref_slice %arg6[%add3A_24, %dma_start3A_440] : memref<10240x128xf32, #tpu.memory_space<vmem_shared>> -> memref<80x128xf32, #tpu.memory_space<vmem_shared>>
      %dma_start3A_442 = arith.constant 0 : i32
      %dma_start3A_443 = tpu.memref_slice %arg6[%add3A_24, %dma_start3A_442] : memref<10240x128xf32, #tpu.memory_space<vmem_shared>> -> memref<80x128xf32, #tpu.memory_space<vmem_shared>>
      tpu.enqueue_dma source(%arg7 : memref<80x128xf32, #tpu.memory_space<vmem>>) target(%dma_start3A_443 : memref<80x128xf32, #tpu.memory_space<vmem_shared>>) target_semaphore(%run_scoped3A : memref<!tpu.dma_semaphore, #tpu.memory_space<semaphore_mem>>)
      %dma_wait3A_444 = arith.constant 0 : i32
      %dma_wait3A_445 = tpu.memref_slice %arg6[%add3A_24, %dma_wait3A_444] : memref<10240x128xf32, #tpu.memory_space<vmem_shared>> -> memref<80x128xf32, #tpu.memory_space<vmem_shared>>
      %dma_wait3A_446 = arith.constant 0 : i32
      %dma_wait3A_447 = tpu.memref_slice %arg6[%add3A_24, %dma_wait3A_446] : memref<10240x128xf32, #tpu.memory_space<vmem_shared>> -> memref<80x128xf32, #tpu.memory_space<vmem_shared>>
      tpu.wait_dma2 semaphore(%run_scoped3A : memref<!tpu.dma_semaphore, #tpu.memory_space<semaphore_mem>>) src(%arg7 : memref<80x128xf32, #tpu.memory_space<vmem>>) dst(%dma_wait3A_447 : memref<80x128xf32, #tpu.memory_space<vmem_shared>>)
      tpu.yield
    }) : () -> ()
    %add3A_25 = arith.constant 560 : i32
    %add3A_26 = arith.addi %mul3A_4, %add3A_25 : i32
    "tpu.region"() ({
      %run_scoped3A = tpu.sem_alloc : memref<!tpu.dma_semaphore, #tpu.memory_space<semaphore_mem>>
      %dma_start3A_440 = arith.constant 0 : i32
      %dma_start3A_441 = tpu.memref_slice %arg6[%add3A_26, %dma_start3A_440] : memref<10240x128xf32, #tpu.memory_space<vmem_shared>> -> memref<80x128xf32, #tpu.memory_space<vmem_shared>>
      %dma_start3A_442 = arith.constant 0 : i32
      %dma_start3A_443 = tpu.memref_slice %arg6[%add3A_26, %dma_start3A_442] : memref<10240x128xf32, #tpu.memory_space<vmem_shared>> -> memref<80x128xf32, #tpu.memory_space<vmem_shared>>
      tpu.enqueue_dma source(%arg7 : memref<80x128xf32, #tpu.memory_space<vmem>>) target(%dma_start3A_443 : memref<80x128xf32, #tpu.memory_space<vmem_shared>>) target_semaphore(%run_scoped3A : memref<!tpu.dma_semaphore, #tpu.memory_space<semaphore_mem>>)
      %dma_wait3A_444 = arith.constant 0 : i32
      %dma_wait3A_445 = tpu.memref_slice %arg6[%add3A_26, %dma_wait3A_444] : memref<10240x128xf32, #tpu.memory_space<vmem_shared>> -> memref<80x128xf32, #tpu.memory_space<vmem_shared>>
      %dma_wait3A_446 = arith.constant 0 : i32
      %dma_wait3A_447 = tpu.memref_slice %arg6[%add3A_26, %dma_wait3A_446] : memref<10240x128xf32, #tpu.memory_space<vmem_shared>> -> memref<80x128xf32, #tpu.memory_space<vmem_shared>>
      tpu.wait_dma2 semaphore(%run_scoped3A : memref<!tpu.dma_semaphore, #tpu.memory_space<semaphore_mem>>) src(%arg7 : memref<80x128xf32, #tpu.memory_space<vmem>>) dst(%dma_wait3A_447 : memref<80x128xf32, #tpu.memory_space<vmem_shared>>)
      tpu.yield
    }) : () -> ()
    %add3A_27 = arith.constant 0 : i32
    %add3A_28 = arith.addi %mul3A_2, %add3A_27 : i32
    %dma_start3A = tpu.memref_slice %arg3[%add3A_28] : memref<320000xi32, #tpu.memory_space<hbm>> -> memref<80xi32, #tpu.memory_space<hbm>>
    %dma_start3A_29 = tpu.memref_slice %arg3[%add3A_28] : memref<320000xi32, #tpu.memory_space<hbm>> -> memref<80xi32, #tpu.memory_space<hbm>>
    tpu.enqueue_dma source(%dma_start3A_29 : memref<80xi32, #tpu.memory_space<hbm>>) target(%arg10 : memref<80xi32, #tpu.memory_space<vmem>>) target_semaphore(%arg26 : memref<!tpu.dma_semaphore, #tpu.memory_space<semaphore_mem>>)
    %add3A_30 = arith.constant 80 : i32
    %add3A_31 = arith.addi %mul3A_2, %add3A_30 : i32
    %dma_start3A_32 = tpu.memref_slice %arg3[%add3A_31] : memref<320000xi32, #tpu.memory_space<hbm>> -> memref<80xi32, #tpu.memory_space<hbm>>
    %dma_start3A_33 = tpu.memref_slice %arg3[%add3A_31] : memref<320000xi32, #tpu.memory_space<hbm>> -> memref<80xi32, #tpu.memory_space<hbm>>
    tpu.enqueue_dma source(%dma_start3A_33 : memref<80xi32, #tpu.memory_space<hbm>>) target(%arg11 : memref<80xi32, #tpu.memory_space<vmem>>) target_semaphore(%arg27 : memref<!tpu.dma_semaphore, #tpu.memory_space<semaphore_mem>>)
    %add3A_34 = arith.constant 160 : i32
    %add3A_35 = arith.addi %mul3A_2, %add3A_34 : i32
    %dma_start3A_36 = tpu.memref_slice %arg3[%add3A_35] : memref<320000xi32, #tpu.memory_space<hbm>> -> memref<80xi32, #tpu.memory_space<hbm>>
    %dma_start3A_37 = tpu.memref_slice %arg3[%add3A_35] : memref<320000xi32, #tpu.memory_space<hbm>> -> memref<80xi32, #tpu.memory_space<hbm>>
    tpu.enqueue_dma source(%dma_start3A_37 : memref<80xi32, #tpu.memory_space<hbm>>) target(%arg12 : memref<80xi32, #tpu.memory_space<vmem>>) target_semaphore(%arg28 : memref<!tpu.dma_semaphore, #tpu.memory_space<semaphore_mem>>)
    %add3A_38 = arith.constant 240 : i32
    %add3A_39 = arith.addi %mul3A_2, %add3A_38 : i32
    %dma_start3A_40 = tpu.memref_slice %arg3[%add3A_39] : memref<320000xi32, #tpu.memory_space<hbm>> -> memref<80xi32, #tpu.memory_space<hbm>>
    %dma_start3A_41 = tpu.memref_slice %arg3[%add3A_39] : memref<320000xi32, #tpu.memory_space<hbm>> -> memref<80xi32, #tpu.memory_space<hbm>>
    tpu.enqueue_dma source(%dma_start3A_41 : memref<80xi32, #tpu.memory_space<hbm>>) target(%arg13 : memref<80xi32, #tpu.memory_space<vmem>>) target_semaphore(%arg29 : memref<!tpu.dma_semaphore, #tpu.memory_space<semaphore_mem>>)
    %add3A_42 = arith.constant 0 : i32
    %add3A_43 = arith.addi %mul3A_2, %add3A_42 : i32
    %dma_start3A_44 = tpu.memref_slice %arg4[%add3A_43] : memref<320000xi32, #tpu.memory_space<hbm>> -> memref<80xi32, #tpu.memory_space<hbm>>
    %dma_start3A_45 = tpu.memref_slice %arg4[%add3A_43] : memref<320000xi32, #tpu.memory_space<hbm>> -> memref<80xi32, #tpu.memory_space<hbm>>
    tpu.enqueue_dma source(%dma_start3A_45 : memref<80xi32, #tpu.memory_space<hbm>>) target(%arg14 : memref<80xi32, #tpu.memory_space<vmem>>) target_semaphore(%arg30 : memref<!tpu.dma_semaphore, #tpu.memory_space<semaphore_mem>>)
    %add3A_46 = arith.constant 80 : i32
    %add3A_47 = arith.addi %mul3A_2, %add3A_46 : i32
    %dma_start3A_48 = tpu.memref_slice %arg4[%add3A_47] : memref<320000xi32, #tpu.memory_space<hbm>> -> memref<80xi32, #tpu.memory_space<hbm>>
    %dma_start3A_49 = tpu.memref_slice %arg4[%add3A_47] : memref<320000xi32, #tpu.memory_space<hbm>> -> memref<80xi32, #tpu.memory_space<hbm>>
    tpu.enqueue_dma source(%dma_start3A_49 : memref<80xi32, #tpu.memory_space<hbm>>) target(%arg15 : memref<80xi32, #tpu.memory_space<vmem>>) target_semaphore(%arg31 : memref<!tpu.dma_semaphore, #tpu.memory_space<semaphore_mem>>)
    %add3A_50 = arith.constant 160 : i32
    %add3A_51 = arith.addi %mul3A_2, %add3A_50 : i32
    %dma_start3A_52 = tpu.memref_slice %arg4[%add3A_51] : memref<320000xi32, #tpu.memory_space<hbm>> -> memref<80xi32, #tpu.memory_space<hbm>>
    %dma_start3A_53 = tpu.memref_slice %arg4[%add3A_51] : memref<320000xi32, #tpu.memory_space<hbm>> -> memref<80xi32, #tpu.memory_space<hbm>>
    tpu.enqueue_dma source(%dma_start3A_53 : memref<80xi32, #tpu.memory_space<hbm>>) target(%arg16 : memref<80xi32, #tpu.memory_space<vmem>>) target_semaphore(%arg32 : memref<!tpu.dma_semaphore, #tpu.memory_space<semaphore_mem>>)
    %add3A_54 = arith.constant 240 : i32
    %add3A_55 = arith.addi %mul3A_2, %add3A_54 : i32
    %dma_start3A_56 = tpu.memref_slice %arg4[%add3A_55] : memref<320000xi32, #tpu.memory_space<hbm>> -> memref<80xi32, #tpu.memory_space<hbm>>
    %dma_start3A_57 = tpu.memref_slice %arg4[%add3A_55] : memref<320000xi32, #tpu.memory_space<hbm>> -> memref<80xi32, #tpu.memory_space<hbm>>
    tpu.enqueue_dma source(%dma_start3A_57 : memref<80xi32, #tpu.memory_space<hbm>>) target(%arg17 : memref<80xi32, #tpu.memory_space<vmem>>) target_semaphore(%arg33 : memref<!tpu.dma_semaphore, #tpu.memory_space<semaphore_mem>>)
    %add3A_58 = arith.constant 320 : i32
    %add3A_59 = arith.addi %mul3A_2, %add3A_58 : i32
    %dma_start3A_60 = tpu.memref_slice %arg4[%add3A_59] : memref<320000xi32, #tpu.memory_space<hbm>> -> memref<80xi32, #tpu.memory_space<hbm>>
    %dma_start3A_61 = tpu.memref_slice %arg4[%add3A_59] : memref<320000xi32, #tpu.memory_space<hbm>> -> memref<80xi32, #tpu.memory_space<hbm>>
    tpu.enqueue_dma source(%dma_start3A_61 : memref<80xi32, #tpu.memory_space<hbm>>) target(%arg18 : memref<80xi32, #tpu.memory_space<vmem>>) target_semaphore(%arg34 : memref<!tpu.dma_semaphore, #tpu.memory_space<semaphore_mem>>)
    %barrier3A = arith.constant 0 : index
    tpu.barrier barrier_id(%barrier3A)
    %dma_wait3A = tpu.memref_slice %arg3[%mul3A_2] : memref<320000xi32, #tpu.memory_space<hbm>> -> memref<80xi32, #tpu.memory_space<hbm>>
    %dma_wait3A_62 = tpu.memref_slice %arg3[%mul3A_2] : memref<320000xi32, #tpu.memory_space<hbm>> -> memref<80xi32, #tpu.memory_space<hbm>>
    tpu.wait_dma2 semaphore(%arg26 : memref<!tpu.dma_semaphore, #tpu.memory_space<semaphore_mem>>) src(%dma_wait3A_62 : memref<80xi32, #tpu.memory_space<hbm>>) dst(%arg10 : memref<80xi32, #tpu.memory_space<vmem>>)
    %dma_start3A_63 = arith.constant 0 : i32
    %dma_start3A_64 = arith.constant 0 : i32
    %dma_start3A_65 = tpu.memref_slice %arg2[%dma_start3A_63, %dma_start3A_64] : memref<10000x128xf32, #tpu.memory_space<hbm>> -> memref<10000x128xf32, #tpu.memory_space<hbm>>
    tpu.enqueue_indirect_dma source(%dma_start3A_65 : memref<10000x128xf32, #tpu.memory_space<hbm>>) target(%arg7 : memref<80x128xf32, #tpu.memory_space<vmem>>) offsets(%arg10 : memref<80xi32, #tpu.memory_space<vmem>>) semaphore(%arg20 : memref<!tpu.dma_semaphore, #tpu.memory_space<semaphore_mem>>)
    %dma_wait3A_66 = tpu.memref_slice %arg3[%mul3A_2] : memref<320000xi32, #tpu.memory_space<hbm>> -> memref<80xi32, #tpu.memory_space<hbm>>
    %dma_wait3A_67 = tpu.memref_slice %arg3[%mul3A_2] : memref<320000xi32, #tpu.memory_space<hbm>> -> memref<80xi32, #tpu.memory_space<hbm>>
    tpu.wait_dma2 semaphore(%arg27 : memref<!tpu.dma_semaphore, #tpu.memory_space<semaphore_mem>>) src(%dma_wait3A_67 : memref<80xi32, #tpu.memory_space<hbm>>) dst(%arg11 : memref<80xi32, #tpu.memory_space<vmem>>)
    %dma_start3A_68 = arith.constant 0 : i32
    %dma_start3A_69 = arith.constant 0 : i32
    %dma_start3A_70 = tpu.memref_slice %arg2[%dma_start3A_68, %dma_start3A_69] : memref<10000x128xf32, #tpu.memory_space<hbm>> -> memref<10000x128xf32, #tpu.memory_space<hbm>>
    tpu.enqueue_indirect_dma source(%dma_start3A_70 : memref<10000x128xf32, #tpu.memory_space<hbm>>) target(%arg8 : memref<80x128xf32, #tpu.memory_space<vmem>>) offsets(%arg11 : memref<80xi32, #tpu.memory_space<vmem>>) semaphore(%arg21 : memref<!tpu.dma_semaphore, #tpu.memory_space<semaphore_mem>>)
    %dma_wait3A_71 = arith.constant 0 : i32
    %dma_wait3A_72 = arith.constant 0 : i32
    %dma_wait3A_73 = tpu.memref_slice %arg2[%dma_wait3A_71, %dma_wait3A_72] : memref<10000x128xf32, #tpu.memory_space<hbm>> -> memref<10000x128xf32, #tpu.memory_space<hbm>>
    tpu.wait_indirect_dma semaphore(%arg20 : memref<!tpu.dma_semaphore, #tpu.memory_space<semaphore_mem>>) src(%dma_wait3A_73 : memref<10000x128xf32, #tpu.memory_space<hbm>>) dst(%arg7 : memref<80x128xf32, #tpu.memory_space<vmem>>)
    %add3A_74 = arith.constant 320 : i32
    %add3A_75 = arith.addi %mul3A_2, %add3A_74 : i32
    %dma_start3A_76 = tpu.memref_slice %arg3[%add3A_75] : memref<320000xi32, #tpu.memory_space<hbm>> -> memref<80xi32, #tpu.memory_space<hbm>>
    %dma_start3A_77 = tpu.memref_slice %arg3[%add3A_75] : memref<320000xi32, #tpu.memory_space<hbm>> -> memref<80xi32, #tpu.memory_space<hbm>>
    tpu.enqueue_dma source(%dma_start3A_77 : memref<80xi32, #tpu.memory_space<hbm>>) target(%arg10 : memref<80xi32, #tpu.memory_space<vmem>>) target_semaphore(%arg26 : memref<!tpu.dma_semaphore, #tpu.memory_space<semaphore_mem>>)
    %dma_wait3A_78 = tpu.memref_slice %arg3[%mul3A_2] : memref<320000xi32, #tpu.memory_space<hbm>> -> memref<80xi32, #tpu.memory_space<hbm>>
    %dma_wait3A_79 = tpu.memref_slice %arg3[%mul3A_2] : memref<320000xi32, #tpu.memory_space<hbm>> -> memref<80xi32, #tpu.memory_space<hbm>>
    tpu.wait_dma2 semaphore(%arg30 : memref<!tpu.dma_semaphore, #tpu.memory_space<semaphore_mem>>) src(%dma_wait3A_79 : memref<80xi32, #tpu.memory_space<hbm>>) dst(%arg14 : memref<80xi32, #tpu.memory_space<vmem>>)
    %dma_start3A_80 = arith.constant 0 : i32
    %dma_start3A_81 = arith.constant 0 : i32
    %dma_start3A_82 = tpu.memref_slice %arg6[%dma_start3A_80, %dma_start3A_81] : memref<10240x128xf32, #tpu.memory_space<vmem_shared>> -> memref<10240x128xf32, #tpu.memory_space<vmem_shared>>
    tpu.enqueue_indirect_dma source(%arg7 : memref<80x128xf32, #tpu.memory_space<vmem>>) target(%dma_start3A_82 : memref<10240x128xf32, #tpu.memory_space<vmem_shared>>) offsets(%arg14 : memref<80xi32, #tpu.memory_space<vmem>>) semaphore(%arg23 : memref<!tpu.dma_semaphore, #tpu.memory_space<semaphore_mem>>) {add = true}
    %add3A_83 = arith.constant 400 : i32
    %add3A_84 = arith.addi %mul3A_2, %add3A_83 : i32
    %dma_start3A_85 = tpu.memref_slice %arg4[%add3A_84] : memref<320000xi32, #tpu.memory_space<hbm>> -> memref<80xi32, #tpu.memory_space<hbm>>
    %dma_start3A_86 = tpu.memref_slice %arg4[%add3A_84] : memref<320000xi32, #tpu.memory_space<hbm>> -> memref<80xi32, #tpu.memory_space<hbm>>
    tpu.enqueue_dma source(%dma_start3A_86 : memref<80xi32, #tpu.memory_space<hbm>>) target(%arg19 : memref<80xi32, #tpu.memory_space<vmem>>) target_semaphore(%arg35 : memref<!tpu.dma_semaphore, #tpu.memory_space<semaphore_mem>>)
    %dma_wait3A_87 = tpu.memref_slice %arg3[%mul3A_2] : memref<320000xi32, #tpu.memory_space<hbm>> -> memref<80xi32, #tpu.memory_space<hbm>>
    %dma_wait3A_88 = tpu.memref_slice %arg3[%mul3A_2] : memref<320000xi32, #tpu.memory_space<hbm>> -> memref<80xi32, #tpu.memory_space<hbm>>
    tpu.wait_dma2 semaphore(%arg28 : memref<!tpu.dma_semaphore, #tpu.memory_space<semaphore_mem>>) src(%dma_wait3A_88 : memref<80xi32, #tpu.memory_space<hbm>>) dst(%arg12 : memref<80xi32, #tpu.memory_space<vmem>>)
    %dma_start3A_89 = arith.constant 0 : i32
    %dma_start3A_90 = arith.constant 0 : i32
    %dma_start3A_91 = tpu.memref_slice %arg2[%dma_start3A_89, %dma_start3A_90] : memref<10000x128xf32, #tpu.memory_space<hbm>> -> memref<10000x128xf32, #tpu.memory_space<hbm>>
    tpu.enqueue_indirect_dma source(%dma_start3A_91 : memref<10000x128xf32, #tpu.memory_space<hbm>>) target(%arg9 : memref<80x128xf32, #tpu.memory_space<vmem>>) offsets(%arg12 : memref<80xi32, #tpu.memory_space<vmem>>) semaphore(%arg22 : memref<!tpu.dma_semaphore, #tpu.memory_space<semaphore_mem>>)
    %dma_wait3A_92 = arith.constant 0 : i32
    %dma_wait3A_93 = arith.constant 0 : i32
    %dma_wait3A_94 = tpu.memref_slice %arg2[%dma_wait3A_92, %dma_wait3A_93] : memref<10000x128xf32, #tpu.memory_space<hbm>> -> memref<10000x128xf32, #tpu.memory_space<hbm>>
    tpu.wait_indirect_dma semaphore(%arg21 : memref<!tpu.dma_semaphore, #tpu.memory_space<semaphore_mem>>) src(%dma_wait3A_94 : memref<10000x128xf32, #tpu.memory_space<hbm>>) dst(%arg8 : memref<80x128xf32, #tpu.memory_space<vmem>>)
    %add3A_95 = arith.constant 400 : i32
    %add3A_96 = arith.addi %mul3A_2, %add3A_95 : i32
    %dma_start3A_97 = tpu.memref_slice %arg3[%add3A_96] : memref<320000xi32, #tpu.memory_space<hbm>> -> memref<80xi32, #tpu.memory_space<hbm>>
    %dma_start3A_98 = tpu.memref_slice %arg3[%add3A_96] : memref<320000xi32, #tpu.memory_space<hbm>> -> memref<80xi32, #tpu.memory_space<hbm>>
    tpu.enqueue_dma source(%dma_start3A_98 : memref<80xi32, #tpu.memory_space<hbm>>) target(%arg11 : memref<80xi32, #tpu.memory_space<vmem>>) target_semaphore(%arg27 : memref<!tpu.dma_semaphore, #tpu.memory_space<semaphore_mem>>)
    %dma_wait3A_99 = tpu.memref_slice %arg3[%mul3A_2] : memref<320000xi32, #tpu.memory_space<hbm>> -> memref<80xi32, #tpu.memory_space<hbm>>
    %dma_wait3A_100 = tpu.memref_slice %arg3[%mul3A_2] : memref<320000xi32, #tpu.memory_space<hbm>> -> memref<80xi32, #tpu.memory_space<hbm>>
    tpu.wait_dma2 semaphore(%arg31 : memref<!tpu.dma_semaphore, #tpu.memory_space<semaphore_mem>>) src(%dma_wait3A_100 : memref<80xi32, #tpu.memory_space<hbm>>) dst(%arg15 : memref<80xi32, #tpu.memory_space<vmem>>)
    %dma_start3A_101 = arith.constant 0 : i32
    %dma_start3A_102 = arith.constant 0 : i32
    %dma_start3A_103 = tpu.memref_slice %arg6[%dma_start3A_101, %dma_start3A_102] : memref<10240x128xf32, #tpu.memory_space<vmem_shared>> -> memref<10240x128xf32, #tpu.memory_space<vmem_shared>>
    tpu.enqueue_indirect_dma source(%arg8 : memref<80x128xf32, #tpu.memory_space<vmem>>) target(%dma_start3A_103 : memref<10240x128xf32, #tpu.memory_space<vmem_shared>>) offsets(%arg15 : memref<80xi32, #tpu.memory_space<vmem>>) semaphore(%arg24 : memref<!tpu.dma_semaphore, #tpu.memory_space<semaphore_mem>>) {add = true}
    %dma_wait3A_104 = arith.constant 0 : i32
    %dma_wait3A_105 = arith.constant 0 : i32
    %dma_wait3A_106 = tpu.memref_slice %arg2[%dma_wait3A_104, %dma_wait3A_105] : memref<10000x128xf32, #tpu.memory_space<hbm>> -> memref<10000x128xf32, #tpu.memory_space<hbm>>
    tpu.wait_indirect_dma semaphore(%arg23 : memref<!tpu.dma_semaphore, #tpu.memory_space<semaphore_mem>>) src(%dma_wait3A_106 : memref<10000x128xf32, #tpu.memory_space<hbm>>) dst(%arg7 : memref<80x128xf32, #tpu.memory_space<vmem>>)
    %add3A_107 = arith.constant 480 : i32
    %add3A_108 = arith.addi %mul3A_2, %add3A_107 : i32
    %dma_start3A_109 = tpu.memref_slice %arg4[%add3A_108] : memref<320000xi32, #tpu.memory_space<hbm>> -> memref<80xi32, #tpu.memory_space<hbm>>
    %dma_start3A_110 = tpu.memref_slice %arg4[%add3A_108] : memref<320000xi32, #tpu.memory_space<hbm>> -> memref<80xi32, #tpu.memory_space<hbm>>
    tpu.enqueue_dma source(%dma_start3A_110 : memref<80xi32, #tpu.memory_space<hbm>>) target(%arg14 : memref<80xi32, #tpu.memory_space<vmem>>) target_semaphore(%arg30 : memref<!tpu.dma_semaphore, #tpu.memory_space<semaphore_mem>>)
    %dma_wait3A_111 = tpu.memref_slice %arg3[%mul3A_2] : memref<320000xi32, #tpu.memory_space<hbm>> -> memref<80xi32, #tpu.memory_space<hbm>>
    %dma_wait3A_112 = tpu.memref_slice %arg3[%mul3A_2] : memref<320000xi32, #tpu.memory_space<hbm>> -> memref<80xi32, #tpu.memory_space<hbm>>
    tpu.wait_dma2 semaphore(%arg29 : memref<!tpu.dma_semaphore, #tpu.memory_space<semaphore_mem>>) src(%dma_wait3A_112 : memref<80xi32, #tpu.memory_space<hbm>>) dst(%arg13 : memref<80xi32, #tpu.memory_space<vmem>>)
    %dma_start3A_113 = arith.constant 0 : i32
    %dma_start3A_114 = arith.constant 0 : i32
    %dma_start3A_115 = tpu.memref_slice %arg2[%dma_start3A_113, %dma_start3A_114] : memref<10000x128xf32, #tpu.memory_space<hbm>> -> memref<10000x128xf32, #tpu.memory_space<hbm>>
    tpu.enqueue_indirect_dma source(%dma_start3A_115 : memref<10000x128xf32, #tpu.memory_space<hbm>>) target(%arg7 : memref<80x128xf32, #tpu.memory_space<vmem>>) offsets(%arg13 : memref<80xi32, #tpu.memory_space<vmem>>) semaphore(%arg20 : memref<!tpu.dma_semaphore, #tpu.memory_space<semaphore_mem>>)
    %scan3A_116 = arith.constant 0 : i32
    %scan3A_117 = arith.constant 0 : i32
    %scan3A_118 = arith.constant 9 : i32
    %scan3A_119 = arith.addi %scan3A_117, %scan3A_118 : i32
    %scan3A_120 = arith.constant 1 : i32
    scf.for %scan3A_440 = %scan3A_117 to %scan3A_119 step %scan3A_120  : i32 {
      %mul3A_441 = arith.constant 12 : i32
      %mul3A_442 = arith.muli %mul3A_441, %scan3A_440 : i32
      %add3A_443 = arith.constant 2 : i32
      %add3A_444 = arith.addi %mul3A_442, %add3A_443 : i32
      %add3A_445 = arith.constant 0 : i32
      %add3A_446 = arith.addi %add3A_444, %add3A_445 : i32
      %dma_wait3A_447 = arith.constant 0 : i32
      %dma_wait3A_448 = arith.constant 0 : i32
      %dma_wait3A_449 = tpu.memref_slice %arg2[%dma_wait3A_447, %dma_wait3A_448] : memref<10000x128xf32, #tpu.memory_space<hbm>> -> memref<10000x128xf32, #tpu.memory_space<hbm>>
      tpu.wait_indirect_dma semaphore(%arg22 : memref<!tpu.dma_semaphore, #tpu.memory_space<semaphore_mem>>) src(%dma_wait3A_449 : memref<10000x128xf32, #tpu.memory_space<hbm>>) dst(%arg9 : memref<80x128xf32, #tpu.memory_space<vmem>>)
      %add3A_450 = arith.constant 4 : i32
      %add3A_451 = arith.addi %add3A_446, %add3A_450 : i32
      %mul3A_452 = arith.constant 80 : i32
      %mul3A_453 = arith.muli %add3A_451, %mul3A_452 : i32
      %add3A_454 = arith.addi %mul3A_2, %mul3A_453 : i32
      %dma_start3A_455 = tpu.memref_slice %arg3[%add3A_454] : memref<320000xi32, #tpu.memory_space<hbm>> -> memref<80xi32, #tpu.memory_space<hbm>>
      %dma_start3A_456 = tpu.memref_slice %arg3[%add3A_454] : memref<320000xi32, #tpu.memory_space<hbm>> -> memref<80xi32, #tpu.memory_space<hbm>>
      tpu.enqueue_dma source(%dma_start3A_456 : memref<80xi32, #tpu.memory_space<hbm>>) target(%arg12 : memref<80xi32, #tpu.memory_space<vmem>>) target_semaphore(%arg28 : memref<!tpu.dma_semaphore, #tpu.memory_space<semaphore_mem>>)
      %dma_wait3A_457 = tpu.memref_slice %arg3[%mul3A_2] : memref<320000xi32, #tpu.memory_space<hbm>> -> memref<80xi32, #tpu.memory_space<hbm>>
      %dma_wait3A_458 = tpu.memref_slice %arg3[%mul3A_2] : memref<320000xi32, #tpu.memory_space<hbm>> -> memref<80xi32, #tpu.memory_space<hbm>>
      tpu.wait_dma2 semaphore(%arg32 : memref<!tpu.dma_semaphore, #tpu.memory_space<semaphore_mem>>) src(%dma_wait3A_458 : memref<80xi32, #tpu.memory_space<hbm>>) dst(%arg16 : memref<80xi32, #tpu.memory_space<vmem>>)
      %dma_start3A_459 = arith.constant 0 : i32
      %dma_start3A_460 = arith.constant 0 : i32
      %dma_start3A_461 = tpu.memref_slice %arg6[%dma_start3A_459, %dma_start3A_460] : memref<10240x128xf32, #tpu.memory_space<vmem_shared>> -> memref<10240x128xf32, #tpu.memory_space<vmem_shared>>
      tpu.enqueue_indirect_dma source(%arg9 : memref<80x128xf32, #tpu.memory_space<vmem>>) target(%dma_start3A_461 : memref<10240x128xf32, #tpu.memory_space<vmem_shared>>) offsets(%arg16 : memref<80xi32, #tpu.memory_space<vmem>>) semaphore(%arg25 : memref<!tpu.dma_semaphore, #tpu.memory_space<semaphore_mem>>) {add = true}
      %dma_wait3A_462 = arith.constant 0 : i32
      %dma_wait3A_463 = arith.constant 0 : i32
      %dma_wait3A_464 = tpu.memref_slice %arg2[%dma_wait3A_462, %dma_wait3A_463] : memref<10000x128xf32, #tpu.memory_space<hbm>> -> memref<10000x128xf32, #tpu.memory_space<hbm>>
      tpu.wait_indirect_dma semaphore(%arg24 : memref<!tpu.dma_semaphore, #tpu.memory_space<semaphore_mem>>) src(%dma_wait3A_464 : memref<10000x128xf32, #tpu.memory_space<hbm>>) dst(%arg8 : memref<80x128xf32, #tpu.memory_space<vmem>>)
      %add3A_465 = arith.constant 5 : i32
      %add3A_466 = arith.addi %add3A_446, %add3A_465 : i32
      %mul3A_467 = arith.constant 80 : i32
      %mul3A_468 = arith.muli %add3A_466, %mul3A_467 : i32
      %add3A_469 = arith.addi %mul3A_2, %mul3A_468 : i32
      %dma_start3A_470 = tpu.memref_slice %arg4[%add3A_469] : memref<320000xi32, #tpu.memory_space<hbm>> -> memref<80xi32, #tpu.memory_space<hbm>>
      %dma_start3A_471 = tpu.memref_slice %arg4[%add3A_469] : memref<320000xi32, #tpu.memory_space<hbm>> -> memref<80xi32, #tpu.memory_space<hbm>>
      tpu.enqueue_dma source(%dma_start3A_471 : memref<80xi32, #tpu.memory_space<hbm>>) target(%arg15 : memref<80xi32, #tpu.memory_space<vmem>>) target_semaphore(%arg31 : memref<!tpu.dma_semaphore, #tpu.memory_space<semaphore_mem>>)
      %dma_wait3A_472 = tpu.memref_slice %arg3[%mul3A_2] : memref<320000xi32, #tpu.memory_space<hbm>> -> memref<80xi32, #tpu.memory_space<hbm>>
      %dma_wait3A_473 = tpu.memref_slice %arg3[%mul3A_2] : memref<320000xi32, #tpu.memory_space<hbm>> -> memref<80xi32, #tpu.memory_space<hbm>>
      tpu.wait_dma2 semaphore(%arg26 : memref<!tpu.dma_semaphore, #tpu.memory_space<semaphore_mem>>) src(%dma_wait3A_473 : memref<80xi32, #tpu.memory_space<hbm>>) dst(%arg10 : memref<80xi32, #tpu.memory_space<vmem>>)
      %dma_start3A_474 = arith.constant 0 : i32
      %dma_start3A_475 = arith.constant 0 : i32
      %dma_start3A_476 = tpu.memref_slice %arg2[%dma_start3A_474, %dma_start3A_475] : memref<10000x128xf32, #tpu.memory_space<hbm>> -> memref<10000x128xf32, #tpu.memory_space<hbm>>
      tpu.enqueue_indirect_dma source(%dma_start3A_476 : memref<10000x128xf32, #tpu.memory_space<hbm>>) target(%arg8 : memref<80x128xf32, #tpu.memory_space<vmem>>) offsets(%arg10 : memref<80xi32, #tpu.memory_space<vmem>>) semaphore(%arg21 : memref<!tpu.dma_semaphore, #tpu.memory_space<semaphore_mem>>)
      %mul3A_477 = arith.constant 12 : i32
      %mul3A_478 = arith.muli %mul3A_477, %scan3A_440 : i32
      %add3A_479 = arith.constant 2 : i32
      %add3A_480 = arith.addi %mul3A_478, %add3A_479 : i32
      %add3A_481 = arith.constant 1 : i32
      %add3A_482 = arith.addi %add3A_480, %add3A_481 : i32
      %dma_wait3A_483 = arith.constant 0 : i32
      %dma_wait3A_484 = arith.constant 0 : i32
      %dma_wait3A_485 = tpu.memref_slice %arg2[%dma_wait3A_483, %dma_wait3A_484] : memref<10000x128xf32, #tpu.memory_space<hbm>> -> memref<10000x128xf32, #tpu.memory_space<hbm>>
      tpu.wait_indirect_dma semaphore(%arg20 : memref<!tpu.dma_semaphore, #tpu.memory_space<semaphore_mem>>) src(%dma_wait3A_485 : memref<10000x128xf32, #tpu.memory_space<hbm>>) dst(%arg7 : memref<80x128xf32, #tpu.memory_space<vmem>>)
      %add3A_486 = arith.constant 4 : i32
      %add3A_487 = arith.addi %add3A_482, %add3A_486 : i32
      %mul3A_488 = arith.constant 80 : i32
      %mul3A_489 = arith.muli %add3A_487, %mul3A_488 : i32
      %add3A_490 = arith.addi %mul3A_2, %mul3A_489 : i32
      %dma_start3A_491 = tpu.memref_slice %arg3[%add3A_490] : memref<320000xi32, #tpu.memory_space<hbm>> -> memref<80xi32, #tpu.memory_space<hbm>>
      %dma_start3A_492 = tpu.memref_slice %arg3[%add3A_490] : memref<320000xi32, #tpu.memory_space<hbm>> -> memref<80xi32, #tpu.memory_space<hbm>>
      tpu.enqueue_dma source(%dma_start3A_492 : memref<80xi32, #tpu.memory_space<hbm>>) target(%arg13 : memref<80xi32, #tpu.memory_space<vmem>>) target_semaphore(%arg29 : memref<!tpu.dma_semaphore, #tpu.memory_space<semaphore_mem>>)
      %dma_wait3A_493 = tpu.memref_slice %arg3[%mul3A_2] : memref<320000xi32, #tpu.memory_space<hbm>> -> memref<80xi32, #tpu.memory_space<hbm>>
      %dma_wait3A_494 = tpu.memref_slice %arg3[%mul3A_2] : memref<320000xi32, #tpu.memory_space<hbm>> -> memref<80xi32, #tpu.memory_space<hbm>>
      tpu.wait_dma2 semaphore(%arg33 : memref<!tpu.dma_semaphore, #tpu.memory_space<semaphore_mem>>) src(%dma_wait3A_494 : memref<80xi32, #tpu.memory_space<hbm>>) dst(%arg17 : memref<80xi32, #tpu.memory_space<vmem>>)
      %dma_start3A_495 = arith.constant 0 : i32
      %dma_start3A_496 = arith.constant 0 : i32
      %dma_start3A_497 = tpu.memref_slice %arg6[%dma_start3A_495, %dma_start3A_496] : memref<10240x128xf32, #tpu.memory_space<vmem_shared>> -> memref<10240x128xf32, #tpu.memory_space<vmem_shared>>
      tpu.enqueue_indirect_dma source(%arg7 : memref<80x128xf32, #tpu.memory_space<vmem>>) target(%dma_start3A_497 : memref<10240x128xf32, #tpu.memory_space<vmem_shared>>) offsets(%arg17 : memref<80xi32, #tpu.memory_space<vmem>>) semaphore(%arg23 : memref<!tpu.dma_semaphore, #tpu.memory_space<semaphore_mem>>) {add = true}
      %dma_wait3A_498 = arith.constant 0 : i32
      %dma_wait3A_499 = arith.constant 0 : i32
      %dma_wait3A_500 = tpu.memref_slice %arg2[%dma_wait3A_498, %dma_wait3A_499] : memref<10000x128xf32, #tpu.memory_space<hbm>> -> memref<10000x128xf32, #tpu.memory_space<hbm>>
      tpu.wait_indirect_dma semaphore(%arg25 : memref<!tpu.dma_semaphore, #tpu.memory_space<semaphore_mem>>) src(%dma_wait3A_500 : memref<10000x128xf32, #tpu.memory_space<hbm>>) dst(%arg9 : memref<80x128xf32, #tpu.memory_space<vmem>>)
      %add3A_501 = arith.constant 5 : i32
      %add3A_502 = arith.addi %add3A_482, %add3A_501 : i32
      %mul3A_503 = arith.constant 80 : i32
      %mul3A_504 = arith.muli %add3A_502, %mul3A_503 : i32
      %add3A_505 = arith.addi %mul3A_2, %mul3A_504 : i32
      %dma_start3A_506 = tpu.memref_slice %arg4[%add3A_505] : memref<320000xi32, #tpu.memory_space<hbm>> -> memref<80xi32, #tpu.memory_space<hbm>>
      %dma_start3A_507 = tpu.memref_slice %arg4[%add3A_505] : memref<320000xi32, #tpu.memory_space<hbm>> -> memref<80xi32, #tpu.memory_space<hbm>>
      tpu.enqueue_dma source(%dma_start3A_507 : memref<80xi32, #tpu.memory_space<hbm>>) target(%arg16 : memref<80xi32, #tpu.memory_space<vmem>>) target_semaphore(%arg32 : memref<!tpu.dma_semaphore, #tpu.memory_space<semaphore_mem>>)
      %dma_wait3A_508 = tpu.memref_slice %arg3[%mul3A_2] : memref<320000xi32, #tpu.memory_space<hbm>> -> memref<80xi32, #tpu.memory_space<hbm>>
      %dma_wait3A_509 = tpu.memref_slice %arg3[%mul3A_2] : memref<320000xi32, #tpu.memory_space<hbm>> -> memref<80xi32, #tpu.memory_space<hbm>>
      tpu.wait_dma2 semaphore(%arg27 : memref<!tpu.dma_semaphore, #tpu.memory_space<semaphore_mem>>) src(%dma_wait3A_509 : memref<80xi32, #tpu.memory_space<hbm>>) dst(%arg11 : memref<80xi32, #tpu.memory_space<vmem>>)
      %dma_start3A_510 = arith.constant 0 : i32
      %dma_start3A_511 = arith.constant 0 : i32
      %dma_start3A_512 = tpu.memref_slice %arg2[%dma_start3A_510, %dma_start3A_511] : memref<10000x128xf32, #tpu.memory_space<hbm>> -> memref<10000x128xf32, #tpu.memory_space<hbm>>
      tpu.enqueue_indirect_dma source(%dma_start3A_512 : memref<10000x128xf32, #tpu.memory_space<hbm>>) target(%arg9 : memref<80x128xf32, #tpu.memory_space<vmem>>) offsets(%arg11 : memref<80xi32, #tpu.memory_space<vmem>>) semaphore(%arg22 : memref<!tpu.dma_semaphore, #tpu.memory_space<semaphore_mem>>)
      %mul3A_513 = arith.constant 12 : i32
      %mul3A_514 = arith.muli %mul3A_513, %scan3A_440 : i32
      %add3A_515 = arith.constant 2 : i32
      %add3A_516 = arith.addi %mul3A_514, %add3A_515 : i32
      %add3A_517 = arith.constant 2 : i32
      %add3A_518 = arith.addi %add3A_516, %add3A_517 : i32
      %dma_wait3A_519 = arith.constant 0 : i32
      %dma_wait3A_520 = arith.constant 0 : i32
      %dma_wait3A_521 = tpu.memref_slice %arg2[%dma_wait3A_519, %dma_wait3A_520] : memref<10000x128xf32, #tpu.memory_space<hbm>> -> memref<10000x128xf32, #tpu.memory_space<hbm>>
      tpu.wait_indirect_dma semaphore(%arg21 : memref<!tpu.dma_semaphore, #tpu.memory_space<semaphore_mem>>) src(%dma_wait3A_521 : memref<10000x128xf32, #tpu.memory_space<hbm>>) dst(%arg8 : memref<80x128xf32, #tpu.memory_space<vmem>>)
      %add3A_522 = arith.constant 4 : i32
      %add3A_523 = arith.addi %add3A_518, %add3A_522 : i32
      %mul3A_524 = arith.constant 80 : i32
      %mul3A_525 = arith.muli %add3A_523, %mul3A_524 : i32
      %add3A_526 = arith.addi %mul3A_2, %mul3A_525 : i32
      %dma_start3A_527 = tpu.memref_slice %arg3[%add3A_526] : memref<320000xi32, #tpu.memory_space<hbm>> -> memref<80xi32, #tpu.memory_space<hbm>>
      %dma_start3A_528 = tpu.memref_slice %arg3[%add3A_526] : memref<320000xi32, #tpu.memory_space<hbm>> -> memref<80xi32, #tpu.memory_space<hbm>>
      tpu.enqueue_dma source(%dma_start3A_528 : memref<80xi32, #tpu.memory_space<hbm>>) target(%arg10 : memref<80xi32, #tpu.memory_space<vmem>>) target_semaphore(%arg26 : memref<!tpu.dma_semaphore, #tpu.memory_space<semaphore_mem>>)
      %dma_wait3A_529 = tpu.memref_slice %arg3[%mul3A_2] : memref<320000xi32, #tpu.memory_space<hbm>> -> memref<80xi32, #tpu.memory_space<hbm>>
      %dma_wait3A_530 = tpu.memref_slice %arg3[%mul3A_2] : memref<320000xi32, #tpu.memory_space<hbm>> -> memref<80xi32, #tpu.memory_space<hbm>>
      tpu.wait_dma2 semaphore(%arg34 : memref<!tpu.dma_semaphore, #tpu.memory_space<semaphore_mem>>) src(%dma_wait3A_530 : memref<80xi32, #tpu.memory_space<hbm>>) dst(%arg18 : memref<80xi32, #tpu.memory_space<vmem>>)
      %dma_start3A_531 = arith.constant 0 : i32
      %dma_start3A_532 = arith.constant 0 : i32
      %dma_start3A_533 = tpu.memref_slice %arg6[%dma_start3A_531, %dma_start3A_532] : memref<10240x128xf32, #tpu.memory_space<vmem_shared>> -> memref<10240x128xf32, #tpu.memory_space<vmem_shared>>
      tpu.enqueue_indirect_dma source(%arg8 : memref<80x128xf32, #tpu.memory_space<vmem>>) target(%dma_start3A_533 : memref<10240x128xf32, #tpu.memory_space<vmem_shared>>) offsets(%arg18 : memref<80xi32, #tpu.memory_space<vmem>>) semaphore(%arg24 : memref<!tpu.dma_semaphore, #tpu.memory_space<semaphore_mem>>) {add = true}
      %dma_wait3A_534 = arith.constant 0 : i32
      %dma_wait3A_535 = arith.constant 0 : i32
      %dma_wait3A_536 = tpu.memref_slice %arg2[%dma_wait3A_534, %dma_wait3A_535] : memref<10000x128xf32, #tpu.memory_space<hbm>> -> memref<10000x128xf32, #tpu.memory_space<hbm>>
      tpu.wait_indirect_dma semaphore(%arg23 : memref<!tpu.dma_semaphore, #tpu.memory_space<semaphore_mem>>) src(%dma_wait3A_536 : memref<10000x128xf32, #tpu.memory_space<hbm>>) dst(%arg7 : memref<80x128xf32, #tpu.memory_space<vmem>>)
      %add3A_537 = arith.constant 5 : i32
      %add3A_538 = arith.addi %add3A_518, %add3A_537 : i32
      %mul3A_539 = arith.constant 80 : i32
      %mul3A_540 = arith.muli %add3A_538, %mul3A_539 : i32
      %add3A_541 = arith.addi %mul3A_2, %mul3A_540 : i32
      %dma_start3A_542 = tpu.memref_slice %arg4[%add3A_541] : memref<320000xi32, #tpu.memory_space<hbm>> -> memref<80xi32, #tpu.memory_space<hbm>>
      %dma_start3A_543 = tpu.memref_slice %arg4[%add3A_541] : memref<320000xi32, #tpu.memory_space<hbm>> -> memref<80xi32, #tpu.memory_space<hbm>>
      tpu.enqueue_dma source(%dma_start3A_543 : memref<80xi32, #tpu.memory_space<hbm>>) target(%arg17 : memref<80xi32, #tpu.memory_space<vmem>>) target_semaphore(%arg33 : memref<!tpu.dma_semaphore, #tpu.memory_space<semaphore_mem>>)
      %dma_wait3A_544 = tpu.memref_slice %arg3[%mul3A_2] : memref<320000xi32, #tpu.memory_space<hbm>> -> memref<80xi32, #tpu.memory_space<hbm>>
      %dma_wait3A_545 = tpu.memref_slice %arg3[%mul3A_2] : memref<320000xi32, #tpu.memory_space<hbm>> -> memref<80xi32, #tpu.memory_space<hbm>>
      tpu.wait_dma2 semaphore(%arg28 : memref<!tpu.dma_semaphore, #tpu.memory_space<semaphore_mem>>) src(%dma_wait3A_545 : memref<80xi32, #tpu.memory_space<hbm>>) dst(%arg12 : memref<80xi32, #tpu.memory_space<vmem>>)
      %dma_start3A_546 = arith.constant 0 : i32
      %dma_start3A_547 = arith.constant 0 : i32
      %dma_start3A_548 = tpu.memref_slice %arg2[%dma_start3A_546, %dma_start3A_547] : memref<10000x128xf32, #tpu.memory_space<hbm>> -> memref<10000x128xf32, #tpu.memory_space<hbm>>
      tpu.enqueue_indirect_dma source(%dma_start3A_548 : memref<10000x128xf32, #tpu.memory_space<hbm>>) target(%arg7 : memref<80x128xf32, #tpu.memory_space<vmem>>) offsets(%arg12 : memref<80xi32, #tpu.memory_space<vmem>>) semaphore(%arg20 : memref<!tpu.dma_semaphore, #tpu.memory_space<semaphore_mem>>)
      %mul3A_549 = arith.constant 12 : i32
      %mul3A_550 = arith.muli %mul3A_549, %scan3A_440 : i32
      %add3A_551 = arith.constant 2 : i32
      %add3A_552 = arith.addi %mul3A_550, %add3A_551 : i32
      %add3A_553 = arith.constant 3 : i32
      %add3A_554 = arith.addi %add3A_552, %add3A_553 : i32
      %dma_wait3A_555 = arith.constant 0 : i32
      %dma_wait3A_556 = arith.constant 0 : i32
      %dma_wait3A_557 = tpu.memref_slice %arg2[%dma_wait3A_555, %dma_wait3A_556] : memref<10000x128xf32, #tpu.memory_space<hbm>> -> memref<10000x128xf32, #tpu.memory_space<hbm>>
      tpu.wait_indirect_dma semaphore(%arg22 : memref<!tpu.dma_semaphore, #tpu.memory_space<semaphore_mem>>) src(%dma_wait3A_557 : memref<10000x128xf32, #tpu.memory_space<hbm>>) dst(%arg9 : memref<80x128xf32, #tpu.memory_space<vmem>>)
      %add3A_558 = arith.constant 4 : i32
      %add3A_559 = arith.addi %add3A_554, %add3A_558 : i32
      %mul3A_560 = arith.constant 80 : i32
      %mul3A_561 = arith.muli %add3A_559, %mul3A_560 : i32
      %add3A_562 = arith.addi %mul3A_2, %mul3A_561 : i32
      %dma_start3A_563 = tpu.memref_slice %arg3[%add3A_562] : memref<320000xi32, #tpu.memory_space<hbm>> -> memref<80xi32, #tpu.memory_space<hbm>>
      %dma_start3A_564 = tpu.memref_slice %arg3[%add3A_562] : memref<320000xi32, #tpu.memory_space<hbm>> -> memref<80xi32, #tpu.memory_space<hbm>>
      tpu.enqueue_dma source(%dma_start3A_564 : memref<80xi32, #tpu.memory_space<hbm>>) target(%arg11 : memref<80xi32, #tpu.memory_space<vmem>>) target_semaphore(%arg27 : memref<!tpu.dma_semaphore, #tpu.memory_space<semaphore_mem>>)
      %dma_wait3A_565 = tpu.memref_slice %arg3[%mul3A_2] : memref<320000xi32, #tpu.memory_space<hbm>> -> memref<80xi32, #tpu.memory_space<hbm>>
      %dma_wait3A_566 = tpu.memref_slice %arg3[%mul3A_2] : memref<320000xi32, #tpu.memory_space<hbm>> -> memref<80xi32, #tpu.memory_space<hbm>>
      tpu.wait_dma2 semaphore(%arg35 : memref<!tpu.dma_semaphore, #tpu.memory_space<semaphore_mem>>) src(%dma_wait3A_566 : memref<80xi32, #tpu.memory_space<hbm>>) dst(%arg19 : memref<80xi32, #tpu.memory_space<vmem>>)
      %dma_start3A_567 = arith.constant 0 : i32
      %dma_start3A_568 = arith.constant 0 : i32
      %dma_start3A_569 = tpu.memref_slice %arg6[%dma_start3A_567, %dma_start3A_568] : memref<10240x128xf32, #tpu.memory_space<vmem_shared>> -> memref<10240x128xf32, #tpu.memory_space<vmem_shared>>
      tpu.enqueue_indirect_dma source(%arg9 : memref<80x128xf32, #tpu.memory_space<vmem>>) target(%dma_start3A_569 : memref<10240x128xf32, #tpu.memory_space<vmem_shared>>) offsets(%arg19 : memref<80xi32, #tpu.memory_space<vmem>>) semaphore(%arg25 : memref<!tpu.dma_semaphore, #tpu.memory_space<semaphore_mem>>) {add = true}
      %dma_wait3A_570 = arith.constant 0 : i32
      %dma_wait3A_571 = arith.constant 0 : i32
      %dma_wait3A_572 = tpu.memref_slice %arg2[%dma_wait3A_570, %dma_wait3A_571] : memref<10000x128xf32, #tpu.memory_space<hbm>> -> memref<10000x128xf32, #tpu.memory_space<hbm>>
      tpu.wait_indirect_dma semaphore(%arg24 : memref<!tpu.dma_semaphore, #tpu.memory_space<semaphore_mem>>) src(%dma_wait3A_572 : memref<10000x128xf32, #tpu.memory_space<hbm>>) dst(%arg8 : memref<80x128xf32, #tpu.memory_space<vmem>>)
      %add3A_573 = arith.constant 5 : i32
      %add3A_574 = arith.addi %add3A_554, %add3A_573 : i32
      %mul3A_575 = arith.constant 80 : i32
      %mul3A_576 = arith.muli %add3A_574, %mul3A_575 : i32
      %add3A_577 = arith.addi %mul3A_2, %mul3A_576 : i32
      %dma_start3A_578 = tpu.memref_slice %arg4[%add3A_577] : memref<320000xi32, #tpu.memory_space<hbm>> -> memref<80xi32, #tpu.memory_space<hbm>>
      %dma_start3A_579 = tpu.memref_slice %arg4[%add3A_577] : memref<320000xi32, #tpu.memory_space<hbm>> -> memref<80xi32, #tpu.memory_space<hbm>>
      tpu.enqueue_dma source(%dma_start3A_579 : memref<80xi32, #tpu.memory_space<hbm>>) target(%arg18 : memref<80xi32, #tpu.memory_space<vmem>>) target_semaphore(%arg34 : memref<!tpu.dma_semaphore, #tpu.memory_space<semaphore_mem>>)
      %dma_wait3A_580 = tpu.memref_slice %arg3[%mul3A_2] : memref<320000xi32, #tpu.memory_space<hbm>> -> memref<80xi32, #tpu.memory_space<hbm>>
      %dma_wait3A_581 = tpu.memref_slice %arg3[%mul3A_2] : memref<320000xi32, #tpu.memory_space<hbm>> -> memref<80xi32, #tpu.memory_space<hbm>>
      tpu.wait_dma2 semaphore(%arg29 : memref<!tpu.dma_semaphore, #tpu.memory_space<semaphore_mem>>) src(%dma_wait3A_581 : memref<80xi32, #tpu.memory_space<hbm>>) dst(%arg13 : memref<80xi32, #tpu.memory_space<vmem>>)
      %dma_start3A_582 = arith.constant 0 : i32
      %dma_start3A_583 = arith.constant 0 : i32
      %dma_start3A_584 = tpu.memref_slice %arg2[%dma_start3A_582, %dma_start3A_583] : memref<10000x128xf32, #tpu.memory_space<hbm>> -> memref<10000x128xf32, #tpu.memory_space<hbm>>
      tpu.enqueue_indirect_dma source(%dma_start3A_584 : memref<10000x128xf32, #tpu.memory_space<hbm>>) target(%arg8 : memref<80x128xf32, #tpu.memory_space<vmem>>) offsets(%arg13 : memref<80xi32, #tpu.memory_space<vmem>>) semaphore(%arg21 : memref<!tpu.dma_semaphore, #tpu.memory_space<semaphore_mem>>)
      %mul3A_585 = arith.constant 12 : i32
      %mul3A_586 = arith.muli %mul3A_585, %scan3A_440 : i32
      %add3A_587 = arith.constant 2 : i32
      %add3A_588 = arith.addi %mul3A_586, %add3A_587 : i32
      %add3A_589 = arith.constant 4 : i32
      %add3A_590 = arith.addi %add3A_588, %add3A_589 : i32
      %dma_wait3A_591 = arith.constant 0 : i32
      %dma_wait3A_592 = arith.constant 0 : i32
      %dma_wait3A_593 = tpu.memref_slice %arg2[%dma_wait3A_591, %dma_wait3A_592] : memref<10000x128xf32, #tpu.memory_space<hbm>> -> memref<10000x128xf32, #tpu.memory_space<hbm>>
      tpu.wait_indirect_dma semaphore(%arg20 : memref<!tpu.dma_semaphore, #tpu.memory_space<semaphore_mem>>) src(%dma_wait3A_593 : memref<10000x128xf32, #tpu.memory_space<hbm>>) dst(%arg7 : memref<80x128xf32, #tpu.memory_space<vmem>>)
      %add3A_594 = arith.constant 4 : i32
      %add3A_595 = arith.addi %add3A_590, %add3A_594 : i32
      %mul3A_596 = arith.constant 80 : i32
      %mul3A_597 = arith.muli %add3A_595, %mul3A_596 : i32
      %add3A_598 = arith.addi %mul3A_2, %mul3A_597 : i32
      %dma_start3A_599 = tpu.memref_slice %arg3[%add3A_598] : memref<320000xi32, #tpu.memory_space<hbm>> -> memref<80xi32, #tpu.memory_space<hbm>>
      %dma_start3A_600 = tpu.memref_slice %arg3[%add3A_598] : memref<320000xi32, #tpu.memory_space<hbm>> -> memref<80xi32, #tpu.memory_space<hbm>>
      tpu.enqueue_dma source(%dma_start3A_600 : memref<80xi32, #tpu.memory_space<hbm>>) target(%arg12 : memref<80xi32, #tpu.memory_space<vmem>>) target_semaphore(%arg28 : memref<!tpu.dma_semaphore, #tpu.memory_space<semaphore_mem>>)
      %dma_wait3A_601 = tpu.memref_slice %arg3[%mul3A_2] : memref<320000xi32, #tpu.memory_space<hbm>> -> memref<80xi32, #tpu.memory_space<hbm>>
      %dma_wait3A_602 = tpu.memref_slice %arg3[%mul3A_2] : memref<320000xi32, #tpu.memory_space<hbm>> -> memref<80xi32, #tpu.memory_space<hbm>>
      tpu.wait_dma2 semaphore(%arg30 : memref<!tpu.dma_semaphore, #tpu.memory_space<semaphore_mem>>) src(%dma_wait3A_602 : memref<80xi32, #tpu.memory_space<hbm>>) dst(%arg14 : memref<80xi32, #tpu.memory_space<vmem>>)
      %dma_start3A_603 = arith.constant 0 : i32
      %dma_start3A_604 = arith.constant 0 : i32
      %dma_start3A_605 = tpu.memref_slice %arg6[%dma_start3A_603, %dma_start3A_604] : memref<10240x128xf32, #tpu.memory_space<vmem_shared>> -> memref<10240x128xf32, #tpu.memory_space<vmem_shared>>
      tpu.enqueue_indirect_dma source(%arg7 : memref<80x128xf32, #tpu.memory_space<vmem>>) target(%dma_start3A_605 : memref<10240x128xf32, #tpu.memory_space<vmem_shared>>) offsets(%arg14 : memref<80xi32, #tpu.memory_space<vmem>>) semaphore(%arg23 : memref<!tpu.dma_semaphore, #tpu.memory_space<semaphore_mem>>) {add = true}
      %dma_wait3A_606 = arith.constant 0 : i32
      %dma_wait3A_607 = arith.constant 0 : i32
      %dma_wait3A_608 = tpu.memref_slice %arg2[%dma_wait3A_606, %dma_wait3A_607] : memref<10000x128xf32, #tpu.memory_space<hbm>> -> memref<10000x128xf32, #tpu.memory_space<hbm>>
      tpu.wait_indirect_dma semaphore(%arg25 : memref<!tpu.dma_semaphore, #tpu.memory_space<semaphore_mem>>) src(%dma_wait3A_608 : memref<10000x128xf32, #tpu.memory_space<hbm>>) dst(%arg9 : memref<80x128xf32, #tpu.memory_space<vmem>>)
      %add3A_609 = arith.constant 5 : i32
      %add3A_610 = arith.addi %add3A_590, %add3A_609 : i32
      %mul3A_611 = arith.constant 80 : i32
      %mul3A_612 = arith.muli %add3A_610, %mul3A_611 : i32
      %add3A_613 = arith.addi %mul3A_2, %mul3A_612 : i32
      %dma_start3A_614 = tpu.memref_slice %arg4[%add3A_613] : memref<320000xi32, #tpu.memory_space<hbm>> -> memref<80xi32, #tpu.memory_space<hbm>>
      %dma_start3A_615 = tpu.memref_slice %arg4[%add3A_613] : memref<320000xi32, #tpu.memory_space<hbm>> -> memref<80xi32, #tpu.memory_space<hbm>>
      tpu.enqueue_dma source(%dma_start3A_615 : memref<80xi32, #tpu.memory_space<hbm>>) target(%arg19 : memref<80xi32, #tpu.memory_space<vmem>>) target_semaphore(%arg35 : memref<!tpu.dma_semaphore, #tpu.memory_space<semaphore_mem>>)
      %dma_wait3A_616 = tpu.memref_slice %arg3[%mul3A_2] : memref<320000xi32, #tpu.memory_space<hbm>> -> memref<80xi32, #tpu.memory_space<hbm>>
      %dma_wait3A_617 = tpu.memref_slice %arg3[%mul3A_2] : memref<320000xi32, #tpu.memory_space<hbm>> -> memref<80xi32, #tpu.memory_space<hbm>>
      tpu.wait_dma2 semaphore(%arg26 : memref<!tpu.dma_semaphore, #tpu.memory_space<semaphore_mem>>) src(%dma_wait3A_617 : memref<80xi32, #tpu.memory_space<hbm>>) dst(%arg10 : memref<80xi32, #tpu.memory_space<vmem>>)
      %dma_start3A_618 = arith.constant 0 : i32
      %dma_start3A_619 = arith.constant 0 : i32
      %dma_start3A_620 = tpu.memref_slice %arg2[%dma_start3A_618, %dma_start3A_619] : memref<10000x128xf32, #tpu.memory_space<hbm>> -> memref<10000x128xf32, #tpu.memory_space<hbm>>
      tpu.enqueue_indirect_dma source(%dma_start3A_620 : memref<10000x128xf32, #tpu.memory_space<hbm>>) target(%arg9 : memref<80x128xf32, #tpu.memory_space<vmem>>) offsets(%arg10 : memref<80xi32, #tpu.memory_space<vmem>>) semaphore(%arg22 : memref<!tpu.dma_semaphore, #tpu.memory_space<semaphore_mem>>)
      %mul3A_621 = arith.constant 12 : i32
      %mul3A_622 = arith.muli %mul3A_621, %scan3A_440 : i32
      %add3A_623 = arith.constant 2 : i32
      %add3A_624 = arith.addi %mul3A_622, %add3A_623 : i32
      %add3A_625 = arith.constant 5 : i32
      %add3A_626 = arith.addi %add3A_624, %add3A_625 : i32
      %dma_wait3A_627 = arith.constant 0 : i32
      %dma_wait3A_628 = arith.constant 0 : i32
      %dma_wait3A_629 = tpu.memref_slice %arg2[%dma_wait3A_627, %dma_wait3A_628] : memref<10000x128xf32, #tpu.memory_space<hbm>> -> memref<10000x128xf32, #tpu.memory_space<hbm>>
      tpu.wait_indirect_dma semaphore(%arg21 : memref<!tpu.dma_semaphore, #tpu.memory_space<semaphore_mem>>) src(%dma_wait3A_629 : memref<10000x128xf32, #tpu.memory_space<hbm>>) dst(%arg8 : memref<80x128xf32, #tpu.memory_space<vmem>>)
      %add3A_630 = arith.constant 4 : i32
      %add3A_631 = arith.addi %add3A_626, %add3A_630 : i32
      %mul3A_632 = arith.constant 80 : i32
      %mul3A_633 = arith.muli %add3A_631, %mul3A_632 : i32
      %add3A_634 = arith.addi %mul3A_2, %mul3A_633 : i32
      %dma_start3A_635 = tpu.memref_slice %arg3[%add3A_634] : memref<320000xi32, #tpu.memory_space<hbm>> -> memref<80xi32, #tpu.memory_space<hbm>>
      %dma_start3A_636 = tpu.memref_slice %arg3[%add3A_634] : memref<320000xi32, #tpu.memory_space<hbm>> -> memref<80xi32, #tpu.memory_space<hbm>>
      tpu.enqueue_dma source(%dma_start3A_636 : memref<80xi32, #tpu.memory_space<hbm>>) target(%arg13 : memref<80xi32, #tpu.memory_space<vmem>>) target_semaphore(%arg29 : memref<!tpu.dma_semaphore, #tpu.memory_space<semaphore_mem>>)
      %dma_wait3A_637 = tpu.memref_slice %arg3[%mul3A_2] : memref<320000xi32, #tpu.memory_space<hbm>> -> memref<80xi32, #tpu.memory_space<hbm>>
      %dma_wait3A_638 = tpu.memref_slice %arg3[%mul3A_2] : memref<320000xi32, #tpu.memory_space<hbm>> -> memref<80xi32, #tpu.memory_space<hbm>>
      tpu.wait_dma2 semaphore(%arg31 : memref<!tpu.dma_semaphore, #tpu.memory_space<semaphore_mem>>) src(%dma_wait3A_638 : memref<80xi32, #tpu.memory_space<hbm>>) dst(%arg15 : memref<80xi32, #tpu.memory_space<vmem>>)
      %dma_start3A_639 = arith.constant 0 : i32
      %dma_start3A_640 = arith.constant 0 : i32
      %dma_start3A_641 = tpu.memref_slice %arg6[%dma_start3A_639, %dma_start3A_640] : memref<10240x128xf32, #tpu.memory_space<vmem_shared>> -> memref<10240x128xf32, #tpu.memory_space<vmem_shared>>
      tpu.enqueue_indirect_dma source(%arg8 : memref<80x128xf32, #tpu.memory_space<vmem>>) target(%dma_start3A_641 : memref<10240x128xf32, #tpu.memory_space<vmem_shared>>) offsets(%arg15 : memref<80xi32, #tpu.memory_space<vmem>>) semaphore(%arg24 : memref<!tpu.dma_semaphore, #tpu.memory_space<semaphore_mem>>) {add = true}
      %dma_wait3A_642 = arith.constant 0 : i32
      %dma_wait3A_643 = arith.constant 0 : i32
      %dma_wait3A_644 = tpu.memref_slice %arg2[%dma_wait3A_642, %dma_wait3A_643] : memref<10000x128xf32, #tpu.memory_space<hbm>> -> memref<10000x128xf32, #tpu.memory_space<hbm>>
      tpu.wait_indirect_dma semaphore(%arg23 : memref<!tpu.dma_semaphore, #tpu.memory_space<semaphore_mem>>) src(%dma_wait3A_644 : memref<10000x128xf32, #tpu.memory_space<hbm>>) dst(%arg7 : memref<80x128xf32, #tpu.memory_space<vmem>>)
      %add3A_645 = arith.constant 5 : i32
      %add3A_646 = arith.addi %add3A_626, %add3A_645 : i32
      %mul3A_647 = arith.constant 80 : i32
      %mul3A_648 = arith.muli %add3A_646, %mul3A_647 : i32
      %add3A_649 = arith.addi %mul3A_2, %mul3A_648 : i32
      %dma_start3A_650 = tpu.memref_slice %arg4[%add3A_649] : memref<320000xi32, #tpu.memory_space<hbm>> -> memref<80xi32, #tpu.memory_space<hbm>>
      %dma_start3A_651 = tpu.memref_slice %arg4[%add3A_649] : memref<320000xi32, #tpu.memory_space<hbm>> -> memref<80xi32, #tpu.memory_space<hbm>>
      tpu.enqueue_dma source(%dma_start3A_651 : memref<80xi32, #tpu.memory_space<hbm>>) target(%arg14 : memref<80xi32, #tpu.memory_space<vmem>>) target_semaphore(%arg30 : memref<!tpu.dma_semaphore, #tpu.memory_space<semaphore_mem>>)
      %dma_wait3A_652 = tpu.memref_slice %arg3[%mul3A_2] : memref<320000xi32, #tpu.memory_space<hbm>> -> memref<80xi32, #tpu.memory_space<hbm>>
      %dma_wait3A_653 = tpu.memref_slice %arg3[%mul3A_2] : memref<320000xi32, #tpu.memory_space<hbm>> -> memref<80xi32, #tpu.memory_space<hbm>>
      tpu.wait_dma2 semaphore(%arg27 : memref<!tpu.dma_semaphore, #tpu.memory_space<semaphore_mem>>) src(%dma_wait3A_653 : memref<80xi32, #tpu.memory_space<hbm>>) dst(%arg11 : memref<80xi32, #tpu.memory_space<vmem>>)
      %dma_start3A_654 = arith.constant 0 : i32
      %dma_start3A_655 = arith.constant 0 : i32
      %dma_start3A_656 = tpu.memref_slice %arg2[%dma_start3A_654, %dma_start3A_655] : memref<10000x128xf32, #tpu.memory_space<hbm>> -> memref<10000x128xf32, #tpu.memory_space<hbm>>
      tpu.enqueue_indirect_dma source(%dma_start3A_656 : memref<10000x128xf32, #tpu.memory_space<hbm>>) target(%arg7 : memref<80x128xf32, #tpu.memory_space<vmem>>) offsets(%arg11 : memref<80xi32, #tpu.memory_space<vmem>>) semaphore(%arg20 : memref<!tpu.dma_semaphore, #tpu.memory_space<semaphore_mem>>)
      %mul3A_657 = arith.constant 12 : i32
      %mul3A_658 = arith.muli %mul3A_657, %scan3A_440 : i32
      %add3A_659 = arith.constant 2 : i32
      %add3A_660 = arith.addi %mul3A_658, %add3A_659 : i32
      %add3A_661 = arith.constant 6 : i32
      %add3A_662 = arith.addi %add3A_660, %add3A_661 : i32
      %dma_wait3A_663 = arith.constant 0 : i32
      %dma_wait3A_664 = arith.constant 0 : i32
      %dma_wait3A_665 = tpu.memref_slice %arg2[%dma_wait3A_663, %dma_wait3A_664] : memref<10000x128xf32, #tpu.memory_space<hbm>> -> memref<10000x128xf32, #tpu.memory_space<hbm>>
      tpu.wait_indirect_dma semaphore(%arg22 : memref<!tpu.dma_semaphore, #tpu.memory_space<semaphore_mem>>) src(%dma_wait3A_665 : memref<10000x128xf32, #tpu.memory_space<hbm>>) dst(%arg9 : memref<80x128xf32, #tpu.memory_space<vmem>>)
      %add3A_666 = arith.constant 4 : i32
      %add3A_667 = arith.addi %add3A_662, %add3A_666 : i32
      %mul3A_668 = arith.constant 80 : i32
      %mul3A_669 = arith.muli %add3A_667, %mul3A_668 : i32
      %add3A_670 = arith.addi %mul3A_2, %mul3A_669 : i32
      %dma_start3A_671 = tpu.memref_slice %arg3[%add3A_670] : memref<320000xi32, #tpu.memory_space<hbm>> -> memref<80xi32, #tpu.memory_space<hbm>>
      %dma_start3A_672 = tpu.memref_slice %arg3[%add3A_670] : memref<320000xi32, #tpu.memory_space<hbm>> -> memref<80xi32, #tpu.memory_space<hbm>>
      tpu.enqueue_dma source(%dma_start3A_672 : memref<80xi32, #tpu.memory_space<hbm>>) target(%arg10 : memref<80xi32, #tpu.memory_space<vmem>>) target_semaphore(%arg26 : memref<!tpu.dma_semaphore, #tpu.memory_space<semaphore_mem>>)
      %dma_wait3A_673 = tpu.memref_slice %arg3[%mul3A_2] : memref<320000xi32, #tpu.memory_space<hbm>> -> memref<80xi32, #tpu.memory_space<hbm>>
      %dma_wait3A_674 = tpu.memref_slice %arg3[%mul3A_2] : memref<320000xi32, #tpu.memory_space<hbm>> -> memref<80xi32, #tpu.memory_space<hbm>>
      tpu.wait_dma2 semaphore(%arg32 : memref<!tpu.dma_semaphore, #tpu.memory_space<semaphore_mem>>) src(%dma_wait3A_674 : memref<80xi32, #tpu.memory_space<hbm>>) dst(%arg16 : memref<80xi32, #tpu.memory_space<vmem>>)
      %dma_start3A_675 = arith.constant 0 : i32
      %dma_start3A_676 = arith.constant 0 : i32
      %dma_start3A_677 = tpu.memref_slice %arg6[%dma_start3A_675, %dma_start3A_676] : memref<10240x128xf32, #tpu.memory_space<vmem_shared>> -> memref<10240x128xf32, #tpu.memory_space<vmem_shared>>
      tpu.enqueue_indirect_dma source(%arg9 : memref<80x128xf32, #tpu.memory_space<vmem>>) target(%dma_start3A_677 : memref<10240x128xf32, #tpu.memory_space<vmem_shared>>) offsets(%arg16 : memref<80xi32, #tpu.memory_space<vmem>>) semaphore(%arg25 : memref<!tpu.dma_semaphore, #tpu.memory_space<semaphore_mem>>) {add = true}
      %dma_wait3A_678 = arith.constant 0 : i32
      %dma_wait3A_679 = arith.constant 0 : i32
      %dma_wait3A_680 = tpu.memref_slice %arg2[%dma_wait3A_678, %dma_wait3A_679] : memref<10000x128xf32, #tpu.memory_space<hbm>> -> memref<10000x128xf32, #tpu.memory_space<hbm>>
      tpu.wait_indirect_dma semaphore(%arg24 : memref<!tpu.dma_semaphore, #tpu.memory_space<semaphore_mem>>) src(%dma_wait3A_680 : memref<10000x128xf32, #tpu.memory_space<hbm>>) dst(%arg8 : memref<80x128xf32, #tpu.memory_space<vmem>>)
      %add3A_681 = arith.constant 5 : i32
      %add3A_682 = arith.addi %add3A_662, %add3A_681 : i32
      %mul3A_683 = arith.constant 80 : i32
      %mul3A_684 = arith.muli %add3A_682, %mul3A_683 : i32
      %add3A_685 = arith.addi %mul3A_2, %mul3A_684 : i32
      %dma_start3A_686 = tpu.memref_slice %arg4[%add3A_685] : memref<320000xi32, #tpu.memory_space<hbm>> -> memref<80xi32, #tpu.memory_space<hbm>>
      %dma_start3A_687 = tpu.memref_slice %arg4[%add3A_685] : memref<320000xi32, #tpu.memory_space<hbm>> -> memref<80xi32, #tpu.memory_space<hbm>>
      tpu.enqueue_dma source(%dma_start3A_687 : memref<80xi32, #tpu.memory_space<hbm>>) target(%arg15 : memref<80xi32, #tpu.memory_space<vmem>>) target_semaphore(%arg31 : memref<!tpu.dma_semaphore, #tpu.memory_space<semaphore_mem>>)
      %dma_wait3A_688 = tpu.memref_slice %arg3[%mul3A_2] : memref<320000xi32, #tpu.memory_space<hbm>> -> memref<80xi32, #tpu.memory_space<hbm>>
      %dma_wait3A_689 = tpu.memref_slice %arg3[%mul3A_2] : memref<320000xi32, #tpu.memory_space<hbm>> -> memref<80xi32, #tpu.memory_space<hbm>>
      tpu.wait_dma2 semaphore(%arg28 : memref<!tpu.dma_semaphore, #tpu.memory_space<semaphore_mem>>) src(%dma_wait3A_689 : memref<80xi32, #tpu.memory_space<hbm>>) dst(%arg12 : memref<80xi32, #tpu.memory_space<vmem>>)
      %dma_start3A_690 = arith.constant 0 : i32
      %dma_start3A_691 = arith.constant 0 : i32
      %dma_start3A_692 = tpu.memref_slice %arg2[%dma_start3A_690, %dma_start3A_691] : memref<10000x128xf32, #tpu.memory_space<hbm>> -> memref<10000x128xf32, #tpu.memory_space<hbm>>
      tpu.enqueue_indirect_dma source(%dma_start3A_692 : memref<10000x128xf32, #tpu.memory_space<hbm>>) target(%arg8 : memref<80x128xf32, #tpu.memory_space<vmem>>) offsets(%arg12 : memref<80xi32, #tpu.memory_space<vmem>>) semaphore(%arg21 : memref<!tpu.dma_semaphore, #tpu.memory_space<semaphore_mem>>)
      %mul3A_693 = arith.constant 12 : i32
      %mul3A_694 = arith.muli %mul3A_693, %scan3A_440 : i32
      %add3A_695 = arith.constant 2 : i32
      %add3A_696 = arith.addi %mul3A_694, %add3A_695 : i32
      %add3A_697 = arith.constant 7 : i32
      %add3A_698 = arith.addi %add3A_696, %add3A_697 : i32
      %dma_wait3A_699 = arith.constant 0 : i32
      %dma_wait3A_700 = arith.constant 0 : i32
      %dma_wait3A_701 = tpu.memref_slice %arg2[%dma_wait3A_699, %dma_wait3A_700] : memref<10000x128xf32, #tpu.memory_space<hbm>> -> memref<10000x128xf32, #tpu.memory_space<hbm>>
      tpu.wait_indirect_dma semaphore(%arg20 : memref<!tpu.dma_semaphore, #tpu.memory_space<semaphore_mem>>) src(%dma_wait3A_701 : memref<10000x128xf32, #tpu.memory_space<hbm>>) dst(%arg7 : memref<80x128xf32, #tpu.memory_space<vmem>>)
      %add3A_702 = arith.constant 4 : i32
      %add3A_703 = arith.addi %add3A_698, %add3A_702 : i32
      %mul3A_704 = arith.constant 80 : i32
      %mul3A_705 = arith.muli %add3A_703, %mul3A_704 : i32
      %add3A_706 = arith.addi %mul3A_2, %mul3A_705 : i32
      %dma_start3A_707 = tpu.memref_slice %arg3[%add3A_706] : memref<320000xi32, #tpu.memory_space<hbm>> -> memref<80xi32, #tpu.memory_space<hbm>>
      %dma_start3A_708 = tpu.memref_slice %arg3[%add3A_706] : memref<320000xi32, #tpu.memory_space<hbm>> -> memref<80xi32, #tpu.memory_space<hbm>>
      tpu.enqueue_dma source(%dma_start3A_708 : memref<80xi32, #tpu.memory_space<hbm>>) target(%arg11 : memref<80xi32, #tpu.memory_space<vmem>>) target_semaphore(%arg27 : memref<!tpu.dma_semaphore, #tpu.memory_space<semaphore_mem>>)
      %dma_wait3A_709 = tpu.memref_slice %arg3[%mul3A_2] : memref<320000xi32, #tpu.memory_space<hbm>> -> memref<80xi32, #tpu.memory_space<hbm>>
      %dma_wait3A_710 = tpu.memref_slice %arg3[%mul3A_2] : memref<320000xi32, #tpu.memory_space<hbm>> -> memref<80xi32, #tpu.memory_space<hbm>>
      tpu.wait_dma2 semaphore(%arg33 : memref<!tpu.dma_semaphore, #tpu.memory_space<semaphore_mem>>) src(%dma_wait3A_710 : memref<80xi32, #tpu.memory_space<hbm>>) dst(%arg17 : memref<80xi32, #tpu.memory_space<vmem>>)
      %dma_start3A_711 = arith.constant 0 : i32
      %dma_start3A_712 = arith.constant 0 : i32
      %dma_start3A_713 = tpu.memref_slice %arg6[%dma_start3A_711, %dma_start3A_712] : memref<10240x128xf32, #tpu.memory_space<vmem_shared>> -> memref<10240x128xf32, #tpu.memory_space<vmem_shared>>
      tpu.enqueue_indirect_dma source(%arg7 : memref<80x128xf32, #tpu.memory_space<vmem>>) target(%dma_start3A_713 : memref<10240x128xf32, #tpu.memory_space<vmem_shared>>) offsets(%arg17 : memref<80xi32, #tpu.memory_space<vmem>>) semaphore(%arg23 : memref<!tpu.dma_semaphore, #tpu.memory_space<semaphore_mem>>) {add = true}
      %dma_wait3A_714 = arith.constant 0 : i32
      %dma_wait3A_715 = arith.constant 0 : i32
      %dma_wait3A_716 = tpu.memref_slice %arg2[%dma_wait3A_714, %dma_wait3A_715] : memref<10000x128xf32, #tpu.memory_space<hbm>> -> memref<10000x128xf32, #tpu.memory_space<hbm>>
      tpu.wait_indirect_dma semaphore(%arg25 : memref<!tpu.dma_semaphore, #tpu.memory_space<semaphore_mem>>) src(%dma_wait3A_716 : memref<10000x128xf32, #tpu.memory_space<hbm>>) dst(%arg9 : memref<80x128xf32, #tpu.memory_space<vmem>>)
      %add3A_717 = arith.constant 5 : i32
      %add3A_718 = arith.addi %add3A_698, %add3A_717 : i32
      %mul3A_719 = arith.constant 80 : i32
      %mul3A_720 = arith.muli %add3A_718, %mul3A_719 : i32
      %add3A_721 = arith.addi %mul3A_2, %mul3A_720 : i32
      %dma_start3A_722 = tpu.memref_slice %arg4[%add3A_721] : memref<320000xi32, #tpu.memory_space<hbm>> -> memref<80xi32, #tpu.memory_space<hbm>>
      %dma_start3A_723 = tpu.memref_slice %arg4[%add3A_721] : memref<320000xi32, #tpu.memory_space<hbm>> -> memref<80xi32, #tpu.memory_space<hbm>>
      tpu.enqueue_dma source(%dma_start3A_723 : memref<80xi32, #tpu.memory_space<hbm>>) target(%arg16 : memref<80xi32, #tpu.memory_space<vmem>>) target_semaphore(%arg32 : memref<!tpu.dma_semaphore, #tpu.memory_space<semaphore_mem>>)
      %dma_wait3A_724 = tpu.memref_slice %arg3[%mul3A_2] : memref<320000xi32, #tpu.memory_space<hbm>> -> memref<80xi32, #tpu.memory_space<hbm>>
      %dma_wait3A_725 = tpu.memref_slice %arg3[%mul3A_2] : memref<320000xi32, #tpu.memory_space<hbm>> -> memref<80xi32, #tpu.memory_space<hbm>>
      tpu.wait_dma2 semaphore(%arg29 : memref<!tpu.dma_semaphore, #tpu.memory_space<semaphore_mem>>) src(%dma_wait3A_725 : memref<80xi32, #tpu.memory_space<hbm>>) dst(%arg13 : memref<80xi32, #tpu.memory_space<vmem>>)
      %dma_start3A_726 = arith.constant 0 : i32
      %dma_start3A_727 = arith.constant 0 : i32
      %dma_start3A_728 = tpu.memref_slice %arg2[%dma_start3A_726, %dma_start3A_727] : memref<10000x128xf32, #tpu.memory_space<hbm>> -> memref<10000x128xf32, #tpu.memory_space<hbm>>
      tpu.enqueue_indirect_dma source(%dma_start3A_728 : memref<10000x128xf32, #tpu.memory_space<hbm>>) target(%arg9 : memref<80x128xf32, #tpu.memory_space<vmem>>) offsets(%arg13 : memref<80xi32, #tpu.memory_space<vmem>>) semaphore(%arg22 : memref<!tpu.dma_semaphore, #tpu.memory_space<semaphore_mem>>)
      %mul3A_729 = arith.constant 12 : i32
      %mul3A_730 = arith.muli %mul3A_729, %scan3A_440 : i32
      %add3A_731 = arith.constant 2 : i32
      %add3A_732 = arith.addi %mul3A_730, %add3A_731 : i32
      %add3A_733 = arith.constant 8 : i32
      %add3A_734 = arith.addi %add3A_732, %add3A_733 : i32
      %dma_wait3A_735 = arith.constant 0 : i32
      %dma_wait3A_736 = arith.constant 0 : i32
      %dma_wait3A_737 = tpu.memref_slice %arg2[%dma_wait3A_735, %dma_wait3A_736] : memref<10000x128xf32, #tpu.memory_space<hbm>> -> memref<10000x128xf32, #tpu.memory_space<hbm>>
      tpu.wait_indirect_dma semaphore(%arg21 : memref<!tpu.dma_semaphore, #tpu.memory_space<semaphore_mem>>) src(%dma_wait3A_737 : memref<10000x128xf32, #tpu.memory_space<hbm>>) dst(%arg8 : memref<80x128xf32, #tpu.memory_space<vmem>>)
      %add3A_738 = arith.constant 4 : i32
      %add3A_739 = arith.addi %add3A_734, %add3A_738 : i32
      %mul3A_740 = arith.constant 80 : i32
      %mul3A_741 = arith.muli %add3A_739, %mul3A_740 : i32
      %add3A_742 = arith.addi %mul3A_2, %mul3A_741 : i32
      %dma_start3A_743 = tpu.memref_slice %arg3[%add3A_742] : memref<320000xi32, #tpu.memory_space<hbm>> -> memref<80xi32, #tpu.memory_space<hbm>>
      %dma_start3A_744 = tpu.memref_slice %arg3[%add3A_742] : memref<320000xi32, #tpu.memory_space<hbm>> -> memref<80xi32, #tpu.memory_space<hbm>>
      tpu.enqueue_dma source(%dma_start3A_744 : memref<80xi32, #tpu.memory_space<hbm>>) target(%arg12 : memref<80xi32, #tpu.memory_space<vmem>>) target_semaphore(%arg28 : memref<!tpu.dma_semaphore, #tpu.memory_space<semaphore_mem>>)
      %dma_wait3A_745 = tpu.memref_slice %arg3[%mul3A_2] : memref<320000xi32, #tpu.memory_space<hbm>> -> memref<80xi32, #tpu.memory_space<hbm>>
      %dma_wait3A_746 = tpu.memref_slice %arg3[%mul3A_2] : memref<320000xi32, #tpu.memory_space<hbm>> -> memref<80xi32, #tpu.memory_space<hbm>>
      tpu.wait_dma2 semaphore(%arg34 : memref<!tpu.dma_semaphore, #tpu.memory_space<semaphore_mem>>) src(%dma_wait3A_746 : memref<80xi32, #tpu.memory_space<hbm>>) dst(%arg18 : memref<80xi32, #tpu.memory_space<vmem>>)
      %dma_start3A_747 = arith.constant 0 : i32
      %dma_start3A_748 = arith.constant 0 : i32
      %dma_start3A_749 = tpu.memref_slice %arg6[%dma_start3A_747, %dma_start3A_748] : memref<10240x128xf32, #tpu.memory_space<vmem_shared>> -> memref<10240x128xf32, #tpu.memory_space<vmem_shared>>
      tpu.enqueue_indirect_dma source(%arg8 : memref<80x128xf32, #tpu.memory_space<vmem>>) target(%dma_start3A_749 : memref<10240x128xf32, #tpu.memory_space<vmem_shared>>) offsets(%arg18 : memref<80xi32, #tpu.memory_space<vmem>>) semaphore(%arg24 : memref<!tpu.dma_semaphore, #tpu.memory_space<semaphore_mem>>) {add = true}
      %dma_wait3A_750 = arith.constant 0 : i32
      %dma_wait3A_751 = arith.constant 0 : i32
      %dma_wait3A_752 = tpu.memref_slice %arg2[%dma_wait3A_750, %dma_wait3A_751] : memref<10000x128xf32, #tpu.memory_space<hbm>> -> memref<10000x128xf32, #tpu.memory_space<hbm>>
      tpu.wait_indirect_dma semaphore(%arg23 : memref<!tpu.dma_semaphore, #tpu.memory_space<semaphore_mem>>) src(%dma_wait3A_752 : memref<10000x128xf32, #tpu.memory_space<hbm>>) dst(%arg7 : memref<80x128xf32, #tpu.memory_space<vmem>>)
      %add3A_753 = arith.constant 5 : i32
      %add3A_754 = arith.addi %add3A_734, %add3A_753 : i32
      %mul3A_755 = arith.constant 80 : i32
      %mul3A_756 = arith.muli %add3A_754, %mul3A_755 : i32
      %add3A_757 = arith.addi %mul3A_2, %mul3A_756 : i32
      %dma_start3A_758 = tpu.memref_slice %arg4[%add3A_757] : memref<320000xi32, #tpu.memory_space<hbm>> -> memref<80xi32, #tpu.memory_space<hbm>>
      %dma_start3A_759 = tpu.memref_slice %arg4[%add3A_757] : memref<320000xi32, #tpu.memory_space<hbm>> -> memref<80xi32, #tpu.memory_space<hbm>>
      tpu.enqueue_dma source(%dma_start3A_759 : memref<80xi32, #tpu.memory_space<hbm>>) target(%arg17 : memref<80xi32, #tpu.memory_space<vmem>>) target_semaphore(%arg33 : memref<!tpu.dma_semaphore, #tpu.memory_space<semaphore_mem>>)
      %dma_wait3A_760 = tpu.memref_slice %arg3[%mul3A_2] : memref<320000xi32, #tpu.memory_space<hbm>> -> memref<80xi32, #tpu.memory_space<hbm>>
      %dma_wait3A_761 = tpu.memref_slice %arg3[%mul3A_2] : memref<320000xi32, #tpu.memory_space<hbm>> -> memref<80xi32, #tpu.memory_space<hbm>>
      tpu.wait_dma2 semaphore(%arg26 : memref<!tpu.dma_semaphore, #tpu.memory_space<semaphore_mem>>) src(%dma_wait3A_761 : memref<80xi32, #tpu.memory_space<hbm>>) dst(%arg10 : memref<80xi32, #tpu.memory_space<vmem>>)
      %dma_start3A_762 = arith.constant 0 : i32
      %dma_start3A_763 = arith.constant 0 : i32
      %dma_start3A_764 = tpu.memref_slice %arg2[%dma_start3A_762, %dma_start3A_763] : memref<10000x128xf32, #tpu.memory_space<hbm>> -> memref<10000x128xf32, #tpu.memory_space<hbm>>
      tpu.enqueue_indirect_dma source(%dma_start3A_764 : memref<10000x128xf32, #tpu.memory_space<hbm>>) target(%arg7 : memref<80x128xf32, #tpu.memory_space<vmem>>) offsets(%arg10 : memref<80xi32, #tpu.memory_space<vmem>>) semaphore(%arg20 : memref<!tpu.dma_semaphore, #tpu.memory_space<semaphore_mem>>)
      %mul3A_765 = arith.constant 12 : i32
      %mul3A_766 = arith.muli %mul3A_765, %scan3A_440 : i32
      %add3A_767 = arith.constant 2 : i32
      %add3A_768 = arith.addi %mul3A_766, %add3A_767 : i32
      %add3A_769 = arith.constant 9 : i32
      %add3A_770 = arith.addi %add3A_768, %add3A_769 : i32
      %dma_wait3A_771 = arith.constant 0 : i32
      %dma_wait3A_772 = arith.constant 0 : i32
      %dma_wait3A_773 = tpu.memref_slice %arg2[%dma_wait3A_771, %dma_wait3A_772] : memref<10000x128xf32, #tpu.memory_space<hbm>> -> memref<10000x128xf32, #tpu.memory_space<hbm>>
      tpu.wait_indirect_dma semaphore(%arg22 : memref<!tpu.dma_semaphore, #tpu.memory_space<semaphore_mem>>) src(%dma_wait3A_773 : memref<10000x128xf32, #tpu.memory_space<hbm>>) dst(%arg9 : memref<80x128xf32, #tpu.memory_space<vmem>>)
      %add3A_774 = arith.constant 4 : i32
      %add3A_775 = arith.addi %add3A_770, %add3A_774 : i32
      %mul3A_776 = arith.constant 80 : i32
      %mul3A_777 = arith.muli %add3A_775, %mul3A_776 : i32
      %add3A_778 = arith.addi %mul3A_2, %mul3A_777 : i32
      %dma_start3A_779 = tpu.memref_slice %arg3[%add3A_778] : memref<320000xi32, #tpu.memory_space<hbm>> -> memref<80xi32, #tpu.memory_space<hbm>>
      %dma_start3A_780 = tpu.memref_slice %arg3[%add3A_778] : memref<320000xi32, #tpu.memory_space<hbm>> -> memref<80xi32, #tpu.memory_space<hbm>>
      tpu.enqueue_dma source(%dma_start3A_780 : memref<80xi32, #tpu.memory_space<hbm>>) target(%arg13 : memref<80xi32, #tpu.memory_space<vmem>>) target_semaphore(%arg29 : memref<!tpu.dma_semaphore, #tpu.memory_space<semaphore_mem>>)
      %dma_wait3A_781 = tpu.memref_slice %arg3[%mul3A_2] : memref<320000xi32, #tpu.memory_space<hbm>> -> memref<80xi32, #tpu.memory_space<hbm>>
      %dma_wait3A_782 = tpu.memref_slice %arg3[%mul3A_2] : memref<320000xi32, #tpu.memory_space<hbm>> -> memref<80xi32, #tpu.memory_space<hbm>>
      tpu.wait_dma2 semaphore(%arg35 : memref<!tpu.dma_semaphore, #tpu.memory_space<semaphore_mem>>) src(%dma_wait3A_782 : memref<80xi32, #tpu.memory_space<hbm>>) dst(%arg19 : memref<80xi32, #tpu.memory_space<vmem>>)
      %dma_start3A_783 = arith.constant 0 : i32
      %dma_start3A_784 = arith.constant 0 : i32
      %dma_start3A_785 = tpu.memref_slice %arg6[%dma_start3A_783, %dma_start3A_784] : memref<10240x128xf32, #tpu.memory_space<vmem_shared>> -> memref<10240x128xf32, #tpu.memory_space<vmem_shared>>
      tpu.enqueue_indirect_dma source(%arg9 : memref<80x128xf32, #tpu.memory_space<vmem>>) target(%dma_start3A_785 : memref<10240x128xf32, #tpu.memory_space<vmem_shared>>) offsets(%arg19 : memref<80xi32, #tpu.memory_space<vmem>>) semaphore(%arg25 : memref<!tpu.dma_semaphore, #tpu.memory_space<semaphore_mem>>) {add = true}
      %dma_wait3A_786 = arith.constant 0 : i32
      %dma_wait3A_787 = arith.constant 0 : i32
      %dma_wait3A_788 = tpu.memref_slice %arg2[%dma_wait3A_786, %dma_wait3A_787] : memref<10000x128xf32, #tpu.memory_space<hbm>> -> memref<10000x128xf32, #tpu.memory_space<hbm>>
      tpu.wait_indirect_dma semaphore(%arg24 : memref<!tpu.dma_semaphore, #tpu.memory_space<semaphore_mem>>) src(%dma_wait3A_788 : memref<10000x128xf32, #tpu.memory_space<hbm>>) dst(%arg8 : memref<80x128xf32, #tpu.memory_space<vmem>>)
      %add3A_789 = arith.constant 5 : i32
      %add3A_790 = arith.addi %add3A_770, %add3A_789 : i32
      %mul3A_791 = arith.constant 80 : i32
      %mul3A_792 = arith.muli %add3A_790, %mul3A_791 : i32
      %add3A_793 = arith.addi %mul3A_2, %mul3A_792 : i32
      %dma_start3A_794 = tpu.memref_slice %arg4[%add3A_793] : memref<320000xi32, #tpu.memory_space<hbm>> -> memref<80xi32, #tpu.memory_space<hbm>>
      %dma_start3A_795 = tpu.memref_slice %arg4[%add3A_793] : memref<320000xi32, #tpu.memory_space<hbm>> -> memref<80xi32, #tpu.memory_space<hbm>>
      tpu.enqueue_dma source(%dma_start3A_795 : memref<80xi32, #tpu.memory_space<hbm>>) target(%arg18 : memref<80xi32, #tpu.memory_space<vmem>>) target_semaphore(%arg34 : memref<!tpu.dma_semaphore, #tpu.memory_space<semaphore_mem>>)
      %dma_wait3A_796 = tpu.memref_slice %arg3[%mul3A_2] : memref<320000xi32, #tpu.memory_space<hbm>> -> memref<80xi32, #tpu.memory_space<hbm>>
      %dma_wait3A_797 = tpu.memref_slice %arg3[%mul3A_2] : memref<320000xi32, #tpu.memory_space<hbm>> -> memref<80xi32, #tpu.memory_space<hbm>>
      tpu.wait_dma2 semaphore(%arg27 : memref<!tpu.dma_semaphore, #tpu.memory_space<semaphore_mem>>) src(%dma_wait3A_797 : memref<80xi32, #tpu.memory_space<hbm>>) dst(%arg11 : memref<80xi32, #tpu.memory_space<vmem>>)
      %dma_start3A_798 = arith.constant 0 : i32
      %dma_start3A_799 = arith.constant 0 : i32
      %dma_start3A_800 = tpu.memref_slice %arg2[%dma_start3A_798, %dma_start3A_799] : memref<10000x128xf32, #tpu.memory_space<hbm>> -> memref<10000x128xf32, #tpu.memory_space<hbm>>
      tpu.enqueue_indirect_dma source(%dma_start3A_800 : memref<10000x128xf32, #tpu.memory_space<hbm>>) target(%arg8 : memref<80x128xf32, #tpu.memory_space<vmem>>) offsets(%arg11 : memref<80xi32, #tpu.memory_space<vmem>>) semaphore(%arg21 : memref<!tpu.dma_semaphore, #tpu.memory_space<semaphore_mem>>)
      %mul3A_801 = arith.constant 12 : i32
      %mul3A_802 = arith.muli %mul3A_801, %scan3A_440 : i32
      %add3A_803 = arith.constant 2 : i32
      %add3A_804 = arith.addi %mul3A_802, %add3A_803 : i32
      %add3A_805 = arith.constant 10 : i32
      %add3A_806 = arith.addi %add3A_804, %add3A_805 : i32
      %dma_wait3A_807 = arith.constant 0 : i32
      %dma_wait3A_808 = arith.constant 0 : i32
      %dma_wait3A_809 = tpu.memref_slice %arg2[%dma_wait3A_807, %dma_wait3A_808] : memref<10000x128xf32, #tpu.memory_space<hbm>> -> memref<10000x128xf32, #tpu.memory_space<hbm>>
      tpu.wait_indirect_dma semaphore(%arg20 : memref<!tpu.dma_semaphore, #tpu.memory_space<semaphore_mem>>) src(%dma_wait3A_809 : memref<10000x128xf32, #tpu.memory_space<hbm>>) dst(%arg7 : memref<80x128xf32, #tpu.memory_space<vmem>>)
      %add3A_810 = arith.constant 4 : i32
      %add3A_811 = arith.addi %add3A_806, %add3A_810 : i32
      %mul3A_812 = arith.constant 80 : i32
      %mul3A_813 = arith.muli %add3A_811, %mul3A_812 : i32
      %add3A_814 = arith.addi %mul3A_2, %mul3A_813 : i32
      %dma_start3A_815 = tpu.memref_slice %arg3[%add3A_814] : memref<320000xi32, #tpu.memory_space<hbm>> -> memref<80xi32, #tpu.memory_space<hbm>>
      %dma_start3A_816 = tpu.memref_slice %arg3[%add3A_814] : memref<320000xi32, #tpu.memory_space<hbm>> -> memref<80xi32, #tpu.memory_space<hbm>>
      tpu.enqueue_dma source(%dma_start3A_816 : memref<80xi32, #tpu.memory_space<hbm>>) target(%arg10 : memref<80xi32, #tpu.memory_space<vmem>>) target_semaphore(%arg26 : memref<!tpu.dma_semaphore, #tpu.memory_space<semaphore_mem>>)
      %dma_wait3A_817 = tpu.memref_slice %arg3[%mul3A_2] : memref<320000xi32, #tpu.memory_space<hbm>> -> memref<80xi32, #tpu.memory_space<hbm>>
      %dma_wait3A_818 = tpu.memref_slice %arg3[%mul3A_2] : memref<320000xi32, #tpu.memory_space<hbm>> -> memref<80xi32, #tpu.memory_space<hbm>>
      tpu.wait_dma2 semaphore(%arg30 : memref<!tpu.dma_semaphore, #tpu.memory_space<semaphore_mem>>) src(%dma_wait3A_818 : memref<80xi32, #tpu.memory_space<hbm>>) dst(%arg14 : memref<80xi32, #tpu.memory_space<vmem>>)
      %dma_start3A_819 = arith.constant 0 : i32
      %dma_start3A_820 = arith.constant 0 : i32
      %dma_start3A_821 = tpu.memref_slice %arg6[%dma_start3A_819, %dma_start3A_820] : memref<10240x128xf32, #tpu.memory_space<vmem_shared>> -> memref<10240x128xf32, #tpu.memory_space<vmem_shared>>
      tpu.enqueue_indirect_dma source(%arg7 : memref<80x128xf32, #tpu.memory_space<vmem>>) target(%dma_start3A_821 : memref<10240x128xf32, #tpu.memory_space<vmem_shared>>) offsets(%arg14 : memref<80xi32, #tpu.memory_space<vmem>>) semaphore(%arg23 : memref<!tpu.dma_semaphore, #tpu.memory_space<semaphore_mem>>) {add = true}
      %dma_wait3A_822 = arith.constant 0 : i32
      %dma_wait3A_823 = arith.constant 0 : i32
      %dma_wait3A_824 = tpu.memref_slice %arg2[%dma_wait3A_822, %dma_wait3A_823] : memref<10000x128xf32, #tpu.memory_space<hbm>> -> memref<10000x128xf32, #tpu.memory_space<hbm>>
      tpu.wait_indirect_dma semaphore(%arg25 : memref<!tpu.dma_semaphore, #tpu.memory_space<semaphore_mem>>) src(%dma_wait3A_824 : memref<10000x128xf32, #tpu.memory_space<hbm>>) dst(%arg9 : memref<80x128xf32, #tpu.memory_space<vmem>>)
      %add3A_825 = arith.constant 5 : i32
      %add3A_826 = arith.addi %add3A_806, %add3A_825 : i32
      %mul3A_827 = arith.constant 80 : i32
      %mul3A_828 = arith.muli %add3A_826, %mul3A_827 : i32
      %add3A_829 = arith.addi %mul3A_2, %mul3A_828 : i32
      %dma_start3A_830 = tpu.memref_slice %arg4[%add3A_829] : memref<320000xi32, #tpu.memory_space<hbm>> -> memref<80xi32, #tpu.memory_space<hbm>>
      %dma_start3A_831 = tpu.memref_slice %arg4[%add3A_829] : memref<320000xi32, #tpu.memory_space<hbm>> -> memref<80xi32, #tpu.memory_space<hbm>>
      tpu.enqueue_dma source(%dma_start3A_831 : memref<80xi32, #tpu.memory_space<hbm>>) target(%arg19 : memref<80xi32, #tpu.memory_space<vmem>>) target_semaphore(%arg35 : memref<!tpu.dma_semaphore, #tpu.memory_space<semaphore_mem>>)
      %dma_wait3A_832 = tpu.memref_slice %arg3[%mul3A_2] : memref<320000xi32, #tpu.memory_space<hbm>> -> memref<80xi32, #tpu.memory_space<hbm>>
      %dma_wait3A_833 = tpu.memref_slice %arg3[%mul3A_2] : memref<320000xi32, #tpu.memory_space<hbm>> -> memref<80xi32, #tpu.memory_space<hbm>>
      tpu.wait_dma2 semaphore(%arg28 : memref<!tpu.dma_semaphore, #tpu.memory_space<semaphore_mem>>) src(%dma_wait3A_833 : memref<80xi32, #tpu.memory_space<hbm>>) dst(%arg12 : memref<80xi32, #tpu.memory_space<vmem>>)
      %dma_start3A_834 = arith.constant 0 : i32
      %dma_start3A_835 = arith.constant 0 : i32
      %dma_start3A_836 = tpu.memref_slice %arg2[%dma_start3A_834, %dma_start3A_835] : memref<10000x128xf32, #tpu.memory_space<hbm>> -> memref<10000x128xf32, #tpu.memory_space<hbm>>
      tpu.enqueue_indirect_dma source(%dma_start3A_836 : memref<10000x128xf32, #tpu.memory_space<hbm>>) target(%arg9 : memref<80x128xf32, #tpu.memory_space<vmem>>) offsets(%arg12 : memref<80xi32, #tpu.memory_space<vmem>>) semaphore(%arg22 : memref<!tpu.dma_semaphore, #tpu.memory_space<semaphore_mem>>)
      %mul3A_837 = arith.constant 12 : i32
      %mul3A_838 = arith.muli %mul3A_837, %scan3A_440 : i32
      %add3A_839 = arith.constant 2 : i32
      %add3A_840 = arith.addi %mul3A_838, %add3A_839 : i32
      %add3A_841 = arith.constant 11 : i32
      %add3A_842 = arith.addi %add3A_840, %add3A_841 : i32
      %dma_wait3A_843 = arith.constant 0 : i32
      %dma_wait3A_844 = arith.constant 0 : i32
      %dma_wait3A_845 = tpu.memref_slice %arg2[%dma_wait3A_843, %dma_wait3A_844] : memref<10000x128xf32, #tpu.memory_space<hbm>> -> memref<10000x128xf32, #tpu.memory_space<hbm>>
      tpu.wait_indirect_dma semaphore(%arg21 : memref<!tpu.dma_semaphore, #tpu.memory_space<semaphore_mem>>) src(%dma_wait3A_845 : memref<10000x128xf32, #tpu.memory_space<hbm>>) dst(%arg8 : memref<80x128xf32, #tpu.memory_space<vmem>>)
      %add3A_846 = arith.constant 4 : i32
      %add3A_847 = arith.addi %add3A_842, %add3A_846 : i32
      %mul3A_848 = arith.constant 80 : i32
      %mul3A_849 = arith.muli %add3A_847, %mul3A_848 : i32
      %add3A_850 = arith.addi %mul3A_2, %mul3A_849 : i32
      %dma_start3A_851 = tpu.memref_slice %arg3[%add3A_850] : memref<320000xi32, #tpu.memory_space<hbm>> -> memref<80xi32, #tpu.memory_space<hbm>>
      %dma_start3A_852 = tpu.memref_slice %arg3[%add3A_850] : memref<320000xi32, #tpu.memory_space<hbm>> -> memref<80xi32, #tpu.memory_space<hbm>>
      tpu.enqueue_dma source(%dma_start3A_852 : memref<80xi32, #tpu.memory_space<hbm>>) target(%arg11 : memref<80xi32, #tpu.memory_space<vmem>>) target_semaphore(%arg27 : memref<!tpu.dma_semaphore, #tpu.memory_space<semaphore_mem>>)
      %dma_wait3A_853 = tpu.memref_slice %arg3[%mul3A_2] : memref<320000xi32, #tpu.memory_space<hbm>> -> memref<80xi32, #tpu.memory_space<hbm>>
      %dma_wait3A_854 = tpu.memref_slice %arg3[%mul3A_2] : memref<320000xi32, #tpu.memory_space<hbm>> -> memref<80xi32, #tpu.memory_space<hbm>>
      tpu.wait_dma2 semaphore(%arg31 : memref<!tpu.dma_semaphore, #tpu.memory_space<semaphore_mem>>) src(%dma_wait3A_854 : memref<80xi32, #tpu.memory_space<hbm>>) dst(%arg15 : memref<80xi32, #tpu.memory_space<vmem>>)
      %dma_start3A_855 = arith.constant 0 : i32
      %dma_start3A_856 = arith.constant 0 : i32
      %dma_start3A_857 = tpu.memref_slice %arg6[%dma_start3A_855, %dma_start3A_856] : memref<10240x128xf32, #tpu.memory_space<vmem_shared>> -> memref<10240x128xf32, #tpu.memory_space<vmem_shared>>
      tpu.enqueue_indirect_dma source(%arg8 : memref<80x128xf32, #tpu.memory_space<vmem>>) target(%dma_start3A_857 : memref<10240x128xf32, #tpu.memory_space<vmem_shared>>) offsets(%arg15 : memref<80xi32, #tpu.memory_space<vmem>>) semaphore(%arg24 : memref<!tpu.dma_semaphore, #tpu.memory_space<semaphore_mem>>) {add = true}
      %dma_wait3A_858 = arith.constant 0 : i32
      %dma_wait3A_859 = arith.constant 0 : i32
      %dma_wait3A_860 = tpu.memref_slice %arg2[%dma_wait3A_858, %dma_wait3A_859] : memref<10000x128xf32, #tpu.memory_space<hbm>> -> memref<10000x128xf32, #tpu.memory_space<hbm>>
      tpu.wait_indirect_dma semaphore(%arg23 : memref<!tpu.dma_semaphore, #tpu.memory_space<semaphore_mem>>) src(%dma_wait3A_860 : memref<10000x128xf32, #tpu.memory_space<hbm>>) dst(%arg7 : memref<80x128xf32, #tpu.memory_space<vmem>>)
      %add3A_861 = arith.constant 5 : i32
      %add3A_862 = arith.addi %add3A_842, %add3A_861 : i32
      %mul3A_863 = arith.constant 80 : i32
      %mul3A_864 = arith.muli %add3A_862, %mul3A_863 : i32
      %add3A_865 = arith.addi %mul3A_2, %mul3A_864 : i32
      %dma_start3A_866 = tpu.memref_slice %arg4[%add3A_865] : memref<320000xi32, #tpu.memory_space<hbm>> -> memref<80xi32, #tpu.memory_space<hbm>>
      %dma_start3A_867 = tpu.memref_slice %arg4[%add3A_865] : memref<320000xi32, #tpu.memory_space<hbm>> -> memref<80xi32, #tpu.memory_space<hbm>>
      tpu.enqueue_dma source(%dma_start3A_867 : memref<80xi32, #tpu.memory_space<hbm>>) target(%arg14 : memref<80xi32, #tpu.memory_space<vmem>>) target_semaphore(%arg30 : memref<!tpu.dma_semaphore, #tpu.memory_space<semaphore_mem>>)
      %dma_wait3A_868 = tpu.memref_slice %arg3[%mul3A_2] : memref<320000xi32, #tpu.memory_space<hbm>> -> memref<80xi32, #tpu.memory_space<hbm>>
      %dma_wait3A_869 = tpu.memref_slice %arg3[%mul3A_2] : memref<320000xi32, #tpu.memory_space<hbm>> -> memref<80xi32, #tpu.memory_space<hbm>>
      tpu.wait_dma2 semaphore(%arg29 : memref<!tpu.dma_semaphore, #tpu.memory_space<semaphore_mem>>) src(%dma_wait3A_869 : memref<80xi32, #tpu.memory_space<hbm>>) dst(%arg13 : memref<80xi32, #tpu.memory_space<vmem>>)
      %dma_start3A_870 = arith.constant 0 : i32
      %dma_start3A_871 = arith.constant 0 : i32
      %dma_start3A_872 = tpu.memref_slice %arg2[%dma_start3A_870, %dma_start3A_871] : memref<10000x128xf32, #tpu.memory_space<hbm>> -> memref<10000x128xf32, #tpu.memory_space<hbm>>
      tpu.enqueue_indirect_dma source(%dma_start3A_872 : memref<10000x128xf32, #tpu.memory_space<hbm>>) target(%arg7 : memref<80x128xf32, #tpu.memory_space<vmem>>) offsets(%arg13 : memref<80xi32, #tpu.memory_space<vmem>>) semaphore(%arg20 : memref<!tpu.dma_semaphore, #tpu.memory_space<semaphore_mem>>)
    }
    %scan3A_121 = arith.constant 9 : i32
    %dma_wait3A_122 = arith.constant 0 : i32
    %dma_wait3A_123 = arith.constant 0 : i32
    %dma_wait3A_124 = tpu.memref_slice %arg2[%dma_wait3A_122, %dma_wait3A_123] : memref<10000x128xf32, #tpu.memory_space<hbm>> -> memref<10000x128xf32, #tpu.memory_space<hbm>>
    tpu.wait_indirect_dma semaphore(%arg22 : memref<!tpu.dma_semaphore, #tpu.memory_space<semaphore_mem>>) src(%dma_wait3A_124 : memref<10000x128xf32, #tpu.memory_space<hbm>>) dst(%arg9 : memref<80x128xf32, #tpu.memory_space<vmem>>)
    %add3A_125 = arith.constant 9120 : i32
    %add3A_126 = arith.addi %mul3A_2, %add3A_125 : i32
    %dma_start3A_127 = tpu.memref_slice %arg3[%add3A_126] : memref<320000xi32, #tpu.memory_space<hbm>> -> memref<80xi32, #tpu.memory_space<hbm>>
    %dma_start3A_128 = tpu.memref_slice %arg3[%add3A_126] : memref<320000xi32, #tpu.memory_space<hbm>> -> memref<80xi32, #tpu.memory_space<hbm>>
    tpu.enqueue_dma source(%dma_start3A_128 : memref<80xi32, #tpu.memory_space<hbm>>) target(%arg12 : memref<80xi32, #tpu.memory_space<vmem>>) target_semaphore(%arg28 : memref<!tpu.dma_semaphore, #tpu.memory_space<semaphore_mem>>)
    %dma_wait3A_129 = tpu.memref_slice %arg3[%mul3A_2] : memref<320000xi32, #tpu.memory_space<hbm>> -> memref<80xi32, #tpu.memory_space<hbm>>
    %dma_wait3A_130 = tpu.memref_slice %arg3[%mul3A_2] : memref<320000xi32, #tpu.memory_space<hbm>> -> memref<80xi32, #tpu.memory_space<hbm>>
    tpu.wait_dma2 semaphore(%arg32 : memref<!tpu.dma_semaphore, #tpu.memory_space<semaphore_mem>>) src(%dma_wait3A_130 : memref<80xi32, #tpu.memory_space<hbm>>) dst(%arg16 : memref<80xi32, #tpu.memory_space<vmem>>)
    %dma_start3A_131 = arith.constant 0 : i32
    %dma_start3A_132 = arith.constant 0 : i32
    %dma_start3A_133 = tpu.memref_slice %arg6[%dma_start3A_131, %dma_start3A_132] : memref<10240x128xf32, #tpu.memory_space<vmem_shared>> -> memref<10240x128xf32, #tpu.memory_space<vmem_shared>>
    tpu.enqueue_indirect_dma source(%arg9 : memref<80x128xf32, #tpu.memory_space<vmem>>) target(%dma_start3A_133 : memref<10240x128xf32, #tpu.memory_space<vmem_shared>>) offsets(%arg16 : memref<80xi32, #tpu.memory_space<vmem>>) semaphore(%arg25 : memref<!tpu.dma_semaphore, #tpu.memory_space<semaphore_mem>>) {add = true}
    %dma_wait3A_134 = arith.constant 0 : i32
    %dma_wait3A_135 = arith.constant 0 : i32
    %dma_wait3A_136 = tpu.memref_slice %arg2[%dma_wait3A_134, %dma_wait3A_135] : memref<10000x128xf32, #tpu.memory_space<hbm>> -> memref<10000x128xf32, #tpu.memory_space<hbm>>
    tpu.wait_indirect_dma semaphore(%arg24 : memref<!tpu.dma_semaphore, #tpu.memory_space<semaphore_mem>>) src(%dma_wait3A_136 : memref<10000x128xf32, #tpu.memory_space<hbm>>) dst(%arg8 : memref<80x128xf32, #tpu.memory_space<vmem>>)
    %add3A_137 = arith.constant 9200 : i32
    %add3A_138 = arith.addi %mul3A_2, %add3A_137 : i32
    %dma_start3A_139 = tpu.memref_slice %arg4[%add3A_138] : memref<320000xi32, #tpu.memory_space<hbm>> -> memref<80xi32, #tpu.memory_space<hbm>>
    %dma_start3A_140 = tpu.memref_slice %arg4[%add3A_138] : memref<320000xi32, #tpu.memory_space<hbm>> -> memref<80xi32, #tpu.memory_space<hbm>>
    tpu.enqueue_dma source(%dma_start3A_140 : memref<80xi32, #tpu.memory_space<hbm>>) target(%arg15 : memref<80xi32, #tpu.memory_space<vmem>>) target_semaphore(%arg31 : memref<!tpu.dma_semaphore, #tpu.memory_space<semaphore_mem>>)
    %dma_wait3A_141 = tpu.memref_slice %arg3[%mul3A_2] : memref<320000xi32, #tpu.memory_space<hbm>> -> memref<80xi32, #tpu.memory_space<hbm>>
    %dma_wait3A_142 = tpu.memref_slice %arg3[%mul3A_2] : memref<320000xi32, #tpu.memory_space<hbm>> -> memref<80xi32, #tpu.memory_space<hbm>>
    tpu.wait_dma2 semaphore(%arg26 : memref<!tpu.dma_semaphore, #tpu.memory_space<semaphore_mem>>) src(%dma_wait3A_142 : memref<80xi32, #tpu.memory_space<hbm>>) dst(%arg10 : memref<80xi32, #tpu.memory_space<vmem>>)
    %dma_start3A_143 = arith.constant 0 : i32
    %dma_start3A_144 = arith.constant 0 : i32
    %dma_start3A_145 = tpu.memref_slice %arg2[%dma_start3A_143, %dma_start3A_144] : memref<10000x128xf32, #tpu.memory_space<hbm>> -> memref<10000x128xf32, #tpu.memory_space<hbm>>
    tpu.enqueue_indirect_dma source(%dma_start3A_145 : memref<10000x128xf32, #tpu.memory_space<hbm>>) target(%arg8 : memref<80x128xf32, #tpu.memory_space<vmem>>) offsets(%arg10 : memref<80xi32, #tpu.memory_space<vmem>>) semaphore(%arg21 : memref<!tpu.dma_semaphore, #tpu.memory_space<semaphore_mem>>)
    %dma_wait3A_146 = arith.constant 0 : i32
    %dma_wait3A_147 = arith.constant 0 : i32
    %dma_wait3A_148 = tpu.memref_slice %arg2[%dma_wait3A_146, %dma_wait3A_147] : memref<10000x128xf32, #tpu.memory_space<hbm>> -> memref<10000x128xf32, #tpu.memory_space<hbm>>
    tpu.wait_indirect_dma semaphore(%arg20 : memref<!tpu.dma_semaphore, #tpu.memory_space<semaphore_mem>>) src(%dma_wait3A_148 : memref<10000x128xf32, #tpu.memory_space<hbm>>) dst(%arg7 : memref<80x128xf32, #tpu.memory_space<vmem>>)
    %add3A_149 = arith.constant 9200 : i32
    %add3A_150 = arith.addi %mul3A_2, %add3A_149 : i32
    %dma_start3A_151 = tpu.memref_slice %arg3[%add3A_150] : memref<320000xi32, #tpu.memory_space<hbm>> -> memref<80xi32, #tpu.memory_space<hbm>>
    %dma_start3A_152 = tpu.memref_slice %arg3[%add3A_150] : memref<320000xi32, #tpu.memory_space<hbm>> -> memref<80xi32, #tpu.memory_space<hbm>>
    tpu.enqueue_dma source(%dma_start3A_152 : memref<80xi32, #tpu.memory_space<hbm>>) target(%arg13 : memref<80xi32, #tpu.memory_space<vmem>>) target_semaphore(%arg29 : memref<!tpu.dma_semaphore, #tpu.memory_space<semaphore_mem>>)
    %dma_wait3A_153 = tpu.memref_slice %arg3[%mul3A_2] : memref<320000xi32, #tpu.memory_space<hbm>> -> memref<80xi32, #tpu.memory_space<hbm>>
    %dma_wait3A_154 = tpu.memref_slice %arg3[%mul3A_2] : memref<320000xi32, #tpu.memory_space<hbm>> -> memref<80xi32, #tpu.memory_space<hbm>>
    tpu.wait_dma2 semaphore(%arg33 : memref<!tpu.dma_semaphore, #tpu.memory_space<semaphore_mem>>) src(%dma_wait3A_154 : memref<80xi32, #tpu.memory_space<hbm>>) dst(%arg17 : memref<80xi32, #tpu.memory_space<vmem>>)
    %dma_start3A_155 = arith.constant 0 : i32
    %dma_start3A_156 = arith.constant 0 : i32
    %dma_start3A_157 = tpu.memref_slice %arg6[%dma_start3A_155, %dma_start3A_156] : memref<10240x128xf32, #tpu.memory_space<vmem_shared>> -> memref<10240x128xf32, #tpu.memory_space<vmem_shared>>
    tpu.enqueue_indirect_dma source(%arg7 : memref<80x128xf32, #tpu.memory_space<vmem>>) target(%dma_start3A_157 : memref<10240x128xf32, #tpu.memory_space<vmem_shared>>) offsets(%arg17 : memref<80xi32, #tpu.memory_space<vmem>>) semaphore(%arg23 : memref<!tpu.dma_semaphore, #tpu.memory_space<semaphore_mem>>) {add = true}
    %dma_wait3A_158 = arith.constant 0 : i32
    %dma_wait3A_159 = arith.constant 0 : i32
    %dma_wait3A_160 = tpu.memref_slice %arg2[%dma_wait3A_158, %dma_wait3A_159] : memref<10000x128xf32, #tpu.memory_space<hbm>> -> memref<10000x128xf32, #tpu.memory_space<hbm>>
    tpu.wait_indirect_dma semaphore(%arg25 : memref<!tpu.dma_semaphore, #tpu.memory_space<semaphore_mem>>) src(%dma_wait3A_160 : memref<10000x128xf32, #tpu.memory_space<hbm>>) dst(%arg9 : memref<80x128xf32, #tpu.memory_space<vmem>>)
    %add3A_161 = arith.constant 9280 : i32
    %add3A_162 = arith.addi %mul3A_2, %add3A_161 : i32
    %dma_start3A_163 = tpu.memref_slice %arg4[%add3A_162] : memref<320000xi32, #tpu.memory_space<hbm>> -> memref<80xi32, #tpu.memory_space<hbm>>
    %dma_start3A_164 = tpu.memref_slice %arg4[%add3A_162] : memref<320000xi32, #tpu.memory_space<hbm>> -> memref<80xi32, #tpu.memory_space<hbm>>
    tpu.enqueue_dma source(%dma_start3A_164 : memref<80xi32, #tpu.memory_space<hbm>>) target(%arg16 : memref<80xi32, #tpu.memory_space<vmem>>) target_semaphore(%arg32 : memref<!tpu.dma_semaphore, #tpu.memory_space<semaphore_mem>>)
    %dma_wait3A_165 = tpu.memref_slice %arg3[%mul3A_2] : memref<320000xi32, #tpu.memory_space<hbm>> -> memref<80xi32, #tpu.memory_space<hbm>>
    %dma_wait3A_166 = tpu.memref_slice %arg3[%mul3A_2] : memref<320000xi32, #tpu.memory_space<hbm>> -> memref<80xi32, #tpu.memory_space<hbm>>
    tpu.wait_dma2 semaphore(%arg27 : memref<!tpu.dma_semaphore, #tpu.memory_space<semaphore_mem>>) src(%dma_wait3A_166 : memref<80xi32, #tpu.memory_space<hbm>>) dst(%arg11 : memref<80xi32, #tpu.memory_space<vmem>>)
    %dma_start3A_167 = arith.constant 0 : i32
    %dma_start3A_168 = arith.constant 0 : i32
    %dma_start3A_169 = tpu.memref_slice %arg2[%dma_start3A_167, %dma_start3A_168] : memref<10000x128xf32, #tpu.memory_space<hbm>> -> memref<10000x128xf32, #tpu.memory_space<hbm>>
    tpu.enqueue_indirect_dma source(%dma_start3A_169 : memref<10000x128xf32, #tpu.memory_space<hbm>>) target(%arg9 : memref<80x128xf32, #tpu.memory_space<vmem>>) offsets(%arg11 : memref<80xi32, #tpu.memory_space<vmem>>) semaphore(%arg22 : memref<!tpu.dma_semaphore, #tpu.memory_space<semaphore_mem>>)
    %dma_wait3A_170 = arith.constant 0 : i32
    %dma_wait3A_171 = arith.constant 0 : i32
    %dma_wait3A_172 = tpu.memref_slice %arg2[%dma_wait3A_170, %dma_wait3A_171] : memref<10000x128xf32, #tpu.memory_space<hbm>> -> memref<10000x128xf32, #tpu.memory_space<hbm>>
    tpu.wait_indirect_dma semaphore(%arg21 : memref<!tpu.dma_semaphore, #tpu.memory_space<semaphore_mem>>) src(%dma_wait3A_172 : memref<10000x128xf32, #tpu.memory_space<hbm>>) dst(%arg8 : memref<80x128xf32, #tpu.memory_space<vmem>>)
    %add3A_173 = arith.constant 9280 : i32
    %add3A_174 = arith.addi %mul3A_2, %add3A_173 : i32
    %dma_start3A_175 = tpu.memref_slice %arg3[%add3A_174] : memref<320000xi32, #tpu.memory_space<hbm>> -> memref<80xi32, #tpu.memory_space<hbm>>
    %dma_start3A_176 = tpu.memref_slice %arg3[%add3A_174] : memref<320000xi32, #tpu.memory_space<hbm>> -> memref<80xi32, #tpu.memory_space<hbm>>
    tpu.enqueue_dma source(%dma_start3A_176 : memref<80xi32, #tpu.memory_space<hbm>>) target(%arg10 : memref<80xi32, #tpu.memory_space<vmem>>) target_semaphore(%arg26 : memref<!tpu.dma_semaphore, #tpu.memory_space<semaphore_mem>>)
    %dma_wait3A_177 = tpu.memref_slice %arg3[%mul3A_2] : memref<320000xi32, #tpu.memory_space<hbm>> -> memref<80xi32, #tpu.memory_space<hbm>>
    %dma_wait3A_178 = tpu.memref_slice %arg3[%mul3A_2] : memref<320000xi32, #tpu.memory_space<hbm>> -> memref<80xi32, #tpu.memory_space<hbm>>
    tpu.wait_dma2 semaphore(%arg34 : memref<!tpu.dma_semaphore, #tpu.memory_space<semaphore_mem>>) src(%dma_wait3A_178 : memref<80xi32, #tpu.memory_space<hbm>>) dst(%arg18 : memref<80xi32, #tpu.memory_space<vmem>>)
    %dma_start3A_179 = arith.constant 0 : i32
    %dma_start3A_180 = arith.constant 0 : i32
    %dma_start3A_181 = tpu.memref_slice %arg6[%dma_start3A_179, %dma_start3A_180] : memref<10240x128xf32, #tpu.memory_space<vmem_shared>> -> memref<10240x128xf32, #tpu.memory_space<vmem_shared>>
    tpu.enqueue_indirect_dma source(%arg8 : memref<80x128xf32, #tpu.memory_space<vmem>>) target(%dma_start3A_181 : memref<10240x128xf32, #tpu.memory_space<vmem_shared>>) offsets(%arg18 : memref<80xi32, #tpu.memory_space<vmem>>) semaphore(%arg24 : memref<!tpu.dma_semaphore, #tpu.memory_space<semaphore_mem>>) {add = true}
    %dma_wait3A_182 = arith.constant 0 : i32
    %dma_wait3A_183 = arith.constant 0 : i32
    %dma_wait3A_184 = tpu.memref_slice %arg2[%dma_wait3A_182, %dma_wait3A_183] : memref<10000x128xf32, #tpu.memory_space<hbm>> -> memref<10000x128xf32, #tpu.memory_space<hbm>>
    tpu.wait_indirect_dma semaphore(%arg23 : memref<!tpu.dma_semaphore, #tpu.memory_space<semaphore_mem>>) src(%dma_wait3A_184 : memref<10000x128xf32, #tpu.memory_space<hbm>>) dst(%arg7 : memref<80x128xf32, #tpu.memory_space<vmem>>)
    %add3A_185 = arith.constant 9360 : i32
    %add3A_186 = arith.addi %mul3A_2, %add3A_185 : i32
    %dma_start3A_187 = tpu.memref_slice %arg4[%add3A_186] : memref<320000xi32, #tpu.memory_space<hbm>> -> memref<80xi32, #tpu.memory_space<hbm>>
    %dma_start3A_188 = tpu.memref_slice %arg4[%add3A_186] : memref<320000xi32, #tpu.memory_space<hbm>> -> memref<80xi32, #tpu.memory_space<hbm>>
    tpu.enqueue_dma source(%dma_start3A_188 : memref<80xi32, #tpu.memory_space<hbm>>) target(%arg17 : memref<80xi32, #tpu.memory_space<vmem>>) target_semaphore(%arg33 : memref<!tpu.dma_semaphore, #tpu.memory_space<semaphore_mem>>)
    %dma_wait3A_189 = tpu.memref_slice %arg3[%mul3A_2] : memref<320000xi32, #tpu.memory_space<hbm>> -> memref<80xi32, #tpu.memory_space<hbm>>
    %dma_wait3A_190 = tpu.memref_slice %arg3[%mul3A_2] : memref<320000xi32, #tpu.memory_space<hbm>> -> memref<80xi32, #tpu.memory_space<hbm>>
    tpu.wait_dma2 semaphore(%arg28 : memref<!tpu.dma_semaphore, #tpu.memory_space<semaphore_mem>>) src(%dma_wait3A_190 : memref<80xi32, #tpu.memory_space<hbm>>) dst(%arg12 : memref<80xi32, #tpu.memory_space<vmem>>)
    %dma_start3A_191 = arith.constant 0 : i32
    %dma_start3A_192 = arith.constant 0 : i32
    %dma_start3A_193 = tpu.memref_slice %arg2[%dma_start3A_191, %dma_start3A_192] : memref<10000x128xf32, #tpu.memory_space<hbm>> -> memref<10000x128xf32, #tpu.memory_space<hbm>>
    tpu.enqueue_indirect_dma source(%dma_start3A_193 : memref<10000x128xf32, #tpu.memory_space<hbm>>) target(%arg7 : memref<80x128xf32, #tpu.memory_space<vmem>>) offsets(%arg12 : memref<80xi32, #tpu.memory_space<vmem>>) semaphore(%arg20 : memref<!tpu.dma_semaphore, #tpu.memory_space<semaphore_mem>>)
    %dma_wait3A_194 = arith.constant 0 : i32
    %dma_wait3A_195 = arith.constant 0 : i32
    %dma_wait3A_196 = tpu.memref_slice %arg2[%dma_wait3A_194, %dma_wait3A_195] : memref<10000x128xf32, #tpu.memory_space<hbm>> -> memref<10000x128xf32, #tpu.memory_space<hbm>>
    tpu.wait_indirect_dma semaphore(%arg22 : memref<!tpu.dma_semaphore, #tpu.memory_space<semaphore_mem>>) src(%dma_wait3A_196 : memref<10000x128xf32, #tpu.memory_space<hbm>>) dst(%arg9 : memref<80x128xf32, #tpu.memory_space<vmem>>)
    %add3A_197 = arith.constant 9360 : i32
    %add3A_198 = arith.addi %mul3A_2, %add3A_197 : i32
    %dma_start3A_199 = tpu.memref_slice %arg3[%add3A_198] : memref<320000xi32, #tpu.memory_space<hbm>> -> memref<80xi32, #tpu.memory_space<hbm>>
    %dma_start3A_200 = tpu.memref_slice %arg3[%add3A_198] : memref<320000xi32, #tpu.memory_space<hbm>> -> memref<80xi32, #tpu.memory_space<hbm>>
    tpu.enqueue_dma source(%dma_start3A_200 : memref<80xi32, #tpu.memory_space<hbm>>) target(%arg11 : memref<80xi32, #tpu.memory_space<vmem>>) target_semaphore(%arg27 : memref<!tpu.dma_semaphore, #tpu.memory_space<semaphore_mem>>)
    %dma_wait3A_201 = tpu.memref_slice %arg3[%mul3A_2] : memref<320000xi32, #tpu.memory_space<hbm>> -> memref<80xi32, #tpu.memory_space<hbm>>
    %dma_wait3A_202 = tpu.memref_slice %arg3[%mul3A_2] : memref<320000xi32, #tpu.memory_space<hbm>> -> memref<80xi32, #tpu.memory_space<hbm>>
    tpu.wait_dma2 semaphore(%arg35 : memref<!tpu.dma_semaphore, #tpu.memory_space<semaphore_mem>>) src(%dma_wait3A_202 : memref<80xi32, #tpu.memory_space<hbm>>) dst(%arg19 : memref<80xi32, #tpu.memory_space<vmem>>)
    %dma_start3A_203 = arith.constant 0 : i32
    %dma_start3A_204 = arith.constant 0 : i32
    %dma_start3A_205 = tpu.memref_slice %arg6[%dma_start3A_203, %dma_start3A_204] : memref<10240x128xf32, #tpu.memory_space<vmem_shared>> -> memref<10240x128xf32, #tpu.memory_space<vmem_shared>>
    tpu.enqueue_indirect_dma source(%arg9 : memref<80x128xf32, #tpu.memory_space<vmem>>) target(%dma_start3A_205 : memref<10240x128xf32, #tpu.memory_space<vmem_shared>>) offsets(%arg19 : memref<80xi32, #tpu.memory_space<vmem>>) semaphore(%arg25 : memref<!tpu.dma_semaphore, #tpu.memory_space<semaphore_mem>>) {add = true}
    %dma_wait3A_206 = arith.constant 0 : i32
    %dma_wait3A_207 = arith.constant 0 : i32
    %dma_wait3A_208 = tpu.memref_slice %arg2[%dma_wait3A_206, %dma_wait3A_207] : memref<10000x128xf32, #tpu.memory_space<hbm>> -> memref<10000x128xf32, #tpu.memory_space<hbm>>
    tpu.wait_indirect_dma semaphore(%arg24 : memref<!tpu.dma_semaphore, #tpu.memory_space<semaphore_mem>>) src(%dma_wait3A_208 : memref<10000x128xf32, #tpu.memory_space<hbm>>) dst(%arg8 : memref<80x128xf32, #tpu.memory_space<vmem>>)
    %add3A_209 = arith.constant 9440 : i32
    %add3A_210 = arith.addi %mul3A_2, %add3A_209 : i32
    %dma_start3A_211 = tpu.memref_slice %arg4[%add3A_210] : memref<320000xi32, #tpu.memory_space<hbm>> -> memref<80xi32, #tpu.memory_space<hbm>>
    %dma_start3A_212 = tpu.memref_slice %arg4[%add3A_210] : memref<320000xi32, #tpu.memory_space<hbm>> -> memref<80xi32, #tpu.memory_space<hbm>>
    tpu.enqueue_dma source(%dma_start3A_212 : memref<80xi32, #tpu.memory_space<hbm>>) target(%arg18 : memref<80xi32, #tpu.memory_space<vmem>>) target_semaphore(%arg34 : memref<!tpu.dma_semaphore, #tpu.memory_space<semaphore_mem>>)
    %dma_wait3A_213 = tpu.memref_slice %arg3[%mul3A_2] : memref<320000xi32, #tpu.memory_space<hbm>> -> memref<80xi32, #tpu.memory_space<hbm>>
    %dma_wait3A_214 = tpu.memref_slice %arg3[%mul3A_2] : memref<320000xi32, #tpu.memory_space<hbm>> -> memref<80xi32, #tpu.memory_space<hbm>>
    tpu.wait_dma2 semaphore(%arg29 : memref<!tpu.dma_semaphore, #tpu.memory_space<semaphore_mem>>) src(%dma_wait3A_214 : memref<80xi32, #tpu.memory_space<hbm>>) dst(%arg13 : memref<80xi32, #tpu.memory_space<vmem>>)
    %dma_start3A_215 = arith.constant 0 : i32
    %dma_start3A_216 = arith.constant 0 : i32
    %dma_start3A_217 = tpu.memref_slice %arg2[%dma_start3A_215, %dma_start3A_216] : memref<10000x128xf32, #tpu.memory_space<hbm>> -> memref<10000x128xf32, #tpu.memory_space<hbm>>
    tpu.enqueue_indirect_dma source(%dma_start3A_217 : memref<10000x128xf32, #tpu.memory_space<hbm>>) target(%arg8 : memref<80x128xf32, #tpu.memory_space<vmem>>) offsets(%arg13 : memref<80xi32, #tpu.memory_space<vmem>>) semaphore(%arg21 : memref<!tpu.dma_semaphore, #tpu.memory_space<semaphore_mem>>)
    %dma_wait3A_218 = arith.constant 0 : i32
    %dma_wait3A_219 = arith.constant 0 : i32
    %dma_wait3A_220 = tpu.memref_slice %arg2[%dma_wait3A_218, %dma_wait3A_219] : memref<10000x128xf32, #tpu.memory_space<hbm>> -> memref<10000x128xf32, #tpu.memory_space<hbm>>
    tpu.wait_indirect_dma semaphore(%arg20 : memref<!tpu.dma_semaphore, #tpu.memory_space<semaphore_mem>>) src(%dma_wait3A_220 : memref<10000x128xf32, #tpu.memory_space<hbm>>) dst(%arg7 : memref<80x128xf32, #tpu.memory_space<vmem>>)
    %add3A_221 = arith.constant 9440 : i32
    %add3A_222 = arith.addi %mul3A_2, %add3A_221 : i32
    %dma_start3A_223 = tpu.memref_slice %arg3[%add3A_222] : memref<320000xi32, #tpu.memory_space<hbm>> -> memref<80xi32, #tpu.memory_space<hbm>>
    %dma_start3A_224 = tpu.memref_slice %arg3[%add3A_222] : memref<320000xi32, #tpu.memory_space<hbm>> -> memref<80xi32, #tpu.memory_space<hbm>>
    tpu.enqueue_dma source(%dma_start3A_224 : memref<80xi32, #tpu.memory_space<hbm>>) target(%arg12 : memref<80xi32, #tpu.memory_space<vmem>>) target_semaphore(%arg28 : memref<!tpu.dma_semaphore, #tpu.memory_space<semaphore_mem>>)
    %dma_wait3A_225 = tpu.memref_slice %arg3[%mul3A_2] : memref<320000xi32, #tpu.memory_space<hbm>> -> memref<80xi32, #tpu.memory_space<hbm>>
    %dma_wait3A_226 = tpu.memref_slice %arg3[%mul3A_2] : memref<320000xi32, #tpu.memory_space<hbm>> -> memref<80xi32, #tpu.memory_space<hbm>>
    tpu.wait_dma2 semaphore(%arg30 : memref<!tpu.dma_semaphore, #tpu.memory_space<semaphore_mem>>) src(%dma_wait3A_226 : memref<80xi32, #tpu.memory_space<hbm>>) dst(%arg14 : memref<80xi32, #tpu.memory_space<vmem>>)
    %dma_start3A_227 = arith.constant 0 : i32
    %dma_start3A_228 = arith.constant 0 : i32
    %dma_start3A_229 = tpu.memref_slice %arg6[%dma_start3A_227, %dma_start3A_228] : memref<10240x128xf32, #tpu.memory_space<vmem_shared>> -> memref<10240x128xf32, #tpu.memory_space<vmem_shared>>
    tpu.enqueue_indirect_dma source(%arg7 : memref<80x128xf32, #tpu.memory_space<vmem>>) target(%dma_start3A_229 : memref<10240x128xf32, #tpu.memory_space<vmem_shared>>) offsets(%arg14 : memref<80xi32, #tpu.memory_space<vmem>>) semaphore(%arg23 : memref<!tpu.dma_semaphore, #tpu.memory_space<semaphore_mem>>) {add = true}
    %dma_wait3A_230 = arith.constant 0 : i32
    %dma_wait3A_231 = arith.constant 0 : i32
    %dma_wait3A_232 = tpu.memref_slice %arg2[%dma_wait3A_230, %dma_wait3A_231] : memref<10000x128xf32, #tpu.memory_space<hbm>> -> memref<10000x128xf32, #tpu.memory_space<hbm>>
    tpu.wait_indirect_dma semaphore(%arg25 : memref<!tpu.dma_semaphore, #tpu.memory_space<semaphore_mem>>) src(%dma_wait3A_232 : memref<10000x128xf32, #tpu.memory_space<hbm>>) dst(%arg9 : memref<80x128xf32, #tpu.memory_space<vmem>>)
    %add3A_233 = arith.constant 9520 : i32
    %add3A_234 = arith.addi %mul3A_2, %add3A_233 : i32
    %dma_start3A_235 = tpu.memref_slice %arg4[%add3A_234] : memref<320000xi32, #tpu.memory_space<hbm>> -> memref<80xi32, #tpu.memory_space<hbm>>
    %dma_start3A_236 = tpu.memref_slice %arg4[%add3A_234] : memref<320000xi32, #tpu.memory_space<hbm>> -> memref<80xi32, #tpu.memory_space<hbm>>
    tpu.enqueue_dma source(%dma_start3A_236 : memref<80xi32, #tpu.memory_space<hbm>>) target(%arg19 : memref<80xi32, #tpu.memory_space<vmem>>) target_semaphore(%arg35 : memref<!tpu.dma_semaphore, #tpu.memory_space<semaphore_mem>>)
    %dma_wait3A_237 = tpu.memref_slice %arg3[%mul3A_2] : memref<320000xi32, #tpu.memory_space<hbm>> -> memref<80xi32, #tpu.memory_space<hbm>>
    %dma_wait3A_238 = tpu.memref_slice %arg3[%mul3A_2] : memref<320000xi32, #tpu.memory_space<hbm>> -> memref<80xi32, #tpu.memory_space<hbm>>
    tpu.wait_dma2 semaphore(%arg26 : memref<!tpu.dma_semaphore, #tpu.memory_space<semaphore_mem>>) src(%dma_wait3A_238 : memref<80xi32, #tpu.memory_space<hbm>>) dst(%arg10 : memref<80xi32, #tpu.memory_space<vmem>>)
    %dma_start3A_239 = arith.constant 0 : i32
    %dma_start3A_240 = arith.constant 0 : i32
    %dma_start3A_241 = tpu.memref_slice %arg2[%dma_start3A_239, %dma_start3A_240] : memref<10000x128xf32, #tpu.memory_space<hbm>> -> memref<10000x128xf32, #tpu.memory_space<hbm>>
    tpu.enqueue_indirect_dma source(%dma_start3A_241 : memref<10000x128xf32, #tpu.memory_space<hbm>>) target(%arg9 : memref<80x128xf32, #tpu.memory_space<vmem>>) offsets(%arg10 : memref<80xi32, #tpu.memory_space<vmem>>) semaphore(%arg22 : memref<!tpu.dma_semaphore, #tpu.memory_space<semaphore_mem>>)
    %dma_wait3A_242 = arith.constant 0 : i32
    %dma_wait3A_243 = arith.constant 0 : i32
    %dma_wait3A_244 = tpu.memref_slice %arg2[%dma_wait3A_242, %dma_wait3A_243] : memref<10000x128xf32, #tpu.memory_space<hbm>> -> memref<10000x128xf32, #tpu.memory_space<hbm>>
    tpu.wait_indirect_dma semaphore(%arg21 : memref<!tpu.dma_semaphore, #tpu.memory_space<semaphore_mem>>) src(%dma_wait3A_244 : memref<10000x128xf32, #tpu.memory_space<hbm>>) dst(%arg8 : memref<80x128xf32, #tpu.memory_space<vmem>>)
    %add3A_245 = arith.constant 9520 : i32
    %add3A_246 = arith.addi %mul3A_2, %add3A_245 : i32
    %dma_start3A_247 = tpu.memref_slice %arg3[%add3A_246] : memref<320000xi32, #tpu.memory_space<hbm>> -> memref<80xi32, #tpu.memory_space<hbm>>
    %dma_start3A_248 = tpu.memref_slice %arg3[%add3A_246] : memref<320000xi32, #tpu.memory_space<hbm>> -> memref<80xi32, #tpu.memory_space<hbm>>
    tpu.enqueue_dma source(%dma_start3A_248 : memref<80xi32, #tpu.memory_space<hbm>>) target(%arg13 : memref<80xi32, #tpu.memory_space<vmem>>) target_semaphore(%arg29 : memref<!tpu.dma_semaphore, #tpu.memory_space<semaphore_mem>>)
    %dma_wait3A_249 = tpu.memref_slice %arg3[%mul3A_2] : memref<320000xi32, #tpu.memory_space<hbm>> -> memref<80xi32, #tpu.memory_space<hbm>>
    %dma_wait3A_250 = tpu.memref_slice %arg3[%mul3A_2] : memref<320000xi32, #tpu.memory_space<hbm>> -> memref<80xi32, #tpu.memory_space<hbm>>
    tpu.wait_dma2 semaphore(%arg31 : memref<!tpu.dma_semaphore, #tpu.memory_space<semaphore_mem>>) src(%dma_wait3A_250 : memref<80xi32, #tpu.memory_space<hbm>>) dst(%arg15 : memref<80xi32, #tpu.memory_space<vmem>>)
    %dma_start3A_251 = arith.constant 0 : i32
    %dma_start3A_252 = arith.constant 0 : i32
    %dma_start3A_253 = tpu.memref_slice %arg6[%dma_start3A_251, %dma_start3A_252] : memref<10240x128xf32, #tpu.memory_space<vmem_shared>> -> memref<10240x128xf32, #tpu.memory_space<vmem_shared>>
    tpu.enqueue_indirect_dma source(%arg8 : memref<80x128xf32, #tpu.memory_space<vmem>>) target(%dma_start3A_253 : memref<10240x128xf32, #tpu.memory_space<vmem_shared>>) offsets(%arg15 : memref<80xi32, #tpu.memory_space<vmem>>) semaphore(%arg24 : memref<!tpu.dma_semaphore, #tpu.memory_space<semaphore_mem>>) {add = true}
    %dma_wait3A_254 = arith.constant 0 : i32
    %dma_wait3A_255 = arith.constant 0 : i32
    %dma_wait3A_256 = tpu.memref_slice %arg2[%dma_wait3A_254, %dma_wait3A_255] : memref<10000x128xf32, #tpu.memory_space<hbm>> -> memref<10000x128xf32, #tpu.memory_space<hbm>>
    tpu.wait_indirect_dma semaphore(%arg23 : memref<!tpu.dma_semaphore, #tpu.memory_space<semaphore_mem>>) src(%dma_wait3A_256 : memref<10000x128xf32, #tpu.memory_space<hbm>>) dst(%arg7 : memref<80x128xf32, #tpu.memory_space<vmem>>)
    %add3A_257 = arith.constant 9600 : i32
    %add3A_258 = arith.addi %mul3A_2, %add3A_257 : i32
    %dma_start3A_259 = tpu.memref_slice %arg4[%add3A_258] : memref<320000xi32, #tpu.memory_space<hbm>> -> memref<80xi32, #tpu.memory_space<hbm>>
    %dma_start3A_260 = tpu.memref_slice %arg4[%add3A_258] : memref<320000xi32, #tpu.memory_space<hbm>> -> memref<80xi32, #tpu.memory_space<hbm>>
    tpu.enqueue_dma source(%dma_start3A_260 : memref<80xi32, #tpu.memory_space<hbm>>) target(%arg14 : memref<80xi32, #tpu.memory_space<vmem>>) target_semaphore(%arg30 : memref<!tpu.dma_semaphore, #tpu.memory_space<semaphore_mem>>)
    %dma_wait3A_261 = tpu.memref_slice %arg3[%mul3A_2] : memref<320000xi32, #tpu.memory_space<hbm>> -> memref<80xi32, #tpu.memory_space<hbm>>
    %dma_wait3A_262 = tpu.memref_slice %arg3[%mul3A_2] : memref<320000xi32, #tpu.memory_space<hbm>> -> memref<80xi32, #tpu.memory_space<hbm>>
    tpu.wait_dma2 semaphore(%arg27 : memref<!tpu.dma_semaphore, #tpu.memory_space<semaphore_mem>>) src(%dma_wait3A_262 : memref<80xi32, #tpu.memory_space<hbm>>) dst(%arg11 : memref<80xi32, #tpu.memory_space<vmem>>)
    %dma_start3A_263 = arith.constant 0 : i32
    %dma_start3A_264 = arith.constant 0 : i32
    %dma_start3A_265 = tpu.memref_slice %arg2[%dma_start3A_263, %dma_start3A_264] : memref<10000x128xf32, #tpu.memory_space<hbm>> -> memref<10000x128xf32, #tpu.memory_space<hbm>>
    tpu.enqueue_indirect_dma source(%dma_start3A_265 : memref<10000x128xf32, #tpu.memory_space<hbm>>) target(%arg7 : memref<80x128xf32, #tpu.memory_space<vmem>>) offsets(%arg11 : memref<80xi32, #tpu.memory_space<vmem>>) semaphore(%arg20 : memref<!tpu.dma_semaphore, #tpu.memory_space<semaphore_mem>>)
    %dma_wait3A_266 = arith.constant 0 : i32
    %dma_wait3A_267 = arith.constant 0 : i32
    %dma_wait3A_268 = tpu.memref_slice %arg2[%dma_wait3A_266, %dma_wait3A_267] : memref<10000x128xf32, #tpu.memory_space<hbm>> -> memref<10000x128xf32, #tpu.memory_space<hbm>>
    tpu.wait_indirect_dma semaphore(%arg22 : memref<!tpu.dma_semaphore, #tpu.memory_space<semaphore_mem>>) src(%dma_wait3A_268 : memref<10000x128xf32, #tpu.memory_space<hbm>>) dst(%arg9 : memref<80x128xf32, #tpu.memory_space<vmem>>)
    %add3A_269 = arith.constant 9600 : i32
    %add3A_270 = arith.addi %mul3A_2, %add3A_269 : i32
    %dma_start3A_271 = tpu.memref_slice %arg3[%add3A_270] : memref<320000xi32, #tpu.memory_space<hbm>> -> memref<80xi32, #tpu.memory_space<hbm>>
    %dma_start3A_272 = tpu.memref_slice %arg3[%add3A_270] : memref<320000xi32, #tpu.memory_space<hbm>> -> memref<80xi32, #tpu.memory_space<hbm>>
    tpu.enqueue_dma source(%dma_start3A_272 : memref<80xi32, #tpu.memory_space<hbm>>) target(%arg10 : memref<80xi32, #tpu.memory_space<vmem>>) target_semaphore(%arg26 : memref<!tpu.dma_semaphore, #tpu.memory_space<semaphore_mem>>)
    %dma_wait3A_273 = tpu.memref_slice %arg3[%mul3A_2] : memref<320000xi32, #tpu.memory_space<hbm>> -> memref<80xi32, #tpu.memory_space<hbm>>
    %dma_wait3A_274 = tpu.memref_slice %arg3[%mul3A_2] : memref<320000xi32, #tpu.memory_space<hbm>> -> memref<80xi32, #tpu.memory_space<hbm>>
    tpu.wait_dma2 semaphore(%arg32 : memref<!tpu.dma_semaphore, #tpu.memory_space<semaphore_mem>>) src(%dma_wait3A_274 : memref<80xi32, #tpu.memory_space<hbm>>) dst(%arg16 : memref<80xi32, #tpu.memory_space<vmem>>)
    %dma_start3A_275 = arith.constant 0 : i32
    %dma_start3A_276 = arith.constant 0 : i32
    %dma_start3A_277 = tpu.memref_slice %arg6[%dma_start3A_275, %dma_start3A_276] : memref<10240x128xf32, #tpu.memory_space<vmem_shared>> -> memref<10240x128xf32, #tpu.memory_space<vmem_shared>>
    tpu.enqueue_indirect_dma source(%arg9 : memref<80x128xf32, #tpu.memory_space<vmem>>) target(%dma_start3A_277 : memref<10240x128xf32, #tpu.memory_space<vmem_shared>>) offsets(%arg16 : memref<80xi32, #tpu.memory_space<vmem>>) semaphore(%arg25 : memref<!tpu.dma_semaphore, #tpu.memory_space<semaphore_mem>>) {add = true}
    %dma_wait3A_278 = arith.constant 0 : i32
    %dma_wait3A_279 = arith.constant 0 : i32
    %dma_wait3A_280 = tpu.memref_slice %arg2[%dma_wait3A_278, %dma_wait3A_279] : memref<10000x128xf32, #tpu.memory_space<hbm>> -> memref<10000x128xf32, #tpu.memory_space<hbm>>
    tpu.wait_indirect_dma semaphore(%arg24 : memref<!tpu.dma_semaphore, #tpu.memory_space<semaphore_mem>>) src(%dma_wait3A_280 : memref<10000x128xf32, #tpu.memory_space<hbm>>) dst(%arg8 : memref<80x128xf32, #tpu.memory_space<vmem>>)
    %add3A_281 = arith.constant 9680 : i32
    %add3A_282 = arith.addi %mul3A_2, %add3A_281 : i32
    %dma_start3A_283 = tpu.memref_slice %arg4[%add3A_282] : memref<320000xi32, #tpu.memory_space<hbm>> -> memref<80xi32, #tpu.memory_space<hbm>>
    %dma_start3A_284 = tpu.memref_slice %arg4[%add3A_282] : memref<320000xi32, #tpu.memory_space<hbm>> -> memref<80xi32, #tpu.memory_space<hbm>>
    tpu.enqueue_dma source(%dma_start3A_284 : memref<80xi32, #tpu.memory_space<hbm>>) target(%arg15 : memref<80xi32, #tpu.memory_space<vmem>>) target_semaphore(%arg31 : memref<!tpu.dma_semaphore, #tpu.memory_space<semaphore_mem>>)
    %dma_wait3A_285 = tpu.memref_slice %arg3[%mul3A_2] : memref<320000xi32, #tpu.memory_space<hbm>> -> memref<80xi32, #tpu.memory_space<hbm>>
    %dma_wait3A_286 = tpu.memref_slice %arg3[%mul3A_2] : memref<320000xi32, #tpu.memory_space<hbm>> -> memref<80xi32, #tpu.memory_space<hbm>>
    tpu.wait_dma2 semaphore(%arg28 : memref<!tpu.dma_semaphore, #tpu.memory_space<semaphore_mem>>) src(%dma_wait3A_286 : memref<80xi32, #tpu.memory_space<hbm>>) dst(%arg12 : memref<80xi32, #tpu.memory_space<vmem>>)
    %dma_start3A_287 = arith.constant 0 : i32
    %dma_start3A_288 = arith.constant 0 : i32
    %dma_start3A_289 = tpu.memref_slice %arg2[%dma_start3A_287, %dma_start3A_288] : memref<10000x128xf32, #tpu.memory_space<hbm>> -> memref<10000x128xf32, #tpu.memory_space<hbm>>
    tpu.enqueue_indirect_dma source(%dma_start3A_289 : memref<10000x128xf32, #tpu.memory_space<hbm>>) target(%arg8 : memref<80x128xf32, #tpu.memory_space<vmem>>) offsets(%arg12 : memref<80xi32, #tpu.memory_space<vmem>>) semaphore(%arg21 : memref<!tpu.dma_semaphore, #tpu.memory_space<semaphore_mem>>)
    %dma_wait3A_290 = arith.constant 0 : i32
    %dma_wait3A_291 = arith.constant 0 : i32
    %dma_wait3A_292 = tpu.memref_slice %arg2[%dma_wait3A_290, %dma_wait3A_291] : memref<10000x128xf32, #tpu.memory_space<hbm>> -> memref<10000x128xf32, #tpu.memory_space<hbm>>
    tpu.wait_indirect_dma semaphore(%arg20 : memref<!tpu.dma_semaphore, #tpu.memory_space<semaphore_mem>>) src(%dma_wait3A_292 : memref<10000x128xf32, #tpu.memory_space<hbm>>) dst(%arg7 : memref<80x128xf32, #tpu.memory_space<vmem>>)
    %add3A_293 = arith.constant 9680 : i32
    %add3A_294 = arith.addi %mul3A_2, %add3A_293 : i32
    %dma_start3A_295 = tpu.memref_slice %arg3[%add3A_294] : memref<320000xi32, #tpu.memory_space<hbm>> -> memref<80xi32, #tpu.memory_space<hbm>>
    %dma_start3A_296 = tpu.memref_slice %arg3[%add3A_294] : memref<320000xi32, #tpu.memory_space<hbm>> -> memref<80xi32, #tpu.memory_space<hbm>>
    tpu.enqueue_dma source(%dma_start3A_296 : memref<80xi32, #tpu.memory_space<hbm>>) target(%arg11 : memref<80xi32, #tpu.memory_space<vmem>>) target_semaphore(%arg27 : memref<!tpu.dma_semaphore, #tpu.memory_space<semaphore_mem>>)
    %dma_wait3A_297 = tpu.memref_slice %arg3[%mul3A_2] : memref<320000xi32, #tpu.memory_space<hbm>> -> memref<80xi32, #tpu.memory_space<hbm>>
    %dma_wait3A_298 = tpu.memref_slice %arg3[%mul3A_2] : memref<320000xi32, #tpu.memory_space<hbm>> -> memref<80xi32, #tpu.memory_space<hbm>>
    tpu.wait_dma2 semaphore(%arg33 : memref<!tpu.dma_semaphore, #tpu.memory_space<semaphore_mem>>) src(%dma_wait3A_298 : memref<80xi32, #tpu.memory_space<hbm>>) dst(%arg17 : memref<80xi32, #tpu.memory_space<vmem>>)
    %dma_start3A_299 = arith.constant 0 : i32
    %dma_start3A_300 = arith.constant 0 : i32
    %dma_start3A_301 = tpu.memref_slice %arg6[%dma_start3A_299, %dma_start3A_300] : memref<10240x128xf32, #tpu.memory_space<vmem_shared>> -> memref<10240x128xf32, #tpu.memory_space<vmem_shared>>
    tpu.enqueue_indirect_dma source(%arg7 : memref<80x128xf32, #tpu.memory_space<vmem>>) target(%dma_start3A_301 : memref<10240x128xf32, #tpu.memory_space<vmem_shared>>) offsets(%arg17 : memref<80xi32, #tpu.memory_space<vmem>>) semaphore(%arg23 : memref<!tpu.dma_semaphore, #tpu.memory_space<semaphore_mem>>) {add = true}
    %dma_wait3A_302 = arith.constant 0 : i32
    %dma_wait3A_303 = arith.constant 0 : i32
    %dma_wait3A_304 = tpu.memref_slice %arg2[%dma_wait3A_302, %dma_wait3A_303] : memref<10000x128xf32, #tpu.memory_space<hbm>> -> memref<10000x128xf32, #tpu.memory_space<hbm>>
    tpu.wait_indirect_dma semaphore(%arg25 : memref<!tpu.dma_semaphore, #tpu.memory_space<semaphore_mem>>) src(%dma_wait3A_304 : memref<10000x128xf32, #tpu.memory_space<hbm>>) dst(%arg9 : memref<80x128xf32, #tpu.memory_space<vmem>>)
    %add3A_305 = arith.constant 9760 : i32
    %add3A_306 = arith.addi %mul3A_2, %add3A_305 : i32
    %dma_start3A_307 = tpu.memref_slice %arg4[%add3A_306] : memref<320000xi32, #tpu.memory_space<hbm>> -> memref<80xi32, #tpu.memory_space<hbm>>
    %dma_start3A_308 = tpu.memref_slice %arg4[%add3A_306] : memref<320000xi32, #tpu.memory_space<hbm>> -> memref<80xi32, #tpu.memory_space<hbm>>
    tpu.enqueue_dma source(%dma_start3A_308 : memref<80xi32, #tpu.memory_space<hbm>>) target(%arg16 : memref<80xi32, #tpu.memory_space<vmem>>) target_semaphore(%arg32 : memref<!tpu.dma_semaphore, #tpu.memory_space<semaphore_mem>>)
    %dma_wait3A_309 = tpu.memref_slice %arg3[%mul3A_2] : memref<320000xi32, #tpu.memory_space<hbm>> -> memref<80xi32, #tpu.memory_space<hbm>>
    %dma_wait3A_310 = tpu.memref_slice %arg3[%mul3A_2] : memref<320000xi32, #tpu.memory_space<hbm>> -> memref<80xi32, #tpu.memory_space<hbm>>
    tpu.wait_dma2 semaphore(%arg29 : memref<!tpu.dma_semaphore, #tpu.memory_space<semaphore_mem>>) src(%dma_wait3A_310 : memref<80xi32, #tpu.memory_space<hbm>>) dst(%arg13 : memref<80xi32, #tpu.memory_space<vmem>>)
    %dma_start3A_311 = arith.constant 0 : i32
    %dma_start3A_312 = arith.constant 0 : i32
    %dma_start3A_313 = tpu.memref_slice %arg2[%dma_start3A_311, %dma_start3A_312] : memref<10000x128xf32, #tpu.memory_space<hbm>> -> memref<10000x128xf32, #tpu.memory_space<hbm>>
    tpu.enqueue_indirect_dma source(%dma_start3A_313 : memref<10000x128xf32, #tpu.memory_space<hbm>>) target(%arg9 : memref<80x128xf32, #tpu.memory_space<vmem>>) offsets(%arg13 : memref<80xi32, #tpu.memory_space<vmem>>) semaphore(%arg22 : memref<!tpu.dma_semaphore, #tpu.memory_space<semaphore_mem>>)
    %dma_wait3A_314 = arith.constant 0 : i32
    %dma_wait3A_315 = arith.constant 0 : i32
    %dma_wait3A_316 = tpu.memref_slice %arg2[%dma_wait3A_314, %dma_wait3A_315] : memref<10000x128xf32, #tpu.memory_space<hbm>> -> memref<10000x128xf32, #tpu.memory_space<hbm>>
    tpu.wait_indirect_dma semaphore(%arg21 : memref<!tpu.dma_semaphore, #tpu.memory_space<semaphore_mem>>) src(%dma_wait3A_316 : memref<10000x128xf32, #tpu.memory_space<hbm>>) dst(%arg8 : memref<80x128xf32, #tpu.memory_space<vmem>>)
    %add3A_317 = arith.constant 9760 : i32
    %add3A_318 = arith.addi %mul3A_2, %add3A_317 : i32
    %dma_start3A_319 = tpu.memref_slice %arg3[%add3A_318] : memref<320000xi32, #tpu.memory_space<hbm>> -> memref<80xi32, #tpu.memory_space<hbm>>
    %dma_start3A_320 = tpu.memref_slice %arg3[%add3A_318] : memref<320000xi32, #tpu.memory_space<hbm>> -> memref<80xi32, #tpu.memory_space<hbm>>
    tpu.enqueue_dma source(%dma_start3A_320 : memref<80xi32, #tpu.memory_space<hbm>>) target(%arg12 : memref<80xi32, #tpu.memory_space<vmem>>) target_semaphore(%arg28 : memref<!tpu.dma_semaphore, #tpu.memory_space<semaphore_mem>>)
    %dma_wait3A_321 = tpu.memref_slice %arg3[%mul3A_2] : memref<320000xi32, #tpu.memory_space<hbm>> -> memref<80xi32, #tpu.memory_space<hbm>>
    %dma_wait3A_322 = tpu.memref_slice %arg3[%mul3A_2] : memref<320000xi32, #tpu.memory_space<hbm>> -> memref<80xi32, #tpu.memory_space<hbm>>
    tpu.wait_dma2 semaphore(%arg34 : memref<!tpu.dma_semaphore, #tpu.memory_space<semaphore_mem>>) src(%dma_wait3A_322 : memref<80xi32, #tpu.memory_space<hbm>>) dst(%arg18 : memref<80xi32, #tpu.memory_space<vmem>>)
    %dma_start3A_323 = arith.constant 0 : i32
    %dma_start3A_324 = arith.constant 0 : i32
    %dma_start3A_325 = tpu.memref_slice %arg6[%dma_start3A_323, %dma_start3A_324] : memref<10240x128xf32, #tpu.memory_space<vmem_shared>> -> memref<10240x128xf32, #tpu.memory_space<vmem_shared>>
    tpu.enqueue_indirect_dma source(%arg8 : memref<80x128xf32, #tpu.memory_space<vmem>>) target(%dma_start3A_325 : memref<10240x128xf32, #tpu.memory_space<vmem_shared>>) offsets(%arg18 : memref<80xi32, #tpu.memory_space<vmem>>) semaphore(%arg24 : memref<!tpu.dma_semaphore, #tpu.memory_space<semaphore_mem>>) {add = true}
    %dma_wait3A_326 = arith.constant 0 : i32
    %dma_wait3A_327 = arith.constant 0 : i32
    %dma_wait3A_328 = tpu.memref_slice %arg2[%dma_wait3A_326, %dma_wait3A_327] : memref<10000x128xf32, #tpu.memory_space<hbm>> -> memref<10000x128xf32, #tpu.memory_space<hbm>>
    tpu.wait_indirect_dma semaphore(%arg23 : memref<!tpu.dma_semaphore, #tpu.memory_space<semaphore_mem>>) src(%dma_wait3A_328 : memref<10000x128xf32, #tpu.memory_space<hbm>>) dst(%arg7 : memref<80x128xf32, #tpu.memory_space<vmem>>)
    %add3A_329 = arith.constant 9840 : i32
    %add3A_330 = arith.addi %mul3A_2, %add3A_329 : i32
    %dma_start3A_331 = tpu.memref_slice %arg4[%add3A_330] : memref<320000xi32, #tpu.memory_space<hbm>> -> memref<80xi32, #tpu.memory_space<hbm>>
    %dma_start3A_332 = tpu.memref_slice %arg4[%add3A_330] : memref<320000xi32, #tpu.memory_space<hbm>> -> memref<80xi32, #tpu.memory_space<hbm>>
    tpu.enqueue_dma source(%dma_start3A_332 : memref<80xi32, #tpu.memory_space<hbm>>) target(%arg17 : memref<80xi32, #tpu.memory_space<vmem>>) target_semaphore(%arg33 : memref<!tpu.dma_semaphore, #tpu.memory_space<semaphore_mem>>)
    %dma_wait3A_333 = tpu.memref_slice %arg3[%mul3A_2] : memref<320000xi32, #tpu.memory_space<hbm>> -> memref<80xi32, #tpu.memory_space<hbm>>
    %dma_wait3A_334 = tpu.memref_slice %arg3[%mul3A_2] : memref<320000xi32, #tpu.memory_space<hbm>> -> memref<80xi32, #tpu.memory_space<hbm>>
    tpu.wait_dma2 semaphore(%arg26 : memref<!tpu.dma_semaphore, #tpu.memory_space<semaphore_mem>>) src(%dma_wait3A_334 : memref<80xi32, #tpu.memory_space<hbm>>) dst(%arg10 : memref<80xi32, #tpu.memory_space<vmem>>)
    %dma_start3A_335 = arith.constant 0 : i32
    %dma_start3A_336 = arith.constant 0 : i32
    %dma_start3A_337 = tpu.memref_slice %arg2[%dma_start3A_335, %dma_start3A_336] : memref<10000x128xf32, #tpu.memory_space<hbm>> -> memref<10000x128xf32, #tpu.memory_space<hbm>>
    tpu.enqueue_indirect_dma source(%dma_start3A_337 : memref<10000x128xf32, #tpu.memory_space<hbm>>) target(%arg7 : memref<80x128xf32, #tpu.memory_space<vmem>>) offsets(%arg10 : memref<80xi32, #tpu.memory_space<vmem>>) semaphore(%arg20 : memref<!tpu.dma_semaphore, #tpu.memory_space<semaphore_mem>>)
    %dma_wait3A_338 = arith.constant 0 : i32
    %dma_wait3A_339 = arith.constant 0 : i32
    %dma_wait3A_340 = tpu.memref_slice %arg2[%dma_wait3A_338, %dma_wait3A_339] : memref<10000x128xf32, #tpu.memory_space<hbm>> -> memref<10000x128xf32, #tpu.memory_space<hbm>>
    tpu.wait_indirect_dma semaphore(%arg22 : memref<!tpu.dma_semaphore, #tpu.memory_space<semaphore_mem>>) src(%dma_wait3A_340 : memref<10000x128xf32, #tpu.memory_space<hbm>>) dst(%arg9 : memref<80x128xf32, #tpu.memory_space<vmem>>)
    %add3A_341 = arith.constant 9840 : i32
    %add3A_342 = arith.addi %mul3A_2, %add3A_341 : i32
    %dma_start3A_343 = tpu.memref_slice %arg3[%add3A_342] : memref<320000xi32, #tpu.memory_space<hbm>> -> memref<80xi32, #tpu.memory_space<hbm>>
    %dma_start3A_344 = tpu.memref_slice %arg3[%add3A_342] : memref<320000xi32, #tpu.memory_space<hbm>> -> memref<80xi32, #tpu.memory_space<hbm>>
    tpu.enqueue_dma source(%dma_start3A_344 : memref<80xi32, #tpu.memory_space<hbm>>) target(%arg13 : memref<80xi32, #tpu.memory_space<vmem>>) target_semaphore(%arg29 : memref<!tpu.dma_semaphore, #tpu.memory_space<semaphore_mem>>)
    %dma_wait3A_345 = tpu.memref_slice %arg3[%mul3A_2] : memref<320000xi32, #tpu.memory_space<hbm>> -> memref<80xi32, #tpu.memory_space<hbm>>
    %dma_wait3A_346 = tpu.memref_slice %arg3[%mul3A_2] : memref<320000xi32, #tpu.memory_space<hbm>> -> memref<80xi32, #tpu.memory_space<hbm>>
    tpu.wait_dma2 semaphore(%arg35 : memref<!tpu.dma_semaphore, #tpu.memory_space<semaphore_mem>>) src(%dma_wait3A_346 : memref<80xi32, #tpu.memory_space<hbm>>) dst(%arg19 : memref<80xi32, #tpu.memory_space<vmem>>)
    %dma_start3A_347 = arith.constant 0 : i32
    %dma_start3A_348 = arith.constant 0 : i32
    %dma_start3A_349 = tpu.memref_slice %arg6[%dma_start3A_347, %dma_start3A_348] : memref<10240x128xf32, #tpu.memory_space<vmem_shared>> -> memref<10240x128xf32, #tpu.memory_space<vmem_shared>>
    tpu.enqueue_indirect_dma source(%arg9 : memref<80x128xf32, #tpu.memory_space<vmem>>) target(%dma_start3A_349 : memref<10240x128xf32, #tpu.memory_space<vmem_shared>>) offsets(%arg19 : memref<80xi32, #tpu.memory_space<vmem>>) semaphore(%arg25 : memref<!tpu.dma_semaphore, #tpu.memory_space<semaphore_mem>>) {add = true}
    %dma_wait3A_350 = arith.constant 0 : i32
    %dma_wait3A_351 = arith.constant 0 : i32
    %dma_wait3A_352 = tpu.memref_slice %arg2[%dma_wait3A_350, %dma_wait3A_351] : memref<10000x128xf32, #tpu.memory_space<hbm>> -> memref<10000x128xf32, #tpu.memory_space<hbm>>
    tpu.wait_indirect_dma semaphore(%arg24 : memref<!tpu.dma_semaphore, #tpu.memory_space<semaphore_mem>>) src(%dma_wait3A_352 : memref<10000x128xf32, #tpu.memory_space<hbm>>) dst(%arg8 : memref<80x128xf32, #tpu.memory_space<vmem>>)
    %add3A_353 = arith.constant 9920 : i32
    %add3A_354 = arith.addi %mul3A_2, %add3A_353 : i32
    %dma_start3A_355 = tpu.memref_slice %arg4[%add3A_354] : memref<320000xi32, #tpu.memory_space<hbm>> -> memref<80xi32, #tpu.memory_space<hbm>>
    %dma_start3A_356 = tpu.memref_slice %arg4[%add3A_354] : memref<320000xi32, #tpu.memory_space<hbm>> -> memref<80xi32, #tpu.memory_space<hbm>>
    tpu.enqueue_dma source(%dma_start3A_356 : memref<80xi32, #tpu.memory_space<hbm>>) target(%arg18 : memref<80xi32, #tpu.memory_space<vmem>>) target_semaphore(%arg34 : memref<!tpu.dma_semaphore, #tpu.memory_space<semaphore_mem>>)
    %dma_wait3A_357 = tpu.memref_slice %arg3[%mul3A_2] : memref<320000xi32, #tpu.memory_space<hbm>> -> memref<80xi32, #tpu.memory_space<hbm>>
    %dma_wait3A_358 = tpu.memref_slice %arg3[%mul3A_2] : memref<320000xi32, #tpu.memory_space<hbm>> -> memref<80xi32, #tpu.memory_space<hbm>>
    tpu.wait_dma2 semaphore(%arg27 : memref<!tpu.dma_semaphore, #tpu.memory_space<semaphore_mem>>) src(%dma_wait3A_358 : memref<80xi32, #tpu.memory_space<hbm>>) dst(%arg11 : memref<80xi32, #tpu.memory_space<vmem>>)
    %dma_start3A_359 = arith.constant 0 : i32
    %dma_start3A_360 = arith.constant 0 : i32
    %dma_start3A_361 = tpu.memref_slice %arg2[%dma_start3A_359, %dma_start3A_360] : memref<10000x128xf32, #tpu.memory_space<hbm>> -> memref<10000x128xf32, #tpu.memory_space<hbm>>
    tpu.enqueue_indirect_dma source(%dma_start3A_361 : memref<10000x128xf32, #tpu.memory_space<hbm>>) target(%arg8 : memref<80x128xf32, #tpu.memory_space<vmem>>) offsets(%arg11 : memref<80xi32, #tpu.memory_space<vmem>>) semaphore(%arg21 : memref<!tpu.dma_semaphore, #tpu.memory_space<semaphore_mem>>)
    %dma_wait3A_362 = arith.constant 0 : i32
    %dma_wait3A_363 = arith.constant 0 : i32
    %dma_wait3A_364 = tpu.memref_slice %arg2[%dma_wait3A_362, %dma_wait3A_363] : memref<10000x128xf32, #tpu.memory_space<hbm>> -> memref<10000x128xf32, #tpu.memory_space<hbm>>
    tpu.wait_indirect_dma semaphore(%arg20 : memref<!tpu.dma_semaphore, #tpu.memory_space<semaphore_mem>>) src(%dma_wait3A_364 : memref<10000x128xf32, #tpu.memory_space<hbm>>) dst(%arg7 : memref<80x128xf32, #tpu.memory_space<vmem>>)
    %add3A_365 = arith.constant 9920 : i32
    %add3A_366 = arith.addi %mul3A_2, %add3A_365 : i32
    %dma_start3A_367 = tpu.memref_slice %arg3[%add3A_366] : memref<320000xi32, #tpu.memory_space<hbm>> -> memref<80xi32, #tpu.memory_space<hbm>>
    %dma_start3A_368 = tpu.memref_slice %arg3[%add3A_366] : memref<320000xi32, #tpu.memory_space<hbm>> -> memref<80xi32, #tpu.memory_space<hbm>>
    tpu.enqueue_dma source(%dma_start3A_368 : memref<80xi32, #tpu.memory_space<hbm>>) target(%arg10 : memref<80xi32, #tpu.memory_space<vmem>>) target_semaphore(%arg26 : memref<!tpu.dma_semaphore, #tpu.memory_space<semaphore_mem>>)
    %dma_wait3A_369 = tpu.memref_slice %arg3[%mul3A_2] : memref<320000xi32, #tpu.memory_space<hbm>> -> memref<80xi32, #tpu.memory_space<hbm>>
    %dma_wait3A_370 = tpu.memref_slice %arg3[%mul3A_2] : memref<320000xi32, #tpu.memory_space<hbm>> -> memref<80xi32, #tpu.memory_space<hbm>>
    tpu.wait_dma2 semaphore(%arg30 : memref<!tpu.dma_semaphore, #tpu.memory_space<semaphore_mem>>) src(%dma_wait3A_370 : memref<80xi32, #tpu.memory_space<hbm>>) dst(%arg14 : memref<80xi32, #tpu.memory_space<vmem>>)
    %dma_start3A_371 = arith.constant 0 : i32
    %dma_start3A_372 = arith.constant 0 : i32
    %dma_start3A_373 = tpu.memref_slice %arg6[%dma_start3A_371, %dma_start3A_372] : memref<10240x128xf32, #tpu.memory_space<vmem_shared>> -> memref<10240x128xf32, #tpu.memory_space<vmem_shared>>
    tpu.enqueue_indirect_dma source(%arg7 : memref<80x128xf32, #tpu.memory_space<vmem>>) target(%dma_start3A_373 : memref<10240x128xf32, #tpu.memory_space<vmem_shared>>) offsets(%arg14 : memref<80xi32, #tpu.memory_space<vmem>>) semaphore(%arg23 : memref<!tpu.dma_semaphore, #tpu.memory_space<semaphore_mem>>) {add = true}
    %dma_wait3A_374 = arith.constant 0 : i32
    %dma_wait3A_375 = arith.constant 0 : i32
    %dma_wait3A_376 = tpu.memref_slice %arg2[%dma_wait3A_374, %dma_wait3A_375] : memref<10000x128xf32, #tpu.memory_space<hbm>> -> memref<10000x128xf32, #tpu.memory_space<hbm>>
    tpu.wait_indirect_dma semaphore(%arg25 : memref<!tpu.dma_semaphore, #tpu.memory_space<semaphore_mem>>) src(%dma_wait3A_376 : memref<10000x128xf32, #tpu.memory_space<hbm>>) dst(%arg9 : memref<80x128xf32, #tpu.memory_space<vmem>>)
    %dma_wait3A_377 = tpu.memref_slice %arg3[%mul3A_2] : memref<320000xi32, #tpu.memory_space<hbm>> -> memref<80xi32, #tpu.memory_space<hbm>>
    %dma_wait3A_378 = tpu.memref_slice %arg3[%mul3A_2] : memref<320000xi32, #tpu.memory_space<hbm>> -> memref<80xi32, #tpu.memory_space<hbm>>
    tpu.wait_dma2 semaphore(%arg28 : memref<!tpu.dma_semaphore, #tpu.memory_space<semaphore_mem>>) src(%dma_wait3A_378 : memref<80xi32, #tpu.memory_space<hbm>>) dst(%arg12 : memref<80xi32, #tpu.memory_space<vmem>>)
    %dma_start3A_379 = arith.constant 0 : i32
    %dma_start3A_380 = arith.constant 0 : i32
    %dma_start3A_381 = tpu.memref_slice %arg2[%dma_start3A_379, %dma_start3A_380] : memref<10000x128xf32, #tpu.memory_space<hbm>> -> memref<10000x128xf32, #tpu.memory_space<hbm>>
    tpu.enqueue_indirect_dma source(%dma_start3A_381 : memref<10000x128xf32, #tpu.memory_space<hbm>>) target(%arg9 : memref<80x128xf32, #tpu.memory_space<vmem>>) offsets(%arg12 : memref<80xi32, #tpu.memory_space<vmem>>) semaphore(%arg22 : memref<!tpu.dma_semaphore, #tpu.memory_space<semaphore_mem>>)
    %dma_wait3A_382 = arith.constant 0 : i32
    %dma_wait3A_383 = arith.constant 0 : i32
    %dma_wait3A_384 = tpu.memref_slice %arg2[%dma_wait3A_382, %dma_wait3A_383] : memref<10000x128xf32, #tpu.memory_space<hbm>> -> memref<10000x128xf32, #tpu.memory_space<hbm>>
    tpu.wait_indirect_dma semaphore(%arg21 : memref<!tpu.dma_semaphore, #tpu.memory_space<semaphore_mem>>) src(%dma_wait3A_384 : memref<10000x128xf32, #tpu.memory_space<hbm>>) dst(%arg8 : memref<80x128xf32, #tpu.memory_space<vmem>>)
    %dma_wait3A_385 = tpu.memref_slice %arg3[%mul3A_2] : memref<320000xi32, #tpu.memory_space<hbm>> -> memref<80xi32, #tpu.memory_space<hbm>>
    %dma_wait3A_386 = tpu.memref_slice %arg3[%mul3A_2] : memref<320000xi32, #tpu.memory_space<hbm>> -> memref<80xi32, #tpu.memory_space<hbm>>
    tpu.wait_dma2 semaphore(%arg31 : memref<!tpu.dma_semaphore, #tpu.memory_space<semaphore_mem>>) src(%dma_wait3A_386 : memref<80xi32, #tpu.memory_space<hbm>>) dst(%arg15 : memref<80xi32, #tpu.memory_space<vmem>>)
    %dma_start3A_387 = arith.constant 0 : i32
    %dma_start3A_388 = arith.constant 0 : i32
    %dma_start3A_389 = tpu.memref_slice %arg6[%dma_start3A_387, %dma_start3A_388] : memref<10240x128xf32, #tpu.memory_space<vmem_shared>> -> memref<10240x128xf32, #tpu.memory_space<vmem_shared>>
    tpu.enqueue_indirect_dma source(%arg8 : memref<80x128xf32, #tpu.memory_space<vmem>>) target(%dma_start3A_389 : memref<10240x128xf32, #tpu.memory_space<vmem_shared>>) offsets(%arg15 : memref<80xi32, #tpu.memory_space<vmem>>) semaphore(%arg24 : memref<!tpu.dma_semaphore, #tpu.memory_space<semaphore_mem>>) {add = true}
    %dma_wait3A_390 = arith.constant 0 : i32
    %dma_wait3A_391 = arith.constant 0 : i32
    %dma_wait3A_392 = tpu.memref_slice %arg2[%dma_wait3A_390, %dma_wait3A_391] : memref<10000x128xf32, #tpu.memory_space<hbm>> -> memref<10000x128xf32, #tpu.memory_space<hbm>>
    tpu.wait_indirect_dma semaphore(%arg23 : memref<!tpu.dma_semaphore, #tpu.memory_space<semaphore_mem>>) src(%dma_wait3A_392 : memref<10000x128xf32, #tpu.memory_space<hbm>>) dst(%arg7 : memref<80x128xf32, #tpu.memory_space<vmem>>)
    %dma_wait3A_393 = tpu.memref_slice %arg3[%mul3A_2] : memref<320000xi32, #tpu.memory_space<hbm>> -> memref<80xi32, #tpu.memory_space<hbm>>
    %dma_wait3A_394 = tpu.memref_slice %arg3[%mul3A_2] : memref<320000xi32, #tpu.memory_space<hbm>> -> memref<80xi32, #tpu.memory_space<hbm>>
    tpu.wait_dma2 semaphore(%arg29 : memref<!tpu.dma_semaphore, #tpu.memory_space<semaphore_mem>>) src(%dma_wait3A_394 : memref<80xi32, #tpu.memory_space<hbm>>) dst(%arg13 : memref<80xi32, #tpu.memory_space<vmem>>)
    %dma_start3A_395 = arith.constant 0 : i32
    %dma_start3A_396 = arith.constant 0 : i32
    %dma_start3A_397 = tpu.memref_slice %arg2[%dma_start3A_395, %dma_start3A_396] : memref<10000x128xf32, #tpu.memory_space<hbm>> -> memref<10000x128xf32, #tpu.memory_space<hbm>>
    tpu.enqueue_indirect_dma source(%dma_start3A_397 : memref<10000x128xf32, #tpu.memory_space<hbm>>) target(%arg7 : memref<80x128xf32, #tpu.memory_space<vmem>>) offsets(%arg13 : memref<80xi32, #tpu.memory_space<vmem>>) semaphore(%arg20 : memref<!tpu.dma_semaphore, #tpu.memory_space<semaphore_mem>>)
    %dma_wait3A_398 = arith.constant 0 : i32
    %dma_wait3A_399 = arith.constant 0 : i32
    %dma_wait3A_400 = tpu.memref_slice %arg2[%dma_wait3A_398, %dma_wait3A_399] : memref<10000x128xf32, #tpu.memory_space<hbm>> -> memref<10000x128xf32, #tpu.memory_space<hbm>>
    tpu.wait_indirect_dma semaphore(%arg22 : memref<!tpu.dma_semaphore, #tpu.memory_space<semaphore_mem>>) src(%dma_wait3A_400 : memref<10000x128xf32, #tpu.memory_space<hbm>>) dst(%arg9 : memref<80x128xf32, #tpu.memory_space<vmem>>)
    %dma_wait3A_401 = tpu.memref_slice %arg3[%mul3A_2] : memref<320000xi32, #tpu.memory_space<hbm>> -> memref<80xi32, #tpu.memory_space<hbm>>
    %dma_wait3A_402 = tpu.memref_slice %arg3[%mul3A_2] : memref<320000xi32, #tpu.memory_space<hbm>> -> memref<80xi32, #tpu.memory_space<hbm>>
    tpu.wait_dma2 semaphore(%arg32 : memref<!tpu.dma_semaphore, #tpu.memory_space<semaphore_mem>>) src(%dma_wait3A_402 : memref<80xi32, #tpu.memory_space<hbm>>) dst(%arg16 : memref<80xi32, #tpu.memory_space<vmem>>)
    %dma_start3A_403 = arith.constant 0 : i32
    %dma_start3A_404 = arith.constant 0 : i32
    %dma_start3A_405 = tpu.memref_slice %arg6[%dma_start3A_403, %dma_start3A_404] : memref<10240x128xf32, #tpu.memory_space<vmem_shared>> -> memref<10240x128xf32, #tpu.memory_space<vmem_shared>>
    tpu.enqueue_indirect_dma source(%arg9 : memref<80x128xf32, #tpu.memory_space<vmem>>) target(%dma_start3A_405 : memref<10240x128xf32, #tpu.memory_space<vmem_shared>>) offsets(%arg16 : memref<80xi32, #tpu.memory_space<vmem>>) semaphore(%arg25 : memref<!tpu.dma_semaphore, #tpu.memory_space<semaphore_mem>>) {add = true}
    %dma_wait3A_406 = arith.constant 0 : i32
    %dma_wait3A_407 = arith.constant 0 : i32
    %dma_wait3A_408 = tpu.memref_slice %arg2[%dma_wait3A_406, %dma_wait3A_407] : memref<10000x128xf32, #tpu.memory_space<hbm>> -> memref<10000x128xf32, #tpu.memory_space<hbm>>
    tpu.wait_indirect_dma semaphore(%arg24 : memref<!tpu.dma_semaphore, #tpu.memory_space<semaphore_mem>>) src(%dma_wait3A_408 : memref<10000x128xf32, #tpu.memory_space<hbm>>) dst(%arg8 : memref<80x128xf32, #tpu.memory_space<vmem>>)
    %dma_wait3A_409 = tpu.memref_slice %arg3[%mul3A_2] : memref<320000xi32, #tpu.memory_space<hbm>> -> memref<80xi32, #tpu.memory_space<hbm>>
    %dma_wait3A_410 = tpu.memref_slice %arg3[%mul3A_2] : memref<320000xi32, #tpu.memory_space<hbm>> -> memref<80xi32, #tpu.memory_space<hbm>>
    tpu.wait_dma2 semaphore(%arg26 : memref<!tpu.dma_semaphore, #tpu.memory_space<semaphore_mem>>) src(%dma_wait3A_410 : memref<80xi32, #tpu.memory_space<hbm>>) dst(%arg10 : memref<80xi32, #tpu.memory_space<vmem>>)
    %dma_start3A_411 = arith.constant 0 : i32
    %dma_start3A_412 = arith.constant 0 : i32
    %dma_start3A_413 = tpu.memref_slice %arg2[%dma_start3A_411, %dma_start3A_412] : memref<10000x128xf32, #tpu.memory_space<hbm>> -> memref<10000x128xf32, #tpu.memory_space<hbm>>
    tpu.enqueue_indirect_dma source(%dma_start3A_413 : memref<10000x128xf32, #tpu.memory_space<hbm>>) target(%arg8 : memref<80x128xf32, #tpu.memory_space<vmem>>) offsets(%arg10 : memref<80xi32, #tpu.memory_space<vmem>>) semaphore(%arg21 : memref<!tpu.dma_semaphore, #tpu.memory_space<semaphore_mem>>)
    %dma_wait3A_414 = arith.constant 0 : i32
    %dma_wait3A_415 = arith.constant 0 : i32
    %dma_wait3A_416 = tpu.memref_slice %arg2[%dma_wait3A_414, %dma_wait3A_415] : memref<10000x128xf32, #tpu.memory_space<hbm>> -> memref<10000x128xf32, #tpu.memory_space<hbm>>
    tpu.wait_indirect_dma semaphore(%arg20 : memref<!tpu.dma_semaphore, #tpu.memory_space<semaphore_mem>>) src(%dma_wait3A_416 : memref<10000x128xf32, #tpu.memory_space<hbm>>) dst(%arg7 : memref<80x128xf32, #tpu.memory_space<vmem>>)
    %dma_wait3A_417 = tpu.memref_slice %arg3[%mul3A_2] : memref<320000xi32, #tpu.memory_space<hbm>> -> memref<80xi32, #tpu.memory_space<hbm>>
    %dma_wait3A_418 = tpu.memref_slice %arg3[%mul3A_2] : memref<320000xi32, #tpu.memory_space<hbm>> -> memref<80xi32, #tpu.memory_space<hbm>>
    tpu.wait_dma2 semaphore(%arg33 : memref<!tpu.dma_semaphore, #tpu.memory_space<semaphore_mem>>) src(%dma_wait3A_418 : memref<80xi32, #tpu.memory_space<hbm>>) dst(%arg17 : memref<80xi32, #tpu.memory_space<vmem>>)
    %dma_start3A_419 = arith.constant 0 : i32
    %dma_start3A_420 = arith.constant 0 : i32
    %dma_start3A_421 = tpu.memref_slice %arg6[%dma_start3A_419, %dma_start3A_420] : memref<10240x128xf32, #tpu.memory_space<vmem_shared>> -> memref<10240x128xf32, #tpu.memory_space<vmem_shared>>
    tpu.enqueue_indirect_dma source(%arg7 : memref<80x128xf32, #tpu.memory_space<vmem>>) target(%dma_start3A_421 : memref<10240x128xf32, #tpu.memory_space<vmem_shared>>) offsets(%arg17 : memref<80xi32, #tpu.memory_space<vmem>>) semaphore(%arg23 : memref<!tpu.dma_semaphore, #tpu.memory_space<semaphore_mem>>) {add = true}
    %dma_wait3A_422 = arith.constant 0 : i32
    %dma_wait3A_423 = arith.constant 0 : i32
    %dma_wait3A_424 = tpu.memref_slice %arg2[%dma_wait3A_422, %dma_wait3A_423] : memref<10000x128xf32, #tpu.memory_space<hbm>> -> memref<10000x128xf32, #tpu.memory_space<hbm>>
    tpu.wait_indirect_dma semaphore(%arg25 : memref<!tpu.dma_semaphore, #tpu.memory_space<semaphore_mem>>) src(%dma_wait3A_424 : memref<10000x128xf32, #tpu.memory_space<hbm>>) dst(%arg9 : memref<80x128xf32, #tpu.memory_space<vmem>>)
    %dma_wait3A_425 = arith.constant 0 : i32
    %dma_wait3A_426 = arith.constant 0 : i32
    %dma_wait3A_427 = tpu.memref_slice %arg2[%dma_wait3A_425, %dma_wait3A_426] : memref<10000x128xf32, #tpu.memory_space<hbm>> -> memref<10000x128xf32, #tpu.memory_space<hbm>>
    tpu.wait_indirect_dma semaphore(%arg21 : memref<!tpu.dma_semaphore, #tpu.memory_space<semaphore_mem>>) src(%dma_wait3A_427 : memref<10000x128xf32, #tpu.memory_space<hbm>>) dst(%arg8 : memref<80x128xf32, #tpu.memory_space<vmem>>)
    %dma_wait3A_428 = tpu.memref_slice %arg3[%mul3A_2] : memref<320000xi32, #tpu.memory_space<hbm>> -> memref<80xi32, #tpu.memory_space<hbm>>
    %dma_wait3A_429 = tpu.memref_slice %arg3[%mul3A_2] : memref<320000xi32, #tpu.memory_space<hbm>> -> memref<80xi32, #tpu.memory_space<hbm>>
    tpu.wait_dma2 semaphore(%arg34 : memref<!tpu.dma_semaphore, #tpu.memory_space<semaphore_mem>>) src(%dma_wait3A_429 : memref<80xi32, #tpu.memory_space<hbm>>) dst(%arg18 : memref<80xi32, #tpu.memory_space<vmem>>)
    %dma_start3A_430 = arith.constant 0 : i32
    %dma_start3A_431 = arith.constant 0 : i32
    %dma_start3A_432 = tpu.memref_slice %arg6[%dma_start3A_430, %dma_start3A_431] : memref<10240x128xf32, #tpu.memory_space<vmem_shared>> -> memref<10240x128xf32, #tpu.memory_space<vmem_shared>>
    tpu.enqueue_indirect_dma source(%arg8 : memref<80x128xf32, #tpu.memory_space<vmem>>) target(%dma_start3A_432 : memref<10240x128xf32, #tpu.memory_space<vmem_shared>>) offsets(%arg18 : memref<80xi32, #tpu.memory_space<vmem>>) semaphore(%arg24 : memref<!tpu.dma_semaphore, #tpu.memory_space<semaphore_mem>>) {add = true}
    %dma_wait3A_433 = arith.constant 0 : i32
    %dma_wait3A_434 = arith.constant 0 : i32
    %dma_wait3A_435 = tpu.memref_slice %arg2[%dma_wait3A_433, %dma_wait3A_434] : memref<10000x128xf32, #tpu.memory_space<hbm>> -> memref<10000x128xf32, #tpu.memory_space<hbm>>
    tpu.wait_indirect_dma semaphore(%arg23 : memref<!tpu.dma_semaphore, #tpu.memory_space<semaphore_mem>>) src(%dma_wait3A_435 : memref<10000x128xf32, #tpu.memory_space<hbm>>) dst(%arg7 : memref<80x128xf32, #tpu.memory_space<vmem>>)
    %dma_wait3A_436 = arith.constant 0 : i32
    %dma_wait3A_437 = arith.constant 0 : i32
    %dma_wait3A_438 = tpu.memref_slice %arg2[%dma_wait3A_436, %dma_wait3A_437] : memref<10000x128xf32, #tpu.memory_space<hbm>> -> memref<10000x128xf32, #tpu.memory_space<hbm>>
    tpu.wait_indirect_dma semaphore(%arg24 : memref<!tpu.dma_semaphore, #tpu.memory_space<semaphore_mem>>) src(%dma_wait3A_438 : memref<10000x128xf32, #tpu.memory_space<hbm>>) dst(%arg8 : memref<80x128xf32, #tpu.memory_space<vmem>>)
    %barrier3A_439 = arith.constant 0 : index
    tpu.barrier barrier_id(%barrier3A_439)
    "tpu.region"() ({
      %run_scoped3A = tpu.sem_alloc : memref<!tpu.dma_semaphore, #tpu.memory_space<semaphore_mem>>
      %dma_start3A_440 = arith.constant 0 : i32
      %dma_start3A_441 = tpu.memref_slice %arg5[%arg0, %mul3A_4, %dma_start3A_440] : memref<2x10240x128xf32, #tpu.memory_space<hbm>> -> memref<1x640x128xf32, #tpu.memory_space<hbm>>
      %dma_start3A_442 = tpu.memref_squeeze %dma_start3A_441 : memref<1x640x128xf32, #tpu.memory_space<hbm>> -> memref<640x128xf32, #tpu.memory_space<hbm>>
      %dma_start3A_443 = arith.constant 0 : i32
      %dma_start3A_444 = tpu.memref_slice %arg6[%mul3A_4, %dma_start3A_443] : memref<10240x128xf32, #tpu.memory_space<vmem_shared>> -> memref<640x128xf32, #tpu.memory_space<vmem_shared>>
      tpu.enqueue_dma source(%dma_start3A_444 : memref<640x128xf32, #tpu.memory_space<vmem_shared>>) target(%dma_start3A_442 : memref<640x128xf32, #tpu.memory_space<hbm>>) target_semaphore(%run_scoped3A : memref<!tpu.dma_semaphore, #tpu.memory_space<semaphore_mem>>)
      %dma_wait3A_445 = arith.constant 0 : i32
      %dma_wait3A_446 = tpu.memref_slice %arg5[%arg0, %mul3A_4, %dma_wait3A_445] : memref<2x10240x128xf32, #tpu.memory_space<hbm>> -> memref<1x640x128xf32, #tpu.memory_space<hbm>>
      %dma_wait3A_447 = tpu.memref_squeeze %dma_wait3A_446 : memref<1x640x128xf32, #tpu.memory_space<hbm>> -> memref<640x128xf32, #tpu.memory_space<hbm>>
      %dma_wait3A_448 = arith.constant 0 : i32
      %dma_wait3A_449 = tpu.memref_slice %arg6[%mul3A_4, %dma_wait3A_448] : memref<10240x128xf32, #tpu.memory_space<vmem_shared>> -> memref<640x128xf32, #tpu.memory_space<vmem_shared>>
      tpu.wait_dma2 semaphore(%run_scoped3A : memref<!tpu.dma_semaphore, #tpu.memory_space<semaphore_mem>>) src(%dma_wait3A_449 : memref<640x128xf32, #tpu.memory_space<vmem_shared>>) dst(%dma_wait3A_447 : memref<640x128xf32, #tpu.memory_space<hbm>>)
      tpu.yield
    }) : () -> ()
    return
  }
}

module attributes {stable_mosaic.version = 14 : i64} {
  func.func @body(%arg0: i32, %arg1: memref<2000x128xf32, #tpu.memory_space<vmem>>, %arg2: memref<2000x1xf32, #tpu.memory_space<vmem>>, %arg3: memref<128x128xf32, #tpu.memory_space<vmem>>, %arg4: memref<1x128xf32, #tpu.memory_space<vmem>>, %arg5: memref<2000x128xf32, #tpu.memory_space<vmem>>) attributes {dimension_semantics = [#tpu.dimension_semantics<arbitrary>], iteration_bounds = array<i64: 5>, scalar_prefetch = 0 : i64, scratch_operands = 0 : i64, tpu.core_type = #tpu.core_type<tc>, window_params = [{transform_indices = @transform_0, window_bounds = array<i64: 2000, 128>}, {transform_indices = @transform_1, window_bounds = array<i64: 2000, 1>}, {pipeline_mode = #tpu.pipeline_mode<synchronous>, transform_indices = @transform_2, window_bounds = array<i64: 128, 128>}, {pipeline_mode = #tpu.pipeline_mode<synchronous>, transform_indices = @transform_3, window_bounds = array<i64: 1, 128>}, {transform_indices = @transform_4, window_bounds = array<i64: 2000, 128>}]} {
    %get3A = arith.constant 0 : index
    %get3A_0 = arith.constant 0 : index
    %get3A_1 = vector.load %arg1[%get3A, %get3A_0] : memref<2000x128xf32, #tpu.memory_space<vmem>>, vector<2000x128xf32>
    %get3A_2 = arith.constant 0 : index
    %get3A_3 = arith.constant 0 : index
    %get3A_4 = vector.load %arg3[%get3A_2, %get3A_3] : memref<128x128xf32, #tpu.memory_space<vmem>>, vector<128x128xf32>
    %dot_general3A = arith.constant dense<0.000000e+00> : vector<2000x128xf32>
    %dot_general3A_5 = tpu.matmul %get3A_1, %get3A_4, %dot_general3A {dimension_numbers = #tpu.dot_dimension_numbers<[1], [1], [0], [0], [0, 0, 1, 0], [], []>, transpose_lhs_hint = false} : vector<2000x128xf32>, vector<128x128xf32>, vector<2000x128xf32> -> vector<2000x128xf32>
    %get3A_6 = arith.constant 0 : index
    %get3A_7 = arith.constant 0 : index
    %get3A_8 = vector.load %arg4[%get3A_6, %get3A_7] : memref<1x128xf32, #tpu.memory_space<vmem>>, vector<1x128xf32>
    %add3A = vector.broadcast %get3A_8 : vector<1x128xf32> to vector<2000x128xf32>
    %add3A_9 = arith.addf %dot_general3A_5, %add3A : vector<2000x128xf32>
    %get3A_10 = arith.constant 0 : index
    %get3A_11 = arith.constant 0 : index
    %get3A_12 = vector.load %arg2[%get3A_10, %get3A_11] : memref<2000x1xf32, #tpu.memory_space<vmem>>, vector<2000x1xf32>
    %mul3A = vector.broadcast %get3A_12 : vector<2000x1xf32> to vector<2000x128xf32>
    %mul3A_13 = arith.mulf %add3A_9, %mul3A : vector<2000x128xf32>
    %swap3A = arith.constant 0 : index
    %swap3A_14 = arith.constant 0 : index
    %swap3A_15 = vector.load %arg5[%swap3A, %swap3A_14] : memref<2000x128xf32, #tpu.memory_space<vmem>>, vector<2000x128xf32>
    tpu.vector_store %arg5[%swap3A, %swap3A_14], %mul3A_13 {strides = array<i32>} : memref<2000x128xf32, #tpu.memory_space<vmem>>, vector<2000x128xf32>,
    return
  }
  func.func @transform_0(%arg0: i32) -> (i32, i32) {
    %c0_i32 = arith.constant 0 : i32
    %c0_i32_0 = arith.constant 0 : i32
    return %arg0, %c0_i32 : i32, i32
  }
  func.func @transform_1(%arg0: i32) -> (i32, i32) {
    %c0_i32 = arith.constant 0 : i32
    %c0_i32_0 = arith.constant 0 : i32
    return %arg0, %c0_i32 : i32, i32
  }
  func.func @transform_2(%arg0: i32) -> (i32, i32) {
    %c0_i32 = arith.constant 0 : i32
    %c0_i32_0 = arith.constant 0 : i32
    %c0_i32_1 = arith.constant 0 : i32
    return %c0_i32, %c0_i32_0 : i32, i32
  }
  func.func @transform_3(%arg0: i32) -> (i32, i32) {
    %c0_i32 = arith.constant 0 : i32
    %c0_i32_0 = arith.constant 0 : i32
    %c0_i32_1 = arith.constant 0 : i32
    return %c0_i32, %c0_i32_0 : i32, i32
  }
  func.func @transform_4(%arg0: i32) -> (i32, i32) {
    %c0_i32 = arith.constant 0 : i32
    %c0_i32_0 = arith.constant 0 : i32
    return %arg0, %c0_i32 : i32, i32
  }
}

module attributes {stable_mosaic.version = 14 : i64} {
  func.func @body(%arg0: i32, %arg1: memref<2000x128xf32, #tpu.memory_space<vmem>>, %arg2: memref<1x2000x128xf32, #tpu.memory_space<vmem>>, %arg3: memref<1x2000x128xf32, #tpu.memory_space<vmem>>, %arg4: memref<2000x128xf32, #tpu.memory_space<vmem>>) attributes {dimension_semantics = [#tpu.dimension_semantics<arbitrary>], iteration_bounds = array<i64: 5>, scalar_prefetch = 0 : i64, scratch_operands = 0 : i64, tpu.core_type = #tpu.core_type<tc>, window_params = [{transform_indices = @transform_0, window_bounds = array<i64: 2000, 128>}, {transform_indices = @transform_1, window_bounds = array<i64: 1, 2000, 128>}, {transform_indices = @transform_2, window_bounds = array<i64: 1, 2000, 128>}, {transform_indices = @transform_3, window_bounds = array<i64: 2000, 128>}]} {
    %get3A = arith.constant 0 : index
    %get3A_0 = arith.constant 0 : index
    %get3A_1 = vector.load %arg1[%get3A, %get3A_0] : memref<2000x128xf32, #tpu.memory_space<vmem>>, vector<2000x128xf32>
    %get3A_2 = arith.constant 0 : index
    %get3A_3 = arith.constant 0 : index
    %get3A_4 = arith.constant 0 : index
    %get3A_5 = vector.load %arg2[%get3A_2, %get3A_3, %get3A_4] : memref<1x2000x128xf32, #tpu.memory_space<vmem>>, vector<1x2000x128xf32>
    %get3A_6 = vector.shape_cast %get3A_5 : vector<1x2000x128xf32> to vector<2000x128xf32>
    %add3A = arith.addf %get3A_1, %get3A_6 : vector<2000x128xf32>
    %get3A_7 = arith.constant 0 : index
    %get3A_8 = arith.constant 0 : index
    %get3A_9 = arith.constant 0 : index
    %get3A_10 = vector.load %arg3[%get3A_7, %get3A_8, %get3A_9] : memref<1x2000x128xf32, #tpu.memory_space<vmem>>, vector<1x2000x128xf32>
    %get3A_11 = vector.shape_cast %get3A_10 : vector<1x2000x128xf32> to vector<2000x128xf32>
    %add3A_12 = arith.addf %add3A, %get3A_11 : vector<2000x128xf32>
    %tanh3A = math.tanh %add3A_12 : vector<2000x128xf32>
    %swap3A = arith.constant 0 : index
    %swap3A_13 = arith.constant 0 : index
    %swap3A_14 = vector.load %arg4[%swap3A, %swap3A_13] : memref<2000x128xf32, #tpu.memory_space<vmem>>, vector<2000x128xf32>
    tpu.vector_store %arg4[%swap3A, %swap3A_13], %tanh3A {strides = array<i32>} : memref<2000x128xf32, #tpu.memory_space<vmem>>, vector<2000x128xf32>,
    return
  }
  func.func @transform_0(%arg0: i32) -> (i32, i32) {
    %c0_i32 = arith.constant 0 : i32
    %c0_i32_0 = arith.constant 0 : i32
    return %arg0, %c0_i32 : i32, i32
  }
  func.func @transform_1(%arg0: i32) -> (i32, i32, i32) {
    %c0_i32 = arith.constant 0 : i32
    %c0_i32_0 = arith.constant 0 : i32
    %c0_i32_1 = arith.constant 0 : i32
    return %c0_i32, %arg0, %c0_i32_0 : i32, i32, i32
  }
  func.func @transform_2(%arg0: i32) -> (i32, i32, i32) {
    %c1_i32 = arith.constant 1 : i32
    %c0_i32 = arith.constant 0 : i32
    %c0_i32_0 = arith.constant 0 : i32
    return %c1_i32, %arg0, %c0_i32 : i32, i32, i32
  }
  func.func @transform_3(%arg0: i32) -> (i32, i32) {
    %c0_i32 = arith.constant 0 : i32
    %c0_i32_0 = arith.constant 0 : i32
    return %arg0, %c0_i32 : i32, i32
  }
}

</mosaic_0001>

<sc_bundles>
// kernel: kernel.5.cloned.1.call-start
scs
__scs_entry_jumppad:
0x0: {  	(pc) =	sbr.rel $0x88, $3  }
0x1: {  	(tag) =	ssettag $0x0;
	lr =	simm.s32 $0x1  }
0x2: {  	[smem:$0x3F9B] =	sst lr;
	_ =	strace $0xD0000000  }
0x3: {  	_ = 	snop  }
0x4: {  	_ = 	snop  }
0x5: {  	_ = 	snop  }
0x6: {  	_ = 	snop  }
0x7: {  	_ = 	snop  }
__scs_overlays_trampoline_lowered:
0x8: {  	[smem:$0x3FAA] =	sst s0  }
0x9: {  	[smem:$0x3FAB] =	sst s1  }
0xa: {  	[smem:$0x3FAC] =	sst s2  }
0xb: {  	[smem:$0x3FAD] =	sst s3  }
0xc: {  	[smem:$0x3FAE] =	sst s4  }
0xd: {  	[smem:$0x3FAF] =	sst s5  }
0xe: {  	[smem:$0x3FB0] =	sst s6  }
0xf: {  	[smem:$0x3FB1] =	sst s7  }
0x10: {  	[smem:$0x3FB2] =	sst s8  }
0x11: {  	[smem:$0x3FB3] =	sst s9;
	s0 =	simm.s32 @!p0 $0x0  }
0x12: {  	s1 =	sld [smem:$0x3F99];
	s0 =	simm.s32 @p0 $0x1  }
0x13: {  	[smem:$0x3FB4] =	sst s0;
	s0 =	simm.s32 @!p1 $0x0  }
0x14: {  	s2 =	sld [smem:$0x3F98];
	s0 =	simm.s32 @p1 $0x1  }
0x15: {  	[smem:$0x3FB5] =	sst s0;
	s0 =	simm.s32 @!p2 $0x0  }
0x16: {  	s3 =	sld [smem:$0x3FDB];
	s0 =	simm.s32 @p2 $0x1  }
0x17: {  	s4 =	simm.s32 $0x1BF5;
	[smem:$0x3FB7] =	sst s0  }
0x18: {  	s0 =	sld [smem:$0x3F9A];
	_ =	swait.ge [sflag:s4], $0x0  }
0x19: {  	s7 =	sld [smem:$0x3F9B]  }
0x1a: {  	s8 =	sadd.s32 $0xFFFFE003, lr  }
0x1b: {  	s9 =	sadd.s32 $0xFFFFFEF7, lr;
	s5 =	simm.s32 $0xFFFFFFFF;
	p2 =	slt.u32 s8, $0xFFFFF086  }
0x1c: {  	p1 =	slt.u32 s9, $0xF7A;
	s5 =	simm.s32 @!p2 $0x0  }
0x1d: {  	s5 =	simm.s32 @p1 $0x1;
	p0 =	seq.s32 s7, s2  }
0x1e: {  	s7 =	smul.u32 @!p0 $0xF7A, s2;
	p2 =	seq.s32 @!p0 s5, $0x0  }
0x1f: {  	s9 =	smul.u32 $0xF7A, s1;
	s8 =	simm.s32 @!p0 $0x1BF5;
	p2 =	por !p2, p0  }
0x20: {  	[sflag:s8] =	ssyncset.s32 @!p0 $0xFFFFF086;
	s6 =	sadd.s32 @!p0 s3, s7;
	s7 =	simm.s32 @!p0 $0x108  }
0x21: {  	s3 =	sadd.s32 s3, s9;
	s6 =	sadd.s32 @!p0 $0x88, s6;
	s7 =	simm.s32 @p2 $0x1082  }
0x22: {  	[simem:s7], [sflag:s8] =	dma.local @!p0 [hbm:s6], $0xF7A  }
0x23: {  	s9 =	sor.u32 $0xD0000000, s2;
	s6 =	simm.s32 $0x108;
	_ =	swait.ge @!p0 [sflag:s8], $0x0  }
0x24: {  	s3 =	sadd.s32 $0x88, s3;
	s6 =	simm.s32 @!p1 $0x1082;
	[sflag:s4] =	ssyncset.s32 $0xFFFFF086  }
0x25: {  	[simem:s6], [sflag:s4] =	dma.local [hbm:s3], $0xF7A  }
0x26: {  	[smem:$0x3F9B] =	sst s1;
	(tag) =	ssettag s2;
	_ =	strace s9  }
0x27: {  	s1 =	sld [smem:$0x3FAB]  }
0x28: {  	s2 =	sld [smem:$0x3FAC]  }
0x29: {  	s4 =	sld [smem:$0x3FAE]  }
0x2a: {  	p0 =	seq.s32 s5, $0x0;
	s5 =	sld [smem:$0x3FAF]  }
0x2b: {  	s6 =	sld [smem:$0x3FB0]  }
0x2c: {  	s7 =	sld [smem:$0x3FB1]  }
0x2d: {  	s3 =	simm.s32 $0x108;
	s8 =	sld [smem:$0x3FB2]  }
0x2e: {  	s3 =	simm.s32 @!p0 $0x1082;
	s9 =	sld [smem:$0x3FB3]  }
0x2f: {  	lr =	sadd.s32 s0, s3;
	s0 =	sld [smem:$0x3FAA]  }
0x30: {  	s3 =	sld [smem:$0x3FAD]  }
0x31: {  	[smem:$0x3FB6] =	sst s10  }
0x32: {  	s10 =	sld [smem:$0x3FB4];
	_ =	sdelay $0x3  }
0x33: {  	p0 =	seq.s32 s10, $0x1;
	s10 =	sld [smem:$0x3FB6];
	_ =	sdelay $0x3  }
0x34: {  	[smem:$0x3FB6] =	sst s10  }
0x35: {  	s10 =	sld [smem:$0x3FB5];
	_ =	sdelay $0x3  }
0x36: {  	p1 =	seq.s32 s10, $0x1;
	s10 =	sld [smem:$0x3FB6];
	_ =	sdelay $0x3  }
0x37: {  	[smem:$0x3FB6] =	sst s10  }
0x38: {  	s10 =	sld [smem:$0x3FB7]  }
0x39: {  	_ = 	snop;
	(pc) =	sbr.ind lr, $3  }
0x3a: {  	_ = 	snop  }
0x3b: {  	_ = 	snop  }
0x3c: {  	p2 =	seq.s32 s10, $0x1;
	s10 =	sld [smem:$0x3FB6]  }
0x3d: {  	_ =	shalt  }
0x3e: {  	_ =	shalt  }
0x3f: {  	_ =	shalt  }
0x40: {  	_ =	shalt  }
0x41: {  	_ =	shalt  }
0x42: {  	_ =	shalt  }
0x43: {  	_ =	shalt  }
0x44: {  	_ =	shalt  }
0x45: {  	_ =	shalt  }
0x46: {  	_ =	shalt  }
0x47: {  	_ =	shalt  }
0x48: {  	_ =	shalt  }
0x49: {  	_ =	shalt  }
0x4a: {  	_ =	shalt  }
0x4b: {  	_ =	shalt  }
0x4c: {  	_ =	shalt  }
0x4d: {  	_ =	shalt  }
0x4e: {  	_ =	shalt  }
0x4f: {  	_ =	shalt  }
0x50: {  	_ =	shalt  }
0x51: {  	_ =	shalt  }
0x52: {  	_ =	shalt  }
0x53: {  	_ =	shalt  }
0x54: {  	_ =	shalt  }
0x55: {  	_ =	shalt  }
0x56: {  	_ =	shalt  }
0x57: {  	_ =	shalt  }
0x58: {  	_ =	shalt  }
0x59: {  	_ =	shalt  }
0x5a: {  	_ =	shalt  }
0x5b: {  	_ =	shalt  }
0x5c: {  	_ =	shalt  }
0x5d: {  	_ =	shalt  }
0x5e: {  	_ =	shalt  }
0x5f: {  	_ =	shalt  }
0x60: {  	_ =	shalt  }
0x61: {  	_ =	shalt  }
0x62: {  	_ =	shalt  }
0x63: {  	_ =	shalt  }
0x64: {  	_ =	shalt  }
0x65: {  	_ =	shalt  }
0x66: {  	_ =	shalt  }
0x67: {  	_ =	shalt  }
0x68: {  	_ =	shalt  }
0x69: {  	_ =	shalt  }
0x6a: {  	_ =	shalt  }
0x6b: {  	_ =	shalt  }
0x6c: {  	_ =	shalt  }
0x6d: {  	_ =	shalt  }
0x6e: {  	_ =	shalt  }
0x6f: {  	_ =	shalt  }
0x70: {  	_ =	shalt  }
0x71: {  	_ =	shalt  }
0x72: {  	_ =	shalt  }
0x73: {  	_ =	shalt  }
0x74: {  	_ =	shalt  }
0x75: {  	_ =	shalt  }
0x76: {  	_ =	shalt  }
0x77: {  	_ =	shalt  }
0x78: {  	_ =	shalt  }
0x79: {  	_ =	shalt  }
0x7a: {  	_ =	shalt  }
0x7b: {  	_ =	shalt  }
0x7c: {  	_ =	shalt  }
0x7d: {  	_ =	shalt  }
0x7e: {  	_ =	shalt  }
0x7f: {  	_ =	shalt  }
0x80: {  	_ =	shalt  }
0x81: {  	_ =	shalt  }
0x82: {  	_ =	shalt  }
0x83: {  	_ =	shalt  }
0x84: {  	_ =	shalt  }
0x85: {  	_ =	shalt  }
0x86: {  	_ =	shalt  }
0x87: {  	_ =	shalt  }
.Lfunc_end0:
.L_simem_size_0:
called_computation_lowered:
.L_overlay_start_0:
0x88: {  	s2 =	sld [smem:$0x3FD9]  }
0x89: {  	s3 =	sld [smem:$0x3FFE];
	_ =	sdelay $0x1  }
0x8a: {  	s1 =	srdreg.scid  }
0x8b: {  	s0 =	sand.u32 $0x1, s1  }
0x8c: {  	s17 =	sshll.u32 s0, $0xA;
	s2 =	sadd.s32 s3, s2  }
0x8d: {  	s2 =	sadd.s32 s2, s17  }
0x8e: {  	[smem:$0x3FC2] =	sst s2  }
0x8f: {  	_ = 	snop  }
0x90: {  	s2 =	sld [smem:$0x3FC8]  }
0x91: {  	s18 =	sld [smem:$0x3FD0];
	(tm) =	ssettm $0x1  }
0x92: {  	s4 =	sld [smem:$0x3FFB];
	_ =	sdelay $0x3  }
0x93: {  	_ =	strace s4  }
0x94: {  	s4 =	sld [smem:$0x3FFC];
	_ =	sdelay $0x3  }
0x95: {  	_ =	strace s4  }
0x96: {  	s4 =	sld [smem:$0x3FFD];
	_ =	sdelay $0x3  }
0x97: {  	_ =	strace s4  }
0x98: {  	_ =	strace $0x8FFFFFFF  }
0x99: {  	s19 =	sld [smem:$0x3FDB];
	_ =	sdelay $0x1  }
0x9a: {  	s5 =	simm.s32 $_scs_section_size  }
0x9b: {  	s6 =	simm.s32 $_size__tile_overlayer_lowered;
	s7 =	simm.s32 $_tile_overlayer_lowered  }
0x9c: {  	s22 =	simm.s32 $0x1BFF;
	s21 =	sshll.u32 s7, $0x1;
	s4 =	sadd.s32 s5, s19  }
0x9d: {  	s8 =	simm.s32 $0x0;
	s20 =	sshll.u32 s6, $0x1;
	s6 =	sadd.s32 s21, s4  }
0x9e: {  	[timem:s8], [sflag:s22] =	dma.local [hbm:s6], s20  }
0x9f: {  	_ =	swait.ge [sflag:s22], s20  }
0xa0: {  	s5 =	ssub.s32 $0x0, s20;
	[sflag:s22] =	ssyncset.done $0x0  }
0xa1: {  	[sflag:s22] =	ssyncadd.s32 s5;
	_ =	sdelay $0x1  }
0xa2: {  	s23 =	simm.s32 $0x1B8B  }
0xa3: {  	_ =	swait.ge [sflag:s23], $0x1  }
0xa4: {  	[sflag:s23] =	ssyncset.done $0x0  }
0xa5: {  	s25 =	simm.s32 $0x1B8E;
	s24 =	sld [smem:$0x3FFE];
	[sflag:s23] =	ssyncadd.s32 $0xFFFFFFFF  }
0xa6: {  	s26 =	simm.s32 $execute0_lowered;
	[smem:$0x3FD2] =	sst s25  }
0xa7: {  	s6 =	sshll.u32 s26, $0x1;
	_ =	strace $0x80000046;
	[dreg:$0x1] =	wrdreg $0xFFFFFFFF  }
0xa8: {  	s28 =	simm.s32 $_size_execute0_lowered;
	s4 =	sadd.s32 s4, s6;
	[dreg:$0x0] =	wrdreg $0x0  }
0xa9: {  	s6 =	sshll.u32 s28, $0x1;
	[dreg:$0x2] =	wrdreg s4  }
0xaa: {  	[dreg:$0x3] =	wrdreg s6  }
0xab: {  	[dreg:$0x4] =	wrdreg $0xC0  }
0xac: {  	_ =	task [dreg:s8], $0x5FFFF  }
0xad: {  	[dreg:$0x1] =	wrdreg $0xFFFFFFFF  }
0xae: {  	[dreg:$0x0] =	wrdreg $0x60  }
0xaf: {  	[dreg:$0x2] =	wrdreg s2  }
0xb0: {  	[dreg:$0x3] =	wrdreg s24  }
0xb1: {  	[dreg:$0x4] =	wrdreg s18  }
0xb2: {  	[dreg:$0x5] =	wrdreg $0x0  }
0xb3: {  	[dreg:$0x6] =	wrdreg $0x9  }
0xb4: {  	_ =	task.clear_ibuf [dreg:s8], $0x7FFFF;
	_ =	strace $0x90000046  }
0xb5: {  	s29 =	simm.s32 $0x9;
	_ =	strace $0x80000048  }
0xb6: {  	_ =	swait.ge [sflag:s29], $0x1  }
0xb7: {  	[sflag:s29] =	ssyncadd.s32 $0xFFFFFFFF  }
0xb8: {  	_ =	strace $0x90000048  }
0xb9: {  	_ =	sfence  }
0xba: {  	s30 =	sld [smem:$0x0];
	_ =	sdelay $0x2  }
0xbb: {  	s31 =	sshll.u32 s1, $0xD;
	s1 =	sshrl.u32 s1, $0x2  }
0xbc: {  	s3 =	sand.u32 $0x4000, s31;
	s1 =	sadd.s32 s1, s30  }
0xbd: {  	s0 =	sor.u32 s3, s0;
	s1 =	sshll.u32 s1, $0x11  }
0xbe: {  	s0 =	sor.u32 s1, s0  }
0xbf: {  	s0 =	sadd.s32 $0x8F2B, s0  }
0xc0: {  	[sflag:s0] =	ssyncadd.remote.s32 $0x1  }
0xc1: {  	_ =	sfence.sel $0xFFFF  }
0xc2: {  	[dreg:$0x0] =	wrdreg $0xFFFFFFFF;
	(pc) =	sbr.abs _section_cstart, $3  }
0xc3: {  	[dreg:$0x1] =	wrdreg $0xFFFFFFFF  }
0xc4: {  	_ =	task.clear_ibuf [dreg:s8], $0x2FFFF;
	_ =	strace $0x9FFFFFFF  }
0xc5: {  	(tm) =	ssettm $0x7FFFFFFF  }
tec
execute0_lowered:
.L_overlay_start_1:
0x0: {  	(tag) =	ssettag $0x1  }
0x1: {  	s24 =	rddreg [dreg:$0x0]  }
0x2: {  	s0 =	rddreg [dreg:$0x1]  }
0x3: {  	s30 =	rddreg [dreg:$0x2]  }
0x4: {  	s31 =	rddreg [dreg:$0x3]  }
0x5: {  	s2 =	srdreg.scid;
	s10 =	stileid.u32  }
0x6: {  	s15 =	simm.s32 $0x0;
	s6 =	sand.u32 $0x1, s2;
	s4 =	smul.u32 $0x14000, s10  }
0x7: {  	[smem:$0x7FF] =	sst s15;
	s1 =	sadd.s32 $0xC00, s0;
	s8 =	smul.u32 $0x50000, s10  }
0x8: {  	s2 =	smul.u32 $0x140000, s6;
	s7 =	sshll.u32 s6, $0x4;
	_ =	strace $0x80000047  }
0x9: {  	s22 =	ssub.s32 $0x2, s6;
	s6 =	smul.u32 $0x27100, s6;
	s7 =	sor.u32 s10, s7  }
0xa: {  	[dreg:$0x1b] =	wrdreg s1;
	s2 =	sadd.s32 s4, s2;
	s21 =	smul.u32 $0x2710, s7  }
0xb: {  	s23 =	sshrl.u32 s22, $0x1;
	s25 =	sshrl.u32 s8, $0x2;
	s2 =	sshrl.u32 s2, $0x3  }
0xc: {  	s14 =	sadd.s32 s25, s31;
	s0 =	sadd.s32 s2, s0;
	s4 =	sshrl.u32 s21, $0x3  }
0xd: {  	[dreg:$0x1c] =	wrdreg s14;
	s26 =	sadd.s32 $0xA, s4;
	s0 =	sadd.s32 $0xAA00, s0  }
0xe: {  	s3 =	sadd.s32 $0x14, s4;
	s28 =	sadd.s32 s1, s26;
	[smem:$0x7F0] =	sst s0  }
0xf: {  	s5 =	sadd.s32 $0x1E, s4;
	s9 =	sadd.s32 s1, s3;
	[dreg:$0x1d] =	wrdreg s28  }
0x10: {  	s2 =	ssub.s32 s22, s23;
	s11 =	sadd.s32 s1, s5;
	[dreg:$0x1e] =	wrdreg s9  }
0x11: {  	s13 =	sadd.s32 $0x28, s4;
	s8 =	sadd.s32 s30, s26;
	[dreg:$0x1f] =	wrdreg s11  }
0x12: {  	s17 =	sadd.s32 $0x32, s4;
	s7 =	sadd.s32 s30, s3;
	[smem:$0x7D5] =	sst s8  }
0x13: {  	s12 =	sadd.s32 s30, s5;
	s11 =	smul.u32 $0x2710, s10;
	[smem:$0x7D6] =	sst s7  }
0x14: {  	s16 =	sadd.s32 s30, s13;
	s18 =	sadd.s32 s30, s17;
	[smem:$0x7D7] =	sst s12  }
0x15: {  	s20 =	sadd.s32 s1, s17;
	[smem:$0x7D8] =	sst s16;
	s6 =	sadd.s32 s11, s6  }
0x16: {  	s7 =	sadd.s32 s1, s13;
	[smem:$0x7DA] =	sst s18;
	s19 =	sadd.s32 $0x5A0, s6  }
0x17: {  	[smem:$0x7DB] =	sst s20;
	s22 =	sadd.s32 $0x550, s6;
	s21 =	sshrl.u32 s19, $0x3  }
0x18: {  	[smem:$0x7D9] =	sst s7;
	s9 =	sshrl.u32 s22, $0x3;
	s8 =	sadd.s32 s21, s30  }
0x19: {  	s25 =	sadd.s32 $0x500, s6;
	s23 =	sadd.s32 s9, s1;
	[dreg:$0x5] =	wrdreg s8  }
0x1a: {  	s28 =	sshrl.u32 s25, $0x3;
	s26 =	sadd.s32 s9, s30;
	[dreg:$0x6] =	wrdreg s23  }
0x1b: {  	s5 =	sadd.s32 $0x4B0, s6;
	s3 =	sadd.s32 s28, s1;
	[dreg:$0x7] =	wrdreg s26  }
0x1c: {  	s10 =	sshrl.u32 s5, $0x3;
	s9 =	sadd.s32 s28, s30;
	[dreg:$0x8] =	wrdreg s3  }
0x1d: {  	s12 =	sadd.s32 $0x460, s6;
	s11 =	sadd.s32 s10, s1;
	[dreg:$0x9] =	wrdreg s9  }
0x1e: {  	s16 =	sshrl.u32 s12, $0x3;
	s13 =	sadd.s32 s10, s30;
	[dreg:$0xa] =	wrdreg s11  }
0x1f: {  	s18 =	sadd.s32 $0x410, s6;
	s17 =	sadd.s32 s16, s1;
	[dreg:$0xb] =	wrdreg s13  }
0x20: {  	s20 =	sshrl.u32 s18, $0x3;
	s19 =	sadd.s32 s16, s30;
	[dreg:$0xc] =	wrdreg s17  }
0x21: {  	s22 =	sadd.s32 $0x370, s6;
	s21 =	sadd.s32 s20, s1;
	[dreg:$0xd] =	wrdreg s19  }
0x22: {  	s25 =	sshrl.u32 s22, $0x3;
	[dreg:$0xe] =	wrdreg s21;
	s23 =	sadd.s32 s20, s30  }
0x23: {  	s28 =	sadd.s32 $0x320, s6;
	s26 =	sadd.s32 s25, s1;
	[dreg:$0xf] =	wrdreg s23  }
0x24: {  	s3 =	sadd.s32 s25, s30;
	s5 =	sshrl.u32 s28, $0x3;
	[dreg:$0x10] =	wrdreg s26  }
0x25: {  	[dreg:$0x11] =	wrdreg s3;
	s10 =	sadd.s32 s5, s1  }
0x26: {  	s7 =	sadd.s32 $0x47E, s4;
	s12 =	sadd.s32 s5, s30;
	[dreg:$0x12] =	wrdreg s10  }
0x27: {  	s11 =	sadd.s32 $0x2D0, s6;
	s5 =	sadd.s32 s30, s7;
	[dreg:$0x13] =	wrdreg s12  }
0x28: {  	s13 =	sshrl.u32 s11, $0x3;
	s7 =	sadd.s32 s1, s7;
	[smem:$0x7DC] =	sst s5  }
0x29: {  	s17 =	sadd.s32 $0x280, s6;
	s16 =	sadd.s32 s13, s1;
	[smem:$0x7DD] =	sst s7  }
0x2a: {  	s19 =	sshrl.u32 s17, $0x3;
	s18 =	sadd.s32 s13, s30;
	[dreg:$0x14] =	wrdreg s16  }
0x2b: {  	s21 =	sadd.s32 $0x230, s6;
	s20 =	sadd.s32 s19, s1;
	[dreg:$0x15] =	wrdreg s18  }
0x2c: {  	s23 =	sshrl.u32 s21, $0x3;
	s22 =	sadd.s32 s19, s30;
	[dreg:$0x16] =	wrdreg s20  }
0x2d: {  	s25 =	sadd.s32 s23, s1;
	[dreg:$0x17] =	wrdreg s22  }
0x2e: {  	s11 =	sadd.s32 $0x488, s4;
	s28 =	sadd.s32 s23, s30;
	[dreg:$0x18] =	wrdreg s25  }
0x2f: {  	s12 =	sadd.s32 s30, s11;
	[dreg:$0x19] =	wrdreg s28  }
0x30: {  	s26 =	sadd.s32 $0x1E0, s6;
	s7 =	sadd.s32 s1, s11;
	[smem:$0x7DE] =	sst s12  }
0x31: {  	s3 =	sshrl.u32 s26, $0x3;
	s5 =	sadd.s32 s30, s4;
	[smem:$0x7DF] =	sst s7  }
0x32: {  	s13 =	sadd.s32 $0x492, s4;
	s10 =	sadd.s32 s3, s1;
	[smem:$0x7FA] =	sst s5  }
0x33: {  	s16 =	sadd.s32 s30, s13;
	[dreg:$0x1a] =	wrdreg s10  }
0x34: {  	s17 =	sadd.s32 $0x49C, s4;
	s7 =	sadd.s32 s1, s13;
	[smem:$0x7E0] =	sst s16  }
0x35: {  	s19 =	sadd.s32 $0x4A6, s4;
	s18 =	sadd.s32 s30, s17;
	[smem:$0x7E1] =	sst s7  }
0x36: {  	s21 =	sadd.s32 $0x4B0, s4;
	s20 =	sadd.s32 s30, s19;
	[smem:$0x7E2] =	sst s18  }
0x37: {  	s23 =	sadd.s32 $0x4BA, s4;
	s22 =	sadd.s32 s30, s21;
	[smem:$0x7E4] =	sst s20  }
0x38: {  	s26 =	sadd.s32 $0x4C4, s4;
	s25 =	sadd.s32 s30, s23;
	[smem:$0x7E6] =	sst s22  }
0x39: {  	s11 =	sadd.s32 $0x4CE, s4;
	s28 =	sadd.s32 s30, s26;
	[smem:$0x7E8] =	sst s25  }
0x3a: {  	s12 =	sadd.s32 s30, s11;
	[smem:$0x7EA] =	sst s28  }
0x3b: {  	s3 =	sadd.s32 s1, s4;
	[smem:$0x7EC] =	sst s12  }
0x3c: {  	s4 =	sadd.s32 $0x4D8, s4;
	s7 =	sadd.s32 s1, s17;
	[smem:$0x7FC] =	sst s3  }
0x3d: {  	s13 =	sadd.s32 s30, s4;
	[smem:$0x7E3] =	sst s7  }
0x3e: {  	s4 =	sadd.s32 s1, s4;
	[smem:$0x7EE] =	sst s13  }
0x3f: {  	s16 =	smax.u32 s2, $0x1;
	[smem:$0x7EF] =	sst s4  }
0x40: {  	s17 =	sadd.s32 $0x3C0, s6;
	[smem:$0x7F1] =	sst s16  }
0x41: {  	s18 =	sadd.s32 $0x2800, s14;
	[smem:$0x7F2] =	sst s17  }
0x42: {  	s20 =	sadd.s32 $0x7800, s14;
	[smem:$0x7F3] =	sst s18  }
0x43: {  	s22 =	sadd.s32 $0xC800, s14;
	[smem:$0x7F5] =	sst s20  }
0x44: {  	s25 =	sadd.s32 $0x11800, s14;
	[smem:$0x7F7] =	sst s22  }
0x45: {  	s28 =	sadd.s32 $0x474, s3;
	[smem:$0x7F9] =	sst s25  }
0x46: {  	s7 =	sadd.s32 s1, s19;
	[smem:$0x7FD] =	sst s28  }
0x47: {  	s29 =	simm.s32 $0x5;
	s19 =	sadd.s32 $0x5000, s14;
	[smem:$0x7E5] =	sst s7  }
0x48: {  	s8 =	simm.s32 $0x50;
	s7 =	sadd.s32 s1, s21;
	[smem:$0x7F4] =	sst s19  }
0x49: {  	s10 =	simm.s32 $0x4;
	s21 =	sadd.s32 $0xA000, s14;
	[smem:$0x7E7] =	sst s7  }
0x4a: {  	s2 =	simm.s32 $0x0;
	s7 =	sadd.s32 s1, s23;
	[smem:$0x7F6] =	sst s21  }
0x4b: {  	s22 =	simm.s32 $0x11;
	s23 =	sadd.s32 $0xF000, s14;
	[smem:$0x7E9] =	sst s7  }
0x4c: {  	s20 =	simm.s32 $0x1;
	s7 =	sadd.s32 s1, s26;
	[smem:$0x7F8] =	sst s23  }
0x4d: {  	s17 =	simm.s32 $0x3;
	s26 =	sadd.s32 $0x3C, s5;
	[smem:$0x7EB] =	sst s7  }
0x4e: {  	s25 =	simm.s32 $0x6;
	s7 =	sadd.s32 s1, s11;
	[smem:$0x7FB] =	sst s26  }
0x4f: {  	v0 =	vimm.f32 $0.0e+00;
	s21 =	simm.s32 $0x16800;
	[smem:$0x7ED] =	sst s7;
	s7 =	simm.s32 $0x14000  }
.LBB2_1:
0x50: {  	[smem:$0x7D4] =	sst s2;
	s12 =	simm.s32 $0x0;
	s13 =	simm.s32 $0x200  }
.LBB2_2:
0x51: {  	p0 =	sne.s32 s13, $0x9E00;
	[tilespmem:s12+$0x14070] =	vst v0  }
0x52: {  	[tilespmem:s12+$0x14000] =	vst v0  }
0x53: {  	[tilespmem:s12+$0x14010] =	vst v0  }
.Ltmp0:
0x54: {  	[tilespmem:s12+$0x14020] =	vst v0;
	(pc) =	sbr.rel @p0 .LBB2_2-.Ltmp0, $4  }
0x55: {  	[tilespmem:s12+$0x14030] =	vst v0  }
0x56: {  	[tilespmem:s12+$0x14040] =	vst v0  }
0x57: {  	[tilespmem:s12+$0x14050] =	vst v0  }
0x58: {  	[tilespmem:s12+$0x14060] =	vst v0;
	s12 =	sshra.s32 s13, $0x2;
	s13 =	sadd.s32 $0x200, s13  }
0x59: {  	[tilespmem:s12+$0x14070] =	vst v0  }
0x5a: {  	[tilespmem:s12+$0x14000] =	vst v0  }
0x5b: {  	[tilespmem:s12+$0x14010] =	vst v0  }
0x5c: {  	[tilespmem:s12+$0x14020] =	vst v0  }
0x5d: {  	[tilespmem:s12+$0x14030] =	vst v0  }
0x5e: {  	[tilespmem:s12+$0x14040] =	vst v0  }
0x5f: {  	[tilespmem:s12+$0x14050] =	vst v0  }
0x60: {  	[tilespmem:s12+$0x14060] =	vst v0  }
0x61: {  	[spmem:s14] =	stream.linear.scatter [tilespmem:s7], [sflag:$0x11], $0x2800, $0x38;
	[tilespmem:$0x1BD00] =	vst v63  }
0x62: {  	_ =	swait.ge [sflag:s22], $0x2800  }
0x63: {  	s0 =	sld [smem:$0x7F3]  }
0x64: {  	[sflag:s22] =	ssyncset.done $0x0  }
0x65: {  	[sflag:s22] =	ssyncadd.s32 $0xFFFFD800  }
0x66: {  	[spmem:s0] =	stream.linear.scatter [tilespmem:s7], [sflag:$0x11], $0x2800, $0x38;
	[tilespmem:$0x1BD00] =	vst v63  }
0x67: {  	_ =	swait.ge [sflag:s22], $0x2800  }
0x68: {  	s1 =	sld [smem:$0x7F4]  }
0x69: {  	[sflag:s22] =	ssyncset.done $0x0  }
0x6a: {  	[sflag:s22] =	ssyncadd.s32 $0xFFFFD800  }
0x6b: {  	[spmem:s1] =	stream.linear.scatter [tilespmem:s7], [sflag:$0x11], $0x2800, $0x38;
	[tilespmem:$0x1BD00] =	vst v63  }
0x6c: {  	_ =	swait.ge [sflag:s22], $0x2800  }
0x6d: {  	s2 =	sld [smem:$0x7F5]  }
0x6e: {  	[sflag:s22] =	ssyncset.done $0x0  }
0x6f: {  	[sflag:s22] =	ssyncadd.s32 $0xFFFFD800  }
0x70: {  	[spmem:s2] =	stream.linear.scatter [tilespmem:s7], [sflag:$0x11], $0x2800, $0x38;
	[tilespmem:$0x1BD00] =	vst v63  }
0x71: {  	_ =	swait.ge [sflag:s22], $0x2800  }
0x72: {  	s3 =	sld [smem:$0x7F6]  }
0x73: {  	[sflag:s22] =	ssyncset.done $0x0  }
0x74: {  	[sflag:s22] =	ssyncadd.s32 $0xFFFFD800  }
0x75: {  	[spmem:s3] =	stream.linear.scatter [tilespmem:s7], [sflag:$0x11], $0x2800, $0x38;
	[tilespmem:$0x1BD00] =	vst v63  }
0x76: {  	_ =	swait.ge [sflag:s22], $0x2800  }
0x77: {  	s4 =	sld [smem:$0x7F7]  }
0x78: {  	[sflag:s22] =	ssyncset.done $0x0  }
0x79: {  	[sflag:s22] =	ssyncadd.s32 $0xFFFFD800  }
0x7a: {  	[spmem:s4] =	stream.linear.scatter [tilespmem:s7], [sflag:$0x11], $0x2800, $0x38;
	[tilespmem:$0x1BD00] =	vst v63  }
0x7b: {  	_ =	swait.ge [sflag:s22], $0x2800  }
0x7c: {  	s5 =	sld [smem:$0x7F8]  }
0x7d: {  	[sflag:s22] =	ssyncset.done $0x0  }
0x7e: {  	[sflag:s22] =	ssyncadd.s32 $0xFFFFD800  }
0x7f: {  	[spmem:s5] =	stream.linear.scatter [tilespmem:s7], [sflag:$0x11], $0x2800, $0x38;
	[tilespmem:$0x1BD00] =	vst v63  }
0x80: {  	_ =	swait.ge [sflag:s22], $0x2800  }
0x81: {  	s6 =	sld [smem:$0x7F9]  }
0x82: {  	[sflag:s22] =	ssyncset.done $0x0  }
0x83: {  	[sflag:s22] =	ssyncadd.s32 $0xFFFFD800  }
0x84: {  	[spmem:s6] =	stream.linear.scatter [tilespmem:s7], [sflag:$0x11], $0x2800, $0x38;
	[tilespmem:$0x1BD00] =	vst v63  }
0x85: {  	_ =	swait.ge [sflag:s22], $0x2800  }
0x86: {  	s7 =	sld [smem:$0x7FC]  }
0x87: {  	s12 =	simm.s32 $0x0;
	[sflag:s22] =	ssyncset.done $0x0  }
0x88: {  	s16 =	simm.s32 $0x1B800;
	s9 =	rddreg [dreg:$0x1d];
	[sflag:s22] =	ssyncadd.s32 $0xFFFFD800  }
0x89: {  	[tilespmem:s16], [sflag:$0x7] =	stream.linear.gather [hbm4b:s7+s12], $0x50, $0x38;
	[tilespmem:$0x1BD00] =	vst v63  }
0x8a: {  	s26 =	simm.s32 $0x1B880;
	s11 =	rddreg [dreg:$0x1e]  }
0x8b: {  	[tilespmem:s26], [sflag:$0x8] =	stream.linear.gather [hbm4b:s9+s12], $0x50, $0x38;
	[tilespmem:$0x1BD00] =	vst v63  }
0x8c: {  	s1 =	simm.s32 $0x1B900;
	s13 =	rddreg [dreg:$0x1f]  }
0x8d: {  	[tilespmem:s1], [sflag:$0x9] =	stream.linear.gather [hbm4b:s11+s12], $0x50, $0x38;
	[tilespmem:$0x1BD00] =	vst v63  }
0x8e: {  	s14 =	sld [smem:$0x7FA];
	s22 =	simm.s32 $0x1B980  }
0x8f: {  	[tilespmem:s22], [sflag:$0xA] =	stream.linear.gather [hbm4b:s13+s12], $0x50, $0x38;
	[tilespmem:$0x1BD00] =	vst v63  }
0x90: {  	s18 =	simm.s32 $0x1BA00;
	s19 =	sld [smem:$0x7D5]  }
0x91: {  	[tilespmem:s18], [sflag:$0xB] =	stream.linear.gather [hbm4b:s14+s12], $0x50, $0x38;
	[tilespmem:$0x1BD00] =	vst v63  }
0x92: {  	s23 =	simm.s32 $0x1BA80;
	s3 =	sld [smem:$0x7D6]  }
0x93: {  	[tilespmem:s23], [sflag:$0xC] =	stream.linear.gather [hbm4b:s19+s12], $0x50, $0x38;
	[tilespmem:$0x1BD00] =	vst v63  }
0x94: {  	s4 =	simm.s32 $0x1BB00;
	s5 =	sld [smem:$0x7D7]  }
0x95: {  	[tilespmem:s4], [sflag:$0xD] =	stream.linear.gather [hbm4b:s3+s12], $0x50, $0x38;
	[tilespmem:$0x1BD00] =	vst v63  }
0x96: {  	s6 =	simm.s32 $0x1BB80;
	s9 =	sld [smem:$0x7D8]  }
0x97: {  	[tilespmem:s6], [sflag:$0xE] =	stream.linear.gather [hbm4b:s5+s12], $0x50, $0x38;
	[tilespmem:$0x1BD00] =	vst v63  }
0x98: {  	s11 =	simm.s32 $0x1BC00  }
0x99: {  	[tilespmem:s11], [sflag:$0xF] =	stream.linear.gather [hbm4b:s9+s12], $0x50, $0x38;
	[tilespmem:$0x1BD00] =	vst v63  }
0x9a: {  	s1 =	simm.s32 $0x7;
	[bflag:$0x0] =	sbarrier.arrive $0xFFFF  }
0x9b: {  	_ =	swait.ge [sflag:s1], $0x50  }
0x9c: {  	[sflag:s1] =	ssyncset.done $0x0  }
0x9d: {  	s19 =	simm.s32 $0x14000;
	s23 =	simm.s32 $0x8;
	[sflag:s1] =	ssyncadd.s32 $0xFFFFFFB0  }
0x9e: {  	[tilespmem:s19], [sflag:$0x1] =	stream.indirect.gather [hbm4b:s24+s8], $0x80, s16, s8, $0xb8;
	[tilespmem:$0x1BD00] =	vst v63  }
0x9f: {  	_ =	swait.ge [sflag:s23], $0x50  }
0xa0: {  	[sflag:s23] =	ssyncset.done $0x0  }
0xa1: {  	[sflag:s23] =	ssyncadd.s32 $0xFFFFFFB0  }
0xa2: {  	[tilespmem:s21], [sflag:$0x2] =	stream.indirect.gather [hbm4b:s24+s8], $0x80, s26, s8, $0xb8;
	[tilespmem:$0x1BD00] =	vst v63  }
0xa3: {  	_ =	swait.ge [sflag:s20], $0x2800  }
0xa4: {  	s13 =	sld [smem:$0x7D9]  }
0xa5: {  	[sflag:s20] =	ssyncset.done $0x0  }
0xa6: {  	s11 =	simm.s32 $0xB;
	[sflag:s20] =	ssyncadd.s32 $0xFFFFD800  }
0xa7: {  	[tilespmem:s16], [sflag:$0x7] =	stream.linear.gather [hbm4b:s13+s12], $0x50, $0x38;
	[tilespmem:$0x1BD00] =	vst v63  }
0xa8: {  	_ =	swait.ge [sflag:s11], $0x50  }
0xa9: {  	[sflag:s11] =	ssyncset.done $0x0  }
0xaa: {  	s2 =	simm.s32 $0x1BA00;
	s14 =	sld [smem:$0x7DA];
	[sflag:s11] =	ssyncadd.s32 $0xFFFFFFB0  }
0xab: {  	[spmem:s31] =	stream.indirect.scatter.add.f32 [tilespmem:s19], [sflag:$0x4], $0x80, s2, s8, $0xb8;
	[tilespmem:$0x1BD00] =	vst v63  }
0xac: {  	s18 =	simm.s32 $0x1BC80  }
0xad: {  	[tilespmem:s18], [sflag:$0x10] =	stream.linear.gather [hbm4b:s14+s12], $0x50, $0x38;
	[tilespmem:$0x1BD00] =	vst v63  }
0xae: {  	s18 =	simm.s32 $0x9  }
0xaf: {  	_ =	swait.ge [sflag:s18], $0x50  }
0xb0: {  	s28 =	simm.s32 $0x19000;
	[sflag:s18] =	ssyncset.done $0x0  }
0xb1: {  	s7 =	simm.s32 $0x1B900;
	s9 =	simm.s32 $0x2;
	[sflag:s18] =	ssyncadd.s32 $0xFFFFFFB0  }
0xb2: {  	[tilespmem:s28], [sflag:$0x3] =	stream.indirect.gather [hbm4b:s24+s8], $0x80, s7, s8, $0xb8;
	[tilespmem:$0x1BD00] =	vst v63  }
0xb3: {  	_ =	swait.ge [sflag:s9], $0x2800  }
0xb4: {  	s4 =	sld [smem:$0x7DB]  }
0xb5: {  	[sflag:s9] =	ssyncset.done $0x0  }
0xb6: {  	s24 =	simm.s32 $0xC;
	[sflag:s9] =	ssyncadd.s32 $0xFFFFD800  }
0xb7: {  	[tilespmem:s26], [sflag:$0x8] =	stream.linear.gather [hbm4b:s4+s12], $0x50, $0x38;
	[tilespmem:$0x1BD00] =	vst v63  }
0xb8: {  	_ =	swait.ge [sflag:s24], $0x50  }
0xb9: {  	[sflag:s24] =	ssyncset.done $0x0  }
0xba: {  	s5 =	simm.s32 $0x1BA80;
	[sflag:s24] =	ssyncadd.s32 $0xFFFFFFB0  }
0xbb: {  	[spmem:s31] =	stream.indirect.scatter.add.f32 [tilespmem:s21], [sflag:$0x5], $0x80, s5, s8, $0xb8;
	[tilespmem:$0x1BD00] =	vst v63  }
0xbc: {  	_ =	swait.ge [sflag:s10], $0x2800  }
0xbd: {  	s13 =	sld [smem:$0x7FB]  }
0xbe: {  	[sflag:s10] =	ssyncset.done $0x0  }
0xbf: {  	s3 =	simm.s32 $0x1BA00;
	[sflag:s10] =	ssyncadd.s32 $0xFFFFD800  }
0xc0: {  	[tilespmem:s3], [sflag:$0xB] =	stream.linear.gather [hbm4b:s13+s12], $0x50, $0x38;
	[tilespmem:$0x1BD00] =	vst v63  }
0xc1: {  	s3 =	simm.s32 $0xA  }
0xc2: {  	_ =	swait.ge [sflag:s3], $0x50  }
0xc3: {  	[sflag:s3] =	ssyncset.done $0x0  }
0xc4: {  	[sflag:s3] =	ssyncadd.s32 $0xFFFFFFB0  }
0xc5: {  	s14 =	rddreg [dreg:$0x0]  }
0xc6: {  	[tilespmem:s19], [sflag:$0x1] =	stream.indirect.gather [hbm4b:s14+s8], $0x80, s22, s8, $0xb8;
	[tilespmem:$0x1BD00] =	vst v63  }
0xc7: {  	_ =	swait.ge [sflag:s17], $0x2800  }
0xc8: {  	s0 =	rddreg [dreg:$0x1a];
	[sflag:s17] =	ssyncset.done $0x0  }
0xc9: {  	s6 =	simm.s32 $0xD;
	[sflag:s17] =	ssyncadd.s32 $0xFFFFD800;
	s12 =	sadd.s32 $0x0, s0  }
0xca: {  	[tilespmem:s7], [sflag:$0x9] =	stream.linear.gather [hbm4b:s12+s15], $0x50, $0x38;
	[tilespmem:$0x1BD00] =	vst v63  }
0xcb: {  	_ =	swait.ge [sflag:s6], $0x50  }
0xcc: {  	[sflag:s6] =	ssyncset.done $0x0  }
0xcd: {  	s0 =	simm.s32 $0x1BB00;
	[sflag:s6] =	ssyncadd.s32 $0xFFFFFFB0  }
0xce: {  	[spmem:s31] =	stream.indirect.scatter.add.f32 [tilespmem:s28], [sflag:$0x6], $0x80, s0, s8, $0xb8;
	[tilespmem:$0x1BD00] =	vst v63  }
0xcf: {  	_ =	swait.ge [sflag:s29], $0x2800  }
0xd0: {  	s4 =	rddreg [dreg:$0x19];
	[sflag:s29] =	ssyncset.done $0x0  }
0xd1: {  	[sflag:s29] =	ssyncadd.s32 $0xFFFFD800;
	s12 =	sadd.s32 $0x0, s4  }
0xd2: {  	[tilespmem:s5], [sflag:$0xC] =	stream.linear.gather [hbm4b:s12+s15], $0x50, $0x38;
	[tilespmem:$0x1BD00] =	vst v63  }
0xd3: {  	_ =	swait.ge [sflag:s1], $0x50  }
0xd4: {  	[sflag:s1] =	ssyncset.done $0x0  }
0xd5: {  	[sflag:s1] =	ssyncadd.s32 $0xFFFFFFB0  }
0xd6: {  	s5 =	rddreg [dreg:$0x0]  }
0xd7: {  	[tilespmem:s21], [sflag:$0x2] =	stream.indirect.gather [hbm4b:s5+s8], $0x80, s16, s8, $0xb8;
	[tilespmem:$0x1BD00] =	vst v63  }
0xd8: {  	_ =	swait.ge [sflag:s20], $0x2800  }
0xd9: {  	s10 =	rddreg [dreg:$0x18];
	[sflag:s20] =	ssyncset.done $0x0  }
0xda: {  	s2 =	simm.s32 $0xE;
	[sflag:s20] =	ssyncadd.s32 $0xFFFFD800;
	s12 =	sadd.s32 $0x0, s10  }
0xdb: {  	[tilespmem:s22], [sflag:$0xA] =	stream.linear.gather [hbm4b:s12+s15], $0x50, $0x38;
	[tilespmem:$0x1BD00] =	vst v63  }
0xdc: {  	_ =	swait.ge [sflag:s2], $0x50  }
0xdd: {  	[sflag:s2] =	ssyncset.done $0x0  }
0xde: {  	s4 =	simm.s32 $0x1BB80;
	[sflag:s2] =	ssyncadd.s32 $0xFFFFFFB0  }
0xdf: {  	[spmem:s31] =	stream.indirect.scatter.add.f32 [tilespmem:s19], [sflag:$0x4], $0x80, s4, s8, $0xb8;
	[tilespmem:$0x1BD00] =	vst v63  }
0xe0: {  	_ =	swait.ge [sflag:s25], $0x2800  }
0xe1: {  	s14 =	rddreg [dreg:$0x17];
	[sflag:s25] =	ssyncset.done $0x0  }
0xe2: {  	[sflag:s25] =	ssyncadd.s32 $0xFFFFD800;
	s12 =	sadd.s32 $0x0, s14  }
0xe3: {  	[tilespmem:s0], [sflag:$0xD] =	stream.linear.gather [hbm4b:s12+s15], $0x50, $0x38;
	[tilespmem:$0x1BD00] =	vst v63  }
0xe4: {  	_ =	swait.ge [sflag:s23], $0x50  }
0xe5: {  	[sflag:s23] =	ssyncset.done $0x0  }
0xe6: {  	[sflag:s23] =	ssyncadd.s32 $0xFFFFFFB0  }
0xe7: {  	s5 =	rddreg [dreg:$0x0]  }
0xe8: {  	[tilespmem:s28], [sflag:$0x3] =	stream.indirect.gather [hbm4b:s5+s8], $0x80, s26, s8, $0xb8;
	[tilespmem:$0x1BD00] =	vst v63  }
0xe9: {  	_ =	swait.ge [sflag:s9], $0x2800  }
0xea: {  	s10 =	rddreg [dreg:$0x16];
	[sflag:s9] =	ssyncset.done $0x0  }
0xeb: {  	s5 =	simm.s32 $0xF;
	[sflag:s9] =	ssyncadd.s32 $0xFFFFD800;
	s12 =	sadd.s32 $0x0, s10  }
0xec: {  	[tilespmem:s16], [sflag:$0x7] =	stream.linear.gather [hbm4b:s12+s15], $0x50, $0x38;
	[tilespmem:$0x1BD00] =	vst v63  }
0xed: {  	_ =	swait.ge [sflag:s5], $0x50  }
0xee: {  	[sflag:s5] =	ssyncset.done $0x0  }
0xef: {  	s13 =	simm.s32 $0x4;
	s0 =	simm.s32 $0x1BC00;
	[sflag:s5] =	ssyncadd.s32 $0xFFFFFFB0  }
0xf0: {  	[spmem:s31] =	stream.indirect.scatter.add.f32 [tilespmem:s21], [sflag:$0x5], $0x80, s0, s8, $0xb8;
	[tilespmem:$0x1BD00] =	vst v63  }
0xf1: {  	_ =	swait.ge [sflag:s13], $0x2800  }
0xf2: {  	s14 =	rddreg [dreg:$0x15];
	[sflag:s13] =	ssyncset.done $0x0  }
0xf3: {  	[sflag:s13] =	ssyncadd.s32 $0xFFFFD800;
	s12 =	sadd.s32 $0x0, s14  }
0xf4: {  	[tilespmem:s4], [sflag:$0xE] =	stream.linear.gather [hbm4b:s12+s15], $0x50, $0x38;
	[tilespmem:$0x1BD00] =	vst v63  }
0xf5: {  	_ =	swait.ge [sflag:s18], $0x50  }
0xf6: {  	[sflag:s18] =	ssyncset.done $0x0  }
0xf7: {  	[sflag:s18] =	ssyncadd.s32 $0xFFFFFFB0  }
0xf8: {  	s21 =	rddreg [dreg:$0x0]  }
0xf9: {  	[tilespmem:s19], [sflag:$0x1] =	stream.indirect.gather [hbm4b:s21+s8], $0x80, s7, s8, $0xb8;
	[tilespmem:$0x1BD00] =	vst v63  }
0xfa: {  	_ =	swait.ge [sflag:s17], $0x2800  }
0xfb: {  	s4 =	rddreg [dreg:$0x14];
	[sflag:s17] =	ssyncset.done $0x0  }
0xfc: {  	[sflag:s17] =	ssyncadd.s32 $0xFFFFD800;
	s12 =	sadd.s32 $0x0, s4;
	s4 =	simm.s32 $0x10  }
0xfd: {  	[tilespmem:s26], [sflag:$0x8] =	stream.linear.gather [hbm4b:s12+s15], $0x50, $0x38;
	[tilespmem:$0x1BD00] =	vst v63  }
0xfe: {  	_ =	swait.ge [sflag:s4], $0x50  }
0xff: {  	[sflag:s4] =	ssyncset.done $0x0  }
0x100: {  	s21 =	simm.s32 $0x1BC80;
	[sflag:s4] =	ssyncadd.s32 $0xFFFFFFB0  }
0x101: {  	[spmem:s31] =	stream.indirect.scatter.add.f32 [tilespmem:s28], [sflag:$0x6], $0x80, s21, s8, $0xb8;
	[tilespmem:$0x1BD00] =	vst v63  }
0x102: {  	_ =	swait.ge [sflag:s29], $0x2800  }
0x103: {  	s10 =	rddreg [dreg:$0x13];
	[sflag:s29] =	ssyncset.done $0x0  }
0x104: {  	[sflag:s29] =	ssyncadd.s32 $0xFFFFD800;
	s12 =	sadd.s32 $0x0, s10  }
0x105: {  	[tilespmem:s0], [sflag:$0xF] =	stream.linear.gather [hbm4b:s12+s15], $0x50, $0x38;
	[tilespmem:$0x1BD00] =	vst v63  }
0x106: {  	_ =	swait.ge [sflag:s3], $0x50  }
0x107: {  	[sflag:s3] =	ssyncset.done $0x0  }
0x108: {  	[sflag:s3] =	ssyncadd.s32 $0xFFFFFFB0  }
0x109: {  	s14 =	simm.s32 $0x16800;
	s12 =	rddreg [dreg:$0x0]  }
0x10a: {  	[tilespmem:s14], [sflag:$0x2] =	stream.indirect.gather [hbm4b:s12+s8], $0x80, s22, s8, $0xb8;
	[tilespmem:$0x1BD00] =	vst v63  }
0x10b: {  	_ =	swait.ge [sflag:s20], $0x2800  }
0x10c: {  	s0 =	rddreg [dreg:$0x12];
	[sflag:s20] =	ssyncset.done $0x0  }
0x10d: {  	[sflag:s20] =	ssyncadd.s32 $0xFFFFD800;
	s12 =	sadd.s32 $0x0, s0  }
0x10e: {  	[tilespmem:s7], [sflag:$0x9] =	stream.linear.gather [hbm4b:s12+s15], $0x50, $0x38;
	[tilespmem:$0x1BD00] =	vst v63  }
0x10f: {  	_ =	swait.ge [sflag:s11], $0x50  }
0x110: {  	[sflag:s11] =	ssyncset.done $0x0  }
0x111: {  	s7 =	simm.s32 $0x1BA00;
	[sflag:s11] =	ssyncadd.s32 $0xFFFFFFB0  }
0x112: {  	[spmem:s31] =	stream.indirect.scatter.add.f32 [tilespmem:s19], [sflag:$0x4], $0x80, s7, s8, $0xb8;
	[tilespmem:$0x1BD00] =	vst v63  }
0x113: {  	_ =	swait.ge [sflag:s25], $0x2800  }
0x114: {  	s10 =	rddreg [dreg:$0x11];
	[sflag:s25] =	ssyncset.done $0x0  }
0x115: {  	[sflag:s25] =	ssyncadd.s32 $0xFFFFD800;
	s12 =	sadd.s32 $0x0, s10  }
0x116: {  	[tilespmem:s21], [sflag:$0x10] =	stream.linear.gather [hbm4b:s12+s15], $0x50, $0x38;
	[tilespmem:$0x1BD00] =	vst v63  }
0x117: {  	_ =	swait.ge [sflag:s1], $0x50  }
0x118: {  	[sflag:s1] =	ssyncset.done $0x0  }
0x119: {  	[sflag:s1] =	ssyncadd.s32 $0xFFFFFFB0  }
0x11a: {  	s21 =	rddreg [dreg:$0x0]  }
0x11b: {  	[tilespmem:s28], [sflag:$0x3] =	stream.indirect.gather [hbm4b:s21+s8], $0x80, s16, s8, $0xb8;
	[tilespmem:$0x1BD00] =	vst v63  }
0x11c: {  	_ =	swait.ge [sflag:s9], $0x2800  }
0x11d: {  	s0 =	rddreg [dreg:$0x10];
	[sflag:s9] =	ssyncset.done $0x0  }
0x11e: {  	[sflag:s9] =	ssyncadd.s32 $0xFFFFD800;
	s12 =	sadd.s32 $0x0, s0  }
0x11f: {  	[tilespmem:s22], [sflag:$0xA] =	stream.linear.gather [hbm4b:s12+s15], $0x50, $0x38;
	[tilespmem:$0x1BD00] =	vst v63  }
0x120: {  	_ =	swait.ge [sflag:s24], $0x50  }
0x121: {  	[sflag:s24] =	ssyncset.done $0x0  }
0x122: {  	s0 =	simm.s32 $0x1BA80;
	[sflag:s24] =	ssyncadd.s32 $0xFFFFFFB0  }
0x123: {  	[spmem:s31] =	stream.indirect.scatter.add.f32 [tilespmem:s14], [sflag:$0x5], $0x80, s0, s8, $0xb8;
	[tilespmem:$0x1BD00] =	vst v63  }
0x124: {  	_ =	swait.ge [sflag:s13], $0x2800  }
0x125: {  	s21 =	sld [smem:$0x7F2];
	_ =	sdelay $0x2  }
0x126: {  	[sflag:s13] =	ssyncset.done $0x0;
	s12 =	sshrl.u32 s21, $0x3  }
0x127: {  	[sflag:s13] =	ssyncadd.s32 $0xFFFFD800;
	s10 =	sadd.s32 s30, s12  }
0x128: {  	[tilespmem:s7], [sflag:$0xB] =	stream.linear.gather [hbm4b:s10+s15], $0x50, $0x38;
	[tilespmem:$0x1BD00] =	vst v63  }
0x129: {  	_ =	swait.ge [sflag:s23], $0x50  }
0x12a: {  	[sflag:s23] =	ssyncset.done $0x0  }
0x12b: {  	[sflag:s23] =	ssyncadd.s32 $0xFFFFFFB0  }
0x12c: {  	s13 =	rddreg [dreg:$0x0]  }
0x12d: {  	[tilespmem:s19], [sflag:$0x1] =	stream.indirect.gather [hbm4b:s13+s8], $0x80, s26, s8, $0xb8;
	[tilespmem:$0x1BD00] =	vst v63  }
0x12e: {  	_ =	swait.ge [sflag:s17], $0x2800  }
0x12f: {  	[sflag:s17] =	ssyncset.done $0x0;
	s7 =	rddreg [dreg:$0x1b]  }
0x130: {  	[sflag:s17] =	ssyncadd.s32 $0xFFFFD800;
	s12 =	sadd.s32 s7, s12  }
0x131: {  	[tilespmem:s16], [sflag:$0x7] =	stream.linear.gather [hbm4b:s12+s15], $0x50, $0x38;
	[tilespmem:$0x1BD00] =	vst v63  }
0x132: {  	_ =	swait.ge [sflag:s6], $0x50  }
0x133: {  	[sflag:s6] =	ssyncset.done $0x0  }
0x134: {  	s7 =	simm.s32 $0x1BB00;
	[sflag:s6] =	ssyncadd.s32 $0xFFFFFFB0  }
0x135: {  	[spmem:s31] =	stream.indirect.scatter.add.f32 [tilespmem:s28], [sflag:$0x6], $0x80, s7, s8, $0xb8;
	[tilespmem:$0x1BD00] =	vst v63  }
0x136: {  	_ =	swait.ge [sflag:s29], $0x2800  }
0x137: {  	s10 =	rddreg [dreg:$0xf];
	[sflag:s29] =	ssyncset.done $0x0  }
0x138: {  	[sflag:s29] =	ssyncadd.s32 $0xFFFFD800;
	s12 =	sadd.s32 $0x0, s10  }
0x139: {  	[tilespmem:s0], [sflag:$0xC] =	stream.linear.gather [hbm4b:s12+s15], $0x50, $0x38;
	[tilespmem:$0x1BD00] =	vst v63  }
0x13a: {  	_ =	swait.ge [sflag:s18], $0x50  }
0x13b: {  	[sflag:s18] =	ssyncset.done $0x0  }
0x13c: {  	[sflag:s18] =	ssyncadd.s32 $0xFFFFFFB0  }
0x13d: {  	s6 =	simm.s32 $0x1B900;
	s12 =	rddreg [dreg:$0x0]  }
0x13e: {  	[tilespmem:s14], [sflag:$0x2] =	stream.indirect.gather [hbm4b:s12+s8], $0x80, s6, s8, $0xb8;
	[tilespmem:$0x1BD00] =	vst v63  }
0x13f: {  	_ =	swait.ge [sflag:s20], $0x2800  }
0x140: {  	s0 =	rddreg [dreg:$0xe];
	[sflag:s20] =	ssyncset.done $0x0  }
0x141: {  	[sflag:s20] =	ssyncadd.s32 $0xFFFFD800;
	s12 =	sadd.s32 $0x0, s0  }
0x142: {  	[tilespmem:s26], [sflag:$0x8] =	stream.linear.gather [hbm4b:s12+s15], $0x50, $0x38;
	[tilespmem:$0x1BD00] =	vst v63  }
0x143: {  	_ =	swait.ge [sflag:s2], $0x50  }
0x144: {  	[sflag:s2] =	ssyncset.done $0x0  }
0x145: {  	[sflag:s2] =	ssyncadd.s32 $0xFFFFFFB0;
	s2 =	simm.s32 $0x1BB80  }
0x146: {  	[spmem:s31] =	stream.indirect.scatter.add.f32 [tilespmem:s19], [sflag:$0x4], $0x80, s2, s8, $0xb8;
	[tilespmem:$0x1BD00] =	vst v63  }
0x147: {  	_ =	swait.ge [sflag:s25], $0x2800  }
0x148: {  	s0 =	rddreg [dreg:$0xd];
	[sflag:s25] =	ssyncset.done $0x0  }
0x149: {  	[sflag:s25] =	ssyncadd.s32 $0xFFFFD800;
	s12 =	sadd.s32 $0x0, s0  }
0x14a: {  	[tilespmem:s7], [sflag:$0xD] =	stream.linear.gather [hbm4b:s12+s15], $0x50, $0x38;
	[tilespmem:$0x1BD00] =	vst v63  }
0x14b: {  	_ =	swait.ge [sflag:s3], $0x50  }
0x14c: {  	[sflag:s3] =	ssyncset.done $0x0  }
0x14d: {  	[sflag:s3] =	ssyncadd.s32 $0xFFFFFFB0  }
0x14e: {  	s19 =	rddreg [dreg:$0x0]  }
0x14f: {  	[tilespmem:s28], [sflag:$0x3] =	stream.indirect.gather [hbm4b:s19+s8], $0x80, s22, s8, $0xb8;
	[tilespmem:$0x1BD00] =	vst v63  }
0x150: {  	_ =	swait.ge [sflag:s9], $0x2800  }
0x151: {  	s3 =	rddreg [dreg:$0xc];
	[sflag:s9] =	ssyncset.done $0x0  }
0x152: {  	[sflag:s9] =	ssyncadd.s32 $0xFFFFD800;
	s12 =	sadd.s32 $0x0, s3  }
0x153: {  	[tilespmem:s6], [sflag:$0x9] =	stream.linear.gather [hbm4b:s12+s15], $0x50, $0x38;
	[tilespmem:$0x1BD00] =	vst v63  }
0x154: {  	_ =	swait.ge [sflag:s5], $0x50  }
0x155: {  	[sflag:s5] =	ssyncset.done $0x0  }
0x156: {  	s10 =	simm.s32 $0x4;
	[sflag:s5] =	ssyncadd.s32 $0xFFFFFFB0;
	s5 =	simm.s32 $0x1BC00  }
0x157: {  	[spmem:s31] =	stream.indirect.scatter.add.f32 [tilespmem:s14], [sflag:$0x5], $0x80, s5, s8, $0xb8;
	[tilespmem:$0x1BD00] =	vst v63  }
0x158: {  	_ =	swait.ge [sflag:s10], $0x2800  }
0x159: {  	s9 =	rddreg [dreg:$0xb];
	[sflag:s10] =	ssyncset.done $0x0  }
0x15a: {  	[sflag:s10] =	ssyncadd.s32 $0xFFFFD800;
	s12 =	sadd.s32 $0x0, s9  }
0x15b: {  	[tilespmem:s2], [sflag:$0xE] =	stream.linear.gather [hbm4b:s12+s15], $0x50, $0x38;
	[tilespmem:$0x1BD00] =	vst v63  }
0x15c: {  	_ =	swait.ge [sflag:s1], $0x50  }
0x15d: {  	[sflag:s1] =	ssyncset.done $0x0  }
0x15e: {  	[sflag:s1] =	ssyncadd.s32 $0xFFFFFFB0  }
0x15f: {  	s7 =	simm.s32 $0x14000;
	s19 =	rddreg [dreg:$0x0]  }
0x160: {  	[tilespmem:s7], [sflag:$0x1] =	stream.indirect.gather [hbm4b:s19+s8], $0x80, s16, s8, $0xb8;
	[tilespmem:$0x1BD00] =	vst v63  }
0x161: {  	_ =	swait.ge [sflag:s17], $0x2800  }
0x162: {  	s0 =	rddreg [dreg:$0xa];
	[sflag:s17] =	ssyncset.done $0x0  }
0x163: {  	[sflag:s17] =	ssyncadd.s32 $0xFFFFD800;
	s12 =	sadd.s32 $0x0, s0  }
0x164: {  	[tilespmem:s22], [sflag:$0xA] =	stream.linear.gather [hbm4b:s12+s15], $0x50, $0x38;
	[tilespmem:$0x1BD00] =	vst v63  }
0x165: {  	_ =	swait.ge [sflag:s4], $0x50  }
0x166: {  	[sflag:s4] =	ssyncset.done $0x0  }
0x167: {  	s2 =	simm.s32 $0x19000;
	s1 =	simm.s32 $0x1BC80;
	[sflag:s4] =	ssyncadd.s32 $0xFFFFFFB0  }
0x168: {  	[spmem:s31] =	stream.indirect.scatter.add.f32 [tilespmem:s2], [sflag:$0x6], $0x80, s1, s8, $0xb8;
	[tilespmem:$0x1BD00] =	vst v63  }
0x169: {  	_ =	swait.ge [sflag:s29], $0x2800  }
0x16a: {  	s4 =	rddreg [dreg:$0x9];
	[sflag:s29] =	ssyncset.done $0x0  }
0x16b: {  	[sflag:s29] =	ssyncadd.s32 $0xFFFFD800;
	s12 =	sadd.s32 $0x0, s4  }
0x16c: {  	[tilespmem:s5], [sflag:$0xF] =	stream.linear.gather [hbm4b:s12+s15], $0x50, $0x38;
	[tilespmem:$0x1BD00] =	vst v63  }
0x16d: {  	_ =	swait.ge [sflag:s23], $0x50  }
0x16e: {  	[sflag:s23] =	ssyncset.done $0x0  }
0x16f: {  	[sflag:s23] =	ssyncadd.s32 $0xFFFFFFB0  }
0x170: {  	s6 =	rddreg [dreg:$0x0]  }
0x171: {  	[tilespmem:s14], [sflag:$0x2] =	stream.indirect.gather [hbm4b:s6+s8], $0x80, s26, s8, $0xb8;
	[tilespmem:$0x1BD00] =	vst v63  }
0x172: {  	_ =	swait.ge [sflag:s20], $0x2800  }
0x173: {  	s9 =	rddreg [dreg:$0x8];
	[sflag:s20] =	ssyncset.done $0x0  }
0x174: {  	[sflag:s20] =	ssyncadd.s32 $0xFFFFD800;
	s12 =	sadd.s32 $0x0, s9  }
0x175: {  	[tilespmem:s16], [sflag:$0x7] =	stream.linear.gather [hbm4b:s12+s15], $0x50, $0x38;
	[tilespmem:$0x1BD00] =	vst v63  }
0x176: {  	_ =	swait.ge [sflag:s11], $0x50  }
0x177: {  	[sflag:s11] =	ssyncset.done $0x0  }
0x178: {  	s16 =	simm.s32 $0x1BA00;
	[sflag:s11] =	ssyncadd.s32 $0xFFFFFFB0  }
0x179: {  	[spmem:s31] =	stream.indirect.scatter.add.f32 [tilespmem:s7], [sflag:$0x4], $0x80, s16, s8, $0xb8;
	[tilespmem:$0x1BD00] =	vst v63  }
0x17a: {  	_ =	swait.ge [sflag:s25], $0x2800  }
0x17b: {  	s19 =	rddreg [dreg:$0x7];
	[sflag:s25] =	ssyncset.done $0x0  }
0x17c: {  	[sflag:s25] =	ssyncadd.s32 $0xFFFFD800;
	s12 =	sadd.s32 $0x0, s19  }
0x17d: {  	[tilespmem:s1], [sflag:$0x10] =	stream.linear.gather [hbm4b:s12+s15], $0x50, $0x38;
	[tilespmem:$0x1BD00] =	vst v63  }
0x17e: {  	_ =	swait.ge [sflag:s18], $0x50  }
0x17f: {  	[sflag:s18] =	ssyncset.done $0x0  }
0x180: {  	[sflag:s18] =	ssyncadd.s32 $0xFFFFFFB0  }
0x181: {  	s3 =	simm.s32 $0x1B900;
	s4 =	simm.s32 $0x2;
	s22 =	rddreg [dreg:$0x0]  }
0x182: {  	[tilespmem:s2], [sflag:$0x3] =	stream.indirect.gather [hbm4b:s22+s8], $0x80, s3, s8, $0xb8;
	[tilespmem:$0x1BD00] =	vst v63  }
0x183: {  	_ =	swait.ge [sflag:s4], $0x2800  }
0x184: {  	s23 =	rddreg [dreg:$0x6];
	[sflag:s4] =	ssyncset.done $0x0  }
0x185: {  	[sflag:s4] =	ssyncadd.s32 $0xFFFFD800;
	s12 =	sadd.s32 $0x0, s23  }
0x186: {  	[tilespmem:s26], [sflag:$0x8] =	stream.linear.gather [hbm4b:s12+s15], $0x50, $0x38;
	[tilespmem:$0x1BD00] =	vst v63  }
0x187: {  	_ =	swait.ge [sflag:s24], $0x50  }
0x188: {  	[sflag:s24] =	ssyncset.done $0x0  }
0x189: {  	s13 =	simm.s32 $0x1BA80;
	[sflag:s24] =	ssyncadd.s32 $0xFFFFFFB0  }
0x18a: {  	[spmem:s31] =	stream.indirect.scatter.add.f32 [tilespmem:s14], [sflag:$0x5], $0x80, s13, s8, $0xb8;
	[tilespmem:$0x1BD00] =	vst v63  }
0x18b: {  	s24 =	rddreg [dreg:$0x0];
	_ =	swait.ge [sflag:s10], $0x2800  }
0x18c: {  	s26 =	rddreg [dreg:$0x5];
	[sflag:s10] =	ssyncset.done $0x0  }
0x18d: {  	s28 =	simm.s32 $0xA;
	[sflag:s10] =	ssyncadd.s32 $0xFFFFD800;
	s12 =	sadd.s32 $0x0, s26  }
0x18e: {  	[tilespmem:s16], [sflag:$0xB] =	stream.linear.gather [hbm4b:s12+s15], $0x50, $0x38;
	[tilespmem:$0x1BD00] =	vst v63  }
0x18f: {  	_ =	swait.ge [sflag:s28], $0x50  }
0x190: {  	s0 =	simm.s32 $0x1B800;
	[sflag:s28] =	ssyncset.done $0x0  }
0x191: {  	s13 =	sadd.s32 $0x3C0, s21;
	s12 =	simm.s32 $0x78;
	[sflag:s28] =	ssyncadd.s32 $0xFFFFFFB0  }
.LBB2_4:
0x192: {  	s1 =	simm.s32 $0x1B980  }
0x193: {  	[tilespmem:s7], [sflag:$0x1] =	stream.indirect.gather [hbm4b:s24+s8], $0x80, s1, s8, $0xb8;
	[tilespmem:$0x1BD00] =	vst v63  }
0x194: {  	s14 =	smov.u32 s12;
	_ =	swait.ge [sflag:s17], $0x2800  }
0x195: {  	s11 =	simm.s32 $0x1B900;
	s22 =	rddreg [dreg:$0x1a];
	[sflag:s17] =	ssyncset.done $0x0  }
0x196: {  	s6 =	simm.s32 $0xD;
	[sflag:s17] =	ssyncadd.s32 $0xFFFFD800;
	s22 =	sadd.s32 s14, s22  }
0x197: {  	[tilespmem:s11], [sflag:$0x9] =	stream.linear.gather [hbm4b:s22+s15], $0x50, $0x38;
	[tilespmem:$0x1BD00] =	vst v63  }
0x198: {  	_ =	swait.ge [sflag:s6], $0x50  }
0x199: {  	[sflag:s6] =	ssyncset.done $0x0  }
0x19a: {  	s18 =	simm.s32 $0x1BB00;
	[sflag:s6] =	ssyncadd.s32 $0xFFFFFFB0  }
0x19b: {  	[spmem:s31] =	stream.indirect.scatter.add.f32 [tilespmem:s2], [sflag:$0x6], $0x80, s18, s8, $0xb8;
	[tilespmem:$0x1BD00] =	vst v63  }
0x19c: {  	_ =	swait.ge [sflag:s29], $0x2800  }
0x19d: {  	s23 =	simm.s32 $0x1BA80;
	s21 =	rddreg [dreg:$0x19];
	[sflag:s29] =	ssyncset.done $0x0  }
0x19e: {  	s1 =	simm.s32 $0x7;
	[sflag:s29] =	ssyncadd.s32 $0xFFFFD800;
	s22 =	sadd.s32 s14, s21  }
0x19f: {  	[tilespmem:s23], [sflag:$0xC] =	stream.linear.gather [hbm4b:s22+s15], $0x50, $0x38;
	[tilespmem:$0x1BD00] =	vst v63  }
0x1a0: {  	_ =	swait.ge [sflag:s1], $0x50  }
0x1a1: {  	[sflag:s1] =	ssyncset.done $0x0  }
0x1a2: {  	s26 =	simm.s32 $0x16800;
	[sflag:s1] =	ssyncadd.s32 $0xFFFFFFB0  }
0x1a3: {  	[tilespmem:s26], [sflag:$0x2] =	stream.indirect.gather [hbm4b:s24+s8], $0x80, s0, s8, $0xb8;
	[tilespmem:$0x1BD00] =	vst v63  }
0x1a4: {  	_ =	swait.ge [sflag:s20], $0x2800  }
0x1a5: {  	s16 =	simm.s32 $0x1B980;
	s5 =	rddreg [dreg:$0x18];
	[sflag:s20] =	ssyncset.done $0x0  }
0x1a6: {  	[sflag:s20] =	ssyncadd.s32 $0xFFFFD800;
	s22 =	sadd.s32 s14, s5;
	s5 =	simm.s32 $0xE  }
0x1a7: {  	[tilespmem:s16], [sflag:$0xA] =	stream.linear.gather [hbm4b:s22+s15], $0x50, $0x38;
	[tilespmem:$0x1BD00] =	vst v63  }
0x1a8: {  	_ =	swait.ge [sflag:s5], $0x50  }
0x1a9: {  	[sflag:s5] =	ssyncset.done $0x0  }
0x1aa: {  	s19 =	simm.s32 $0x14000;
	s9 =	simm.s32 $0x1BB80;
	[sflag:s5] =	ssyncadd.s32 $0xFFFFFFB0  }
0x1ab: {  	[spmem:s31] =	stream.indirect.scatter.add.f32 [tilespmem:s19], [sflag:$0x4], $0x80, s9, s8, $0xb8;
	[tilespmem:$0x1BD00] =	vst v63  }
0x1ac: {  	_ =	swait.ge [sflag:s25], $0x2800  }
0x1ad: {  	s3 =	simm.s32 $0x1BB00;
	s18 =	rddreg [dreg:$0x17];
	[sflag:s25] =	ssyncset.done $0x0  }
0x1ae: {  	[sflag:s25] =	ssyncadd.s32 $0xFFFFD800;
	s22 =	sadd.s32 s14, s18;
	s25 =	simm.s32 $0x8  }
0x1af: {  	[tilespmem:s3], [sflag:$0xD] =	stream.linear.gather [hbm4b:s22+s15], $0x50, $0x38;
	[tilespmem:$0x1BD00] =	vst v63  }
0x1b0: {  	_ =	swait.ge [sflag:s25], $0x50  }
0x1b1: {  	[sflag:s25] =	ssyncset.done $0x0  }
0x1b2: {  	s21 =	simm.s32 $0x19000;
	s9 =	simm.s32 $0x1B880;
	[sflag:s25] =	ssyncadd.s32 $0xFFFFFFB0  }
0x1b3: {  	[tilespmem:s21], [sflag:$0x3] =	stream.indirect.gather [hbm4b:s24+s8], $0x80, s9, s8, $0xb8;
	[tilespmem:$0x1BD00] =	vst v63  }
0x1b4: {  	_ =	swait.ge [sflag:s4], $0x2800  }
0x1b5: {  	s26 =	rddreg [dreg:$0x16];
	[sflag:s4] =	ssyncset.done $0x0  }
0x1b6: {  	[sflag:s4] =	ssyncadd.s32 $0xFFFFD800;
	s22 =	sadd.s32 s14, s26;
	s4 =	simm.s32 $0xF  }
0x1b7: {  	[tilespmem:s0], [sflag:$0x7] =	stream.linear.gather [hbm4b:s22+s15], $0x50, $0x38;
	[tilespmem:$0x1BD00] =	vst v63  }
0x1b8: {  	_ =	swait.ge [sflag:s4], $0x50  }
0x1b9: {  	[sflag:s4] =	ssyncset.done $0x0  }
0x1ba: {  	s11 =	simm.s32 $0x16800;
	s3 =	simm.s32 $0x1BC00;
	[sflag:s4] =	ssyncadd.s32 $0xFFFFFFB0  }
0x1bb: {  	[spmem:s31] =	stream.indirect.scatter.add.f32 [tilespmem:s11], [sflag:$0x5], $0x80, s3, s8, $0xb8;
	[tilespmem:$0x1BD00] =	vst v63  }
0x1bc: {  	_ =	swait.ge [sflag:s10], $0x2800  }
0x1bd: {  	s26 =	rddreg [dreg:$0x15];
	[sflag:s10] =	ssyncset.done $0x0  }
0x1be: {  	s23 =	simm.s32 $0x1BB80;
	[sflag:s10] =	ssyncadd.s32 $0xFFFFD800;
	s22 =	sadd.s32 s14, s26  }
0x1bf: {  	[tilespmem:s23], [sflag:$0xE] =	stream.linear.gather [hbm4b:s22+s15], $0x50, $0x38;
	[tilespmem:$0x1BD00] =	vst v63  }
0x1c0: {  	s23 =	simm.s32 $0x9  }
0x1c1: {  	_ =	swait.ge [sflag:s23], $0x50  }
0x1c2: {  	[sflag:s23] =	ssyncset.done $0x0  }
0x1c3: {  	s7 =	simm.s32 $0x1B900;
	[sflag:s23] =	ssyncadd.s32 $0xFFFFFFB0  }
0x1c4: {  	[tilespmem:s19], [sflag:$0x1] =	stream.indirect.gather [hbm4b:s24+s8], $0x80, s7, s8, $0xb8;
	[tilespmem:$0x1BD00] =	vst v63  }
0x1c5: {  	_ =	swait.ge [sflag:s17], $0x2800  }
0x1c6: {  	s18 =	simm.s32 $0x1B880;
	s10 =	rddreg [dreg:$0x14];
	[sflag:s17] =	ssyncset.done $0x0  }
0x1c7: {  	s26 =	simm.s32 $0x10;
	[sflag:s17] =	ssyncadd.s32 $0xFFFFD800;
	s22 =	sadd.s32 s14, s10  }
0x1c8: {  	[tilespmem:s18], [sflag:$0x8] =	stream.linear.gather [hbm4b:s22+s15], $0x50, $0x38;
	[tilespmem:$0x1BD00] =	vst v63  }
0x1c9: {  	_ =	swait.ge [sflag:s26], $0x50  }
0x1ca: {  	[sflag:s26] =	ssyncset.done $0x0  }
0x1cb: {  	s22 =	simm.s32 $0x1BC80;
	[sflag:s26] =	ssyncadd.s32 $0xFFFFFFB0  }
0x1cc: {  	[spmem:s31] =	stream.indirect.scatter.add.f32 [tilespmem:s21], [sflag:$0x6], $0x80, s22, s8, $0xb8;
	[tilespmem:$0x1BD00] =	vst v63  }
0x1cd: {  	_ =	swait.ge [sflag:s29], $0x2800  }
0x1ce: {  	s17 =	rddreg [dreg:$0x13];
	[sflag:s29] =	ssyncset.done $0x0  }
0x1cf: {  	s3 =	simm.s32 $0x1BC00;
	[sflag:s29] =	ssyncadd.s32 $0xFFFFD800;
	s22 =	sadd.s32 s14, s17  }
0x1d0: {  	[tilespmem:s3], [sflag:$0xF] =	stream.linear.gather [hbm4b:s22+s15], $0x50, $0x38;
	[tilespmem:$0x1BD00] =	vst v63  }
0x1d1: {  	_ =	swait.ge [sflag:s28], $0x50  }
0x1d2: {  	[sflag:s28] =	ssyncset.done $0x0  }
0x1d3: {  	[sflag:s28] =	ssyncadd.s32 $0xFFFFFFB0  }
0x1d4: {  	[tilespmem:s11], [sflag:$0x2] =	stream.indirect.gather [hbm4b:s24+s8], $0x80, s16, s8, $0xb8;
	[tilespmem:$0x1BD00] =	vst v63  }
0x1d5: {  	_ =	swait.ge [sflag:s20], $0x2800  }
0x1d6: {  	s18 =	rddreg [dreg:$0x12];
	[sflag:s20] =	ssyncset.done $0x0  }
0x1d7: {  	s3 =	simm.s32 $0xB;
	[sflag:s20] =	ssyncadd.s32 $0xFFFFD800;
	s22 =	sadd.s32 s14, s18  }
0x1d8: {  	[tilespmem:s7], [sflag:$0x9] =	stream.linear.gather [hbm4b:s22+s15], $0x50, $0x38;
	[tilespmem:$0x1BD00] =	vst v63  }
0x1d9: {  	_ =	swait.ge [sflag:s3], $0x50  }
0x1da: {  	[sflag:s3] =	ssyncset.done $0x0  }
0x1db: {  	s2 =	simm.s32 $0x6;
	s28 =	simm.s32 $0x1BA00;
	[sflag:s3] =	ssyncadd.s32 $0xFFFFFFB0  }
0x1dc: {  	[spmem:s31] =	stream.indirect.scatter.add.f32 [tilespmem:s19], [sflag:$0x4], $0x80, s28, s8, $0xb8;
	[tilespmem:$0x1BD00] =	vst v63  }
0x1dd: {  	_ =	swait.ge [sflag:s2], $0x2800  }
0x1de: {  	s20 =	rddreg [dreg:$0x11];
	[sflag:s2] =	ssyncset.done $0x0  }
0x1df: {  	s10 =	simm.s32 $0x1BC80;
	[sflag:s2] =	ssyncadd.s32 $0xFFFFD800;
	s22 =	sadd.s32 s14, s20  }
0x1e0: {  	[tilespmem:s10], [sflag:$0x10] =	stream.linear.gather [hbm4b:s22+s15], $0x50, $0x38;
	[tilespmem:$0x1BD00] =	vst v63  }
0x1e1: {  	_ =	swait.ge [sflag:s1], $0x50  }
0x1e2: {  	[sflag:s1] =	ssyncset.done $0x0  }
0x1e3: {  	[sflag:s1] =	ssyncadd.s32 $0xFFFFFFB0  }
0x1e4: {  	s9 =	simm.s32 $0x2;
	s22 =	rddreg [dreg:$0x0]  }
0x1e5: {  	[tilespmem:s21], [sflag:$0x3] =	stream.indirect.gather [hbm4b:s22+s8], $0x80, s0, s8, $0xb8;
	[tilespmem:$0x1BD00] =	vst v63  }
0x1e6: {  	_ =	swait.ge [sflag:s9], $0x2800  }
0x1e7: {  	s0 =	rddreg [dreg:$0x10];
	[sflag:s9] =	ssyncset.done $0x0  }
0x1e8: {  	s10 =	simm.s32 $0xC;
	[sflag:s9] =	ssyncadd.s32 $0xFFFFD800;
	s22 =	sadd.s32 s14, s0  }
0x1e9: {  	[tilespmem:s16], [sflag:$0xA] =	stream.linear.gather [hbm4b:s22+s15], $0x50, $0x38;
	[tilespmem:$0x1BD00] =	vst v63  }
0x1ea: {  	_ =	swait.ge [sflag:s10], $0x50  }
0x1eb: {  	[sflag:s10] =	ssyncset.done $0x0  }
0x1ec: {  	s17 =	simm.s32 $0x4;
	s15 =	simm.s32 $0x1BA80;
	[sflag:s10] =	ssyncadd.s32 $0xFFFFFFB0  }
0x1ed: {  	[spmem:s31] =	stream.indirect.scatter.add.f32 [tilespmem:s11], [sflag:$0x5], $0x80, s15, s8, $0xb8;
	[tilespmem:$0x1BD00] =	vst v63  }
0x1ee: {  	_ =	swait.ge [sflag:s17], $0x2800  }
0x1ef: {  	s18 =	smov.u32 s31;
	s22 =	sshrl.u32 s13, $0x3;
	[sflag:s17] =	ssyncset.done $0x0  }
0x1f0: {  	s16 =	simm.s32 $0x0;
	s31 =	sadd.s32 s30, s22;
	[sflag:s17] =	ssyncadd.s32 $0xFFFFD800  }
0x1f1: {  	[tilespmem:s28], [sflag:$0xB] =	stream.linear.gather [hbm4b:s31+s16], $0x50, $0x38;
	[tilespmem:$0x1BD00] =	vst v63  }
0x1f2: {  	s31 =	rddreg [dreg:$0x1b];
	_ =	swait.ge [sflag:s25], $0x50  }
0x1f3: {  	[sflag:s25] =	ssyncset.done $0x0  }
0x1f4: {  	[sflag:s25] =	ssyncadd.s32 $0xFFFFFFB0  }
0x1f5: {  	s29 =	simm.s32 $0x3;
	s11 =	simm.s32 $0x1B880;
	s7 =	rddreg [dreg:$0x0]  }
0x1f6: {  	[tilespmem:s19], [sflag:$0x1] =	stream.indirect.gather [hbm4b:s7+s8], $0x80, s11, s8, $0xb8;
	[tilespmem:$0x1BD00] =	vst v63  }
0x1f7: {  	_ =	swait.ge [sflag:s29], $0x2800  }
0x1f8: {  	[sflag:s29] =	ssyncset.done $0x0  }
0x1f9: {  	s0 =	simm.s32 $0x1B800;
	s22 =	sadd.s32 s31, s22;
	[sflag:s29] =	ssyncadd.s32 $0xFFFFD800  }
0x1fa: {  	[tilespmem:s0], [sflag:$0x7] =	stream.linear.gather [hbm4b:s22+s16], $0x50, $0x38;
	[tilespmem:$0x1BD00] =	vst v63  }
0x1fb: {  	_ =	swait.ge [sflag:s6], $0x50  }
0x1fc: {  	[sflag:s6] =	ssyncset.done $0x0  }
0x1fd: {  	s7 =	simm.s32 $0x1BB00;
	s29 =	simm.s32 $0x5;
	[sflag:s6] =	ssyncadd.s32 $0xFFFFFFB0  }
0x1fe: {  	[spmem:s18] =	stream.indirect.scatter.add.f32 [tilespmem:s21], [sflag:$0x6], $0x80, s7, s8, $0xb8;
	[tilespmem:$0x1BD00] =	vst v63  }
0x1ff: {  	_ =	swait.ge [sflag:s29], $0x2800  }
0x200: {  	s20 =	rddreg [dreg:$0xf];
	[sflag:s29] =	ssyncset.done $0x0  }
0x201: {  	[sflag:s29] =	ssyncadd.s32 $0xFFFFD800;
	s22 =	sadd.s32 s14, s20  }
0x202: {  	[tilespmem:s15], [sflag:$0xC] =	stream.linear.gather [hbm4b:s22+s16], $0x50, $0x38;
	[tilespmem:$0x1BD00] =	vst v63  }
0x203: {  	_ =	swait.ge [sflag:s23], $0x50  }
0x204: {  	[sflag:s23] =	ssyncset.done $0x0  }
0x205: {  	s31 =	simm.s32 $0x16800;
	[sflag:s23] =	ssyncadd.s32 $0xFFFFFFB0  }
0x206: {  	s20 =	simm.s32 $0x1;
	s16 =	simm.s32 $0x1B900;
	s22 =	rddreg [dreg:$0x0]  }
0x207: {  	[tilespmem:s31], [sflag:$0x2] =	stream.indirect.gather [hbm4b:s22+s8], $0x80, s16, s8, $0xb8;
	[tilespmem:$0x1BD00] =	vst v63  }
0x208: {  	_ =	swait.ge [sflag:s20], $0x2800  }
0x209: {  	s22 =	rddreg [dreg:$0xe];
	[sflag:s20] =	ssyncset.done $0x0  }
0x20a: {  	s15 =	simm.s32 $0x0;
	[sflag:s20] =	ssyncadd.s32 $0xFFFFD800;
	s22 =	sadd.s32 s14, s22  }
0x20b: {  	[tilespmem:s11], [sflag:$0x8] =	stream.linear.gather [hbm4b:s22+s15], $0x50, $0x38;
	[tilespmem:$0x1BD00] =	vst v63  }
0x20c: {  	_ =	swait.ge [sflag:s5], $0x50  }
0x20d: {  	[sflag:s5] =	ssyncset.done $0x0  }
0x20e: {  	[sflag:s5] =	ssyncadd.s32 $0xFFFFFFB0;
	s5 =	simm.s32 $0x1BB80  }
0x20f: {  	[spmem:s18] =	stream.indirect.scatter.add.f32 [tilespmem:s19], [sflag:$0x4], $0x80, s5, s8, $0xb8;
	[tilespmem:$0x1BD00] =	vst v63  }
0x210: {  	_ =	swait.ge [sflag:s2], $0x2800  }
0x211: {  	s19 =	rddreg [dreg:$0xd];
	[sflag:s2] =	ssyncset.done $0x0  }
0x212: {  	s24 =	simm.s32 $0xA;
	[sflag:s2] =	ssyncadd.s32 $0xFFFFD800;
	s22 =	sadd.s32 s14, s19  }
0x213: {  	[tilespmem:s7], [sflag:$0xD] =	stream.linear.gather [hbm4b:s22+s15], $0x50, $0x38;
	[tilespmem:$0x1BD00] =	vst v63  }
0x214: {  	_ =	swait.ge [sflag:s24], $0x50  }
0x215: {  	[sflag:s24] =	ssyncset.done $0x0  }
0x216: {  	[sflag:s24] =	ssyncadd.s32 $0xFFFFFFB0  }
0x217: {  	s19 =	simm.s32 $0x1B980;
	s24 =	rddreg [dreg:$0x0]  }
0x218: {  	[tilespmem:s21], [sflag:$0x3] =	stream.indirect.gather [hbm4b:s24+s8], $0x80, s19, s8, $0xb8;
	[tilespmem:$0x1BD00] =	vst v63  }
0x219: {  	_ =	swait.ge [sflag:s9], $0x2800  }
0x21a: {  	s21 =	rddreg [dreg:$0xc];
	[sflag:s9] =	ssyncset.done $0x0  }
0x21b: {  	[sflag:s9] =	ssyncadd.s32 $0xFFFFD800;
	s22 =	sadd.s32 s14, s21  }
0x21c: {  	[tilespmem:s16], [sflag:$0x9] =	stream.linear.gather [hbm4b:s22+s15], $0x50, $0x38;
	[tilespmem:$0x1BD00] =	vst v63  }
0x21d: {  	_ =	swait.ge [sflag:s4], $0x50  }
0x21e: {  	[sflag:s4] =	ssyncset.done $0x0  }
0x21f: {  	[sflag:s4] =	ssyncadd.s32 $0xFFFFFFB0;
	s4 =	simm.s32 $0x1BC00  }
0x220: {  	[spmem:s18] =	stream.indirect.scatter.add.f32 [tilespmem:s31], [sflag:$0x5], $0x80, s4, s8, $0xb8;
	[tilespmem:$0x1BD00] =	vst v63  }
0x221: {  	_ =	swait.ge [sflag:s17], $0x2800  }
0x222: {  	s2 =	rddreg [dreg:$0xb];
	[sflag:s17] =	ssyncset.done $0x0  }
0x223: {  	[sflag:s17] =	ssyncadd.s32 $0xFFFFD800;
	s22 =	sadd.s32 s14, s2  }
0x224: {  	[tilespmem:s5], [sflag:$0xE] =	stream.linear.gather [hbm4b:s22+s15], $0x50, $0x38;
	[tilespmem:$0x1BD00] =	vst v63  }
0x225: {  	_ =	swait.ge [sflag:s1], $0x50  }
0x226: {  	[sflag:s1] =	ssyncset.done $0x0  }
0x227: {  	s7 =	simm.s32 $0x14000;
	s17 =	simm.s32 $0x3;
	[sflag:s1] =	ssyncadd.s32 $0xFFFFFFB0  }
0x228: {  	[tilespmem:s7], [sflag:$0x1] =	stream.indirect.gather [hbm4b:s24+s8], $0x80, s0, s8, $0xb8;
	[tilespmem:$0x1BD00] =	vst v63  }
0x229: {  	_ =	swait.ge [sflag:s17], $0x2800  }
0x22a: {  	s21 =	rddreg [dreg:$0xa];
	[sflag:s17] =	ssyncset.done $0x0  }
0x22b: {  	[sflag:s17] =	ssyncadd.s32 $0xFFFFD800;
	s22 =	sadd.s32 s14, s21  }
0x22c: {  	[tilespmem:s19], [sflag:$0xA] =	stream.linear.gather [hbm4b:s22+s15], $0x50, $0x38;
	[tilespmem:$0x1BD00] =	vst v63  }
0x22d: {  	_ =	swait.ge [sflag:s26], $0x50  }
0x22e: {  	[sflag:s26] =	ssyncset.done $0x0  }
0x22f: {  	s2 =	simm.s32 $0x19000;
	[sflag:s26] =	ssyncadd.s32 $0xFFFFFFB0;
	s26 =	simm.s32 $0x1BC80  }
0x230: {  	[spmem:s18] =	stream.indirect.scatter.add.f32 [tilespmem:s2], [sflag:$0x6], $0x80, s26, s8, $0xb8;
	[tilespmem:$0x1BD00] =	vst v63  }
0x231: {  	_ =	swait.ge [sflag:s29], $0x2800  }
0x232: {  	s5 =	rddreg [dreg:$0x9];
	[sflag:s29] =	ssyncset.done $0x0  }
0x233: {  	[sflag:s29] =	ssyncadd.s32 $0xFFFFD800;
	s22 =	sadd.s32 s14, s5  }
0x234: {  	[tilespmem:s4], [sflag:$0xF] =	stream.linear.gather [hbm4b:s22+s15], $0x50, $0x38;
	[tilespmem:$0x1BD00] =	vst v63  }
0x235: {  	_ =	swait.ge [sflag:s25], $0x50  }
0x236: {  	[sflag:s25] =	ssyncset.done $0x0  }
0x237: {  	s11 =	simm.s32 $0x1B880;
	s9 =	simm.s32 $0x16800;
	[sflag:s25] =	ssyncadd.s32 $0xFFFFFFB0  }
0x238: {  	[tilespmem:s9], [sflag:$0x2] =	stream.indirect.gather [hbm4b:s24+s8], $0x80, s11, s8, $0xb8;
	[tilespmem:$0x1BD00] =	vst v63  }
0x239: {  	_ =	swait.ge [sflag:s20], $0x2800  }
0x23a: {  	s19 =	rddreg [dreg:$0x8];
	[sflag:s20] =	ssyncset.done $0x0  }
0x23b: {  	[sflag:s20] =	ssyncadd.s32 $0xFFFFD800;
	s22 =	sadd.s32 s14, s19  }
0x23c: {  	[tilespmem:s0], [sflag:$0x7] =	stream.linear.gather [hbm4b:s22+s15], $0x50, $0x38;
	[tilespmem:$0x1BD00] =	vst v63  }
0x23d: {  	_ =	swait.ge [sflag:s3], $0x50  }
0x23e: {  	[sflag:s3] =	ssyncset.done $0x0  }
0x23f: {  	s25 =	simm.s32 $0x6;
	[sflag:s3] =	ssyncadd.s32 $0xFFFFFFB0  }
0x240: {  	[spmem:s18] =	stream.indirect.scatter.add.f32 [tilespmem:s7], [sflag:$0x4], $0x80, s28, s8, $0xb8;
	[tilespmem:$0x1BD00] =	vst v63  }
0x241: {  	_ =	swait.ge [sflag:s25], $0x2800  }
0x242: {  	s21 =	rddreg [dreg:$0x7];
	[sflag:s25] =	ssyncset.done $0x0  }
0x243: {  	[sflag:s25] =	ssyncadd.s32 $0xFFFFD800;
	s22 =	sadd.s32 s14, s21  }
0x244: {  	[tilespmem:s26], [sflag:$0x10] =	stream.linear.gather [hbm4b:s22+s15], $0x50, $0x38;
	[tilespmem:$0x1BD00] =	vst v63  }
0x245: {  	_ =	swait.ge [sflag:s23], $0x50  }
0x246: {  	[sflag:s23] =	ssyncset.done $0x0  }
0x247: {  	s16 =	simm.s32 $0x1B900;
	s4 =	simm.s32 $0x2;
	[sflag:s23] =	ssyncadd.s32 $0xFFFFFFB0  }
0x248: {  	[tilespmem:s2], [sflag:$0x3] =	stream.indirect.gather [hbm4b:s24+s8], $0x80, s16, s8, $0xb8;
	[tilespmem:$0x1BD00] =	vst v63  }
0x249: {  	_ =	swait.ge [sflag:s4], $0x2800  }
0x24a: {  	s23 =	rddreg [dreg:$0x6];
	[sflag:s4] =	ssyncset.done $0x0  }
0x24b: {  	[sflag:s4] =	ssyncadd.s32 $0xFFFFD800;
	s22 =	sadd.s32 s14, s23  }
0x24c: {  	[tilespmem:s11], [sflag:$0x8] =	stream.linear.gather [hbm4b:s22+s15], $0x50, $0x38;
	[tilespmem:$0x1BD00] =	vst v63  }
0x24d: {  	_ =	swait.ge [sflag:s10], $0x50  }
0x24e: {  	[sflag:s10] =	ssyncset.done $0x0  }
0x24f: {  	s6 =	simm.s32 $0x1BA80;
	[sflag:s10] =	ssyncadd.s32 $0xFFFFFFB0;
	s10 =	simm.s32 $0x4  }
0x250: {  	[spmem:s18] =	stream.indirect.scatter.add.f32 [tilespmem:s9], [sflag:$0x5], $0x80, s6, s8, $0xb8;
	[tilespmem:$0x1BD00] =	vst v63  }
0x251: {  	_ =	swait.ge [sflag:s10], $0x2800  }
0x252: {  	s26 =	rddreg [dreg:$0x5];
	[sflag:s10] =	ssyncset.done $0x0  }
0x253: {  	p0 =	sne.s32 s12, $0x3C0;
	[sflag:s10] =	ssyncadd.s32 $0xFFFFD800;
	s14 =	sadd.s32 s14, s26  }
0x254: {  	[tilespmem:s28], [sflag:$0xB] =	stream.linear.gather [hbm4b:s14+s15], $0x50, $0x38;
	[tilespmem:$0x1BD00] =	vst v63  }
.Ltmp1:
0x255: {  	_ = 	snop;
	(pc) =	sbr.rel @p0 .LBB2_4-.Ltmp1, $4  }
0x256: {  	s28 =	simm.s32 $0xA  }
0x257: {  	_ =	swait.ge [sflag:s28], $0x50  }
0x258: {  	s12 =	sadd.s32 $0x78, s12;
	[sflag:s28] =	ssyncset.done $0x0  }
0x259: {  	s13 =	sadd.s32 $0x3C0, s13;
	s31 =	smov.u32 s18;
	[sflag:s28] =	ssyncadd.s32 $0xFFFFFFB0  }
0x25a: {  	s12 =	simm.s32 $0x1B980  }
0x25b: {  	[tilespmem:s7], [sflag:$0x1] =	stream.indirect.gather [hbm4b:s24+s8], $0x80, s12, s8, $0xb8;
	[tilespmem:$0x1BD00] =	vst v63  }
0x25c: {  	_ =	swait.ge [sflag:s17], $0x2800  }
0x25d: {  	s0 =	sld [smem:$0x7FD]  }
0x25e: {  	[sflag:s17] =	ssyncset.done $0x0  }
0x25f: {  	s13 =	simm.s32 $0x1B900;
	s7 =	simm.s32 $0xD;
	[sflag:s17] =	ssyncadd.s32 $0xFFFFD800  }
0x260: {  	[tilespmem:s13], [sflag:$0x9] =	stream.linear.gather [hbm4b:s0+s15], $0x50, $0x38;
	[tilespmem:$0x1BD00] =	vst v63  }
0x261: {  	_ =	swait.ge [sflag:s7], $0x50  }
0x262: {  	[sflag:s7] =	ssyncset.done $0x0  }
0x263: {  	s21 =	simm.s32 $0x1BB00;
	[sflag:s7] =	ssyncadd.s32 $0xFFFFFFB0  }
0x264: {  	[spmem:s31] =	stream.indirect.scatter.add.f32 [tilespmem:s2], [sflag:$0x6], $0x80, s21, s8, $0xb8;
	[tilespmem:$0x1BD00] =	vst v63  }
0x265: {  	_ =	swait.ge [sflag:s29], $0x2800  }
0x266: {  	s22 =	sld [smem:$0x7DC]  }
0x267: {  	[sflag:s29] =	ssyncset.done $0x0  }
0x268: {  	s1 =	simm.s32 $0x1BA80;
	s2 =	simm.s32 $0x7;
	[sflag:s29] =	ssyncadd.s32 $0xFFFFD800  }
0x269: {  	[tilespmem:s1], [sflag:$0xC] =	stream.linear.gather [hbm4b:s22+s15], $0x50, $0x38;
	[tilespmem:$0x1BD00] =	vst v63  }
0x26a: {  	_ =	swait.ge [sflag:s2], $0x50  }
0x26b: {  	[sflag:s2] =	ssyncset.done $0x0  }
0x26c: {  	s16 =	simm.s32 $0x1B800;
	s6 =	simm.s32 $0x16800;
	[sflag:s2] =	ssyncadd.s32 $0xFFFFFFB0  }
0x26d: {  	[tilespmem:s6], [sflag:$0x2] =	stream.indirect.gather [hbm4b:s24+s8], $0x80, s16, s8, $0xb8;
	[tilespmem:$0x1BD00] =	vst v63  }
0x26e: {  	_ =	swait.ge [sflag:s20], $0x2800  }
0x26f: {  	s23 =	sld [smem:$0x7DD]  }
0x270: {  	[sflag:s20] =	ssyncset.done $0x0  }
0x271: {  	s11 =	simm.s32 $0xE;
	[sflag:s20] =	ssyncadd.s32 $0xFFFFD800  }
0x272: {  	[tilespmem:s12], [sflag:$0xA] =	stream.linear.gather [hbm4b:s23+s15], $0x50, $0x38;
	[tilespmem:$0x1BD00] =	vst v63  }
0x273: {  	_ =	swait.ge [sflag:s11], $0x50  }
0x274: {  	[sflag:s11] =	ssyncset.done $0x0  }
0x275: {  	s19 =	simm.s32 $0x14000;
	s26 =	simm.s32 $0x1BB80;
	[sflag:s11] =	ssyncadd.s32 $0xFFFFFFB0  }
0x276: {  	[spmem:s31] =	stream.indirect.scatter.add.f32 [tilespmem:s19], [sflag:$0x4], $0x80, s26, s8, $0xb8;
	[tilespmem:$0x1BD00] =	vst v63  }
0x277: {  	_ =	swait.ge [sflag:s25], $0x2800  }
0x278: {  	s1 =	sld [smem:$0x7DE]  }
0x279: {  	[sflag:s25] =	ssyncset.done $0x0  }
0x27a: {  	s5 =	simm.s32 $0x1BB00;
	s23 =	simm.s32 $0x8;
	[sflag:s25] =	ssyncadd.s32 $0xFFFFD800  }
0x27b: {  	[tilespmem:s5], [sflag:$0xD] =	stream.linear.gather [hbm4b:s1+s15], $0x50, $0x38;
	[tilespmem:$0x1BD00] =	vst v63  }
0x27c: {  	_ =	swait.ge [sflag:s23], $0x50  }
0x27d: {  	[sflag:s23] =	ssyncset.done $0x0  }
0x27e: {  	s21 =	simm.s32 $0x19000;
	s26 =	simm.s32 $0x1B880;
	[sflag:s23] =	ssyncadd.s32 $0xFFFFFFB0  }
0x27f: {  	[tilespmem:s21], [sflag:$0x3] =	stream.indirect.gather [hbm4b:s24+s8], $0x80, s26, s8, $0xb8;
	[tilespmem:$0x1BD00] =	vst v63  }
0x280: {  	_ =	swait.ge [sflag:s4], $0x2800  }
0x281: {  	s9 =	sld [smem:$0x7DF]  }
0x282: {  	[sflag:s4] =	ssyncset.done $0x0  }
0x283: {  	s5 =	simm.s32 $0xF;
	[sflag:s4] =	ssyncadd.s32 $0xFFFFD800  }
0x284: {  	[tilespmem:s16], [sflag:$0x7] =	stream.linear.gather [hbm4b:s9+s15], $0x50, $0x38;
	[tilespmem:$0x1BD00] =	vst v63  }
0x285: {  	_ =	swait.ge [sflag:s5], $0x50  }
0x286: {  	[sflag:s5] =	ssyncset.done $0x0  }
0x287: {  	s14 =	simm.s32 $0x1BC00;
	[sflag:s5] =	ssyncadd.s32 $0xFFFFFFB0  }
0x288: {  	[spmem:s31] =	stream.indirect.scatter.add.f32 [tilespmem:s6], [sflag:$0x5], $0x80, s14, s8, $0xb8;
	[tilespmem:$0x1BD00] =	vst v63  }
0x289: {  	_ =	swait.ge [sflag:s10], $0x2800  }
0x28a: {  	s17 =	sld [smem:$0x7E0]  }
0x28b: {  	[sflag:s10] =	ssyncset.done $0x0  }
0x28c: {  	s3 =	simm.s32 $0x1BB80;
	[sflag:s10] =	ssyncadd.s32 $0xFFFFD800;
	s10 =	simm.s32 $0x9  }
0x28d: {  	[tilespmem:s3], [sflag:$0xE] =	stream.linear.gather [hbm4b:s17+s15], $0x50, $0x38;
	[tilespmem:$0x1BD00] =	vst v63  }
0x28e: {  	_ =	swait.ge [sflag:s10], $0x50  }
0x28f: {  	[sflag:s10] =	ssyncset.done $0x0  }
0x290: {  	s25 =	simm.s32 $0x3;
	[sflag:s10] =	ssyncadd.s32 $0xFFFFFFB0  }
0x291: {  	[tilespmem:s19], [sflag:$0x1] =	stream.indirect.gather [hbm4b:s24+s8], $0x80, s13, s8, $0xb8;
	[tilespmem:$0x1BD00] =	vst v63  }
0x292: {  	_ =	swait.ge [sflag:s25], $0x2800  }
0x293: {  	s22 =	sld [smem:$0x7E1]  }
0x294: {  	[sflag:s25] =	ssyncset.done $0x0  }
0x295: {  	s4 =	simm.s32 $0x10;
	[sflag:s25] =	ssyncadd.s32 $0xFFFFD800  }
0x296: {  	[tilespmem:s26], [sflag:$0x8] =	stream.linear.gather [hbm4b:s22+s15], $0x50, $0x38;
	[tilespmem:$0x1BD00] =	vst v63  }
0x297: {  	_ =	swait.ge [sflag:s4], $0x50  }
0x298: {  	[sflag:s4] =	ssyncset.done $0x0  }
0x299: {  	s1 =	simm.s32 $0x1BC80;
	[sflag:s4] =	ssyncadd.s32 $0xFFFFFFB0  }
0x29a: {  	[spmem:s31] =	stream.indirect.scatter.add.f32 [tilespmem:s21], [sflag:$0x6], $0x80, s1, s8, $0xb8;
	[tilespmem:$0x1BD00] =	vst v63  }
0x29b: {  	_ =	swait.ge [sflag:s29], $0x2800  }
0x29c: {  	s22 =	sld [smem:$0x7E2]  }
0x29d: {  	[sflag:s29] =	ssyncset.done $0x0  }
0x29e: {  	s14 =	simm.s32 $0x1BC00;
	[sflag:s29] =	ssyncadd.s32 $0xFFFFD800  }
0x29f: {  	[tilespmem:s14], [sflag:$0xF] =	stream.linear.gather [hbm4b:s22+s15], $0x50, $0x38;
	[tilespmem:$0x1BD00] =	vst v63  }
0x2a0: {  	_ =	swait.ge [sflag:s28], $0x50  }
0x2a1: {  	[sflag:s28] =	ssyncset.done $0x0  }
0x2a2: {  	[sflag:s28] =	ssyncadd.s32 $0xFFFFFFB0  }
0x2a3: {  	[tilespmem:s6], [sflag:$0x2] =	stream.indirect.gather [hbm4b:s24+s8], $0x80, s12, s8, $0xb8;
	[tilespmem:$0x1BD00] =	vst v63  }
0x2a4: {  	_ =	swait.ge [sflag:s20], $0x2800  }
0x2a5: {  	s22 =	sld [smem:$0x7E3]  }
0x2a6: {  	[sflag:s20] =	ssyncset.done $0x0  }
0x2a7: {  	[sflag:s20] =	ssyncadd.s32 $0xFFFFD800  }
0x2a8: {  	[tilespmem:s13], [sflag:$0x9] =	stream.linear.gather [hbm4b:s22+s15], $0x50, $0x38;
	[tilespmem:$0x1BD00] =	vst v63  }
0x2a9: {  	s22 =	simm.s32 $0xB  }
0x2aa: {  	_ =	swait.ge [sflag:s22], $0x50  }
0x2ab: {  	[sflag:s22] =	ssyncset.done $0x0  }
0x2ac: {  	s3 =	simm.s32 $0x6;
	s14 =	simm.s32 $0x1BA00;
	[sflag:s22] =	ssyncadd.s32 $0xFFFFFFB0  }
0x2ad: {  	[spmem:s31] =	stream.indirect.scatter.add.f32 [tilespmem:s19], [sflag:$0x4], $0x80, s14, s8, $0xb8;
	[tilespmem:$0x1BD00] =	vst v63  }
0x2ae: {  	_ =	swait.ge [sflag:s3], $0x2800  }
0x2af: {  	[sflag:s3] =	ssyncset.done $0x0  }
0x2b0: {  	[sflag:s3] =	ssyncadd.s32 $0xFFFFD800;
	s3 =	sld [smem:$0x7E4];
	_ =	sdelay $0x1  }
0x2b1: {  	s1 =	simm.s32 $0x1BC80  }
0x2b2: {  	[tilespmem:s1], [sflag:$0x10] =	stream.linear.gather [hbm4b:s3+s15], $0x50, $0x38;
	[tilespmem:$0x1BD00] =	vst v63  }
0x2b3: {  	_ =	swait.ge [sflag:s2], $0x50  }
0x2b4: {  	[sflag:s2] =	ssyncset.done $0x0  }
0x2b5: {  	s9 =	simm.s32 $0x2;
	[sflag:s2] =	ssyncadd.s32 $0xFFFFFFB0  }
0x2b6: {  	[tilespmem:s21], [sflag:$0x3] =	stream.indirect.gather [hbm4b:s24+s8], $0x80, s16, s8, $0xb8;
	[tilespmem:$0x1BD00] =	vst v63  }
0x2b7: {  	_ =	swait.ge [sflag:s9], $0x2800  }
0x2b8: {  	s3 =	sld [smem:$0x7E5]  }
0x2b9: {  	[sflag:s9] =	ssyncset.done $0x0  }
0x2ba: {  	[sflag:s9] =	ssyncadd.s32 $0xFFFFD800  }
0x2bb: {  	[tilespmem:s12], [sflag:$0xA] =	stream.linear.gather [hbm4b:s3+s15], $0x50, $0x38;
	[tilespmem:$0x1BD00] =	vst v63  }
0x2bc: {  	s3 =	simm.s32 $0xC  }
0x2bd: {  	_ =	swait.ge [sflag:s3], $0x50  }
0x2be: {  	[sflag:s3] =	ssyncset.done $0x0  }
0x2bf: {  	s17 =	simm.s32 $0x4;
	s1 =	simm.s32 $0x1BA80;
	[sflag:s3] =	ssyncadd.s32 $0xFFFFFFB0  }
0x2c0: {  	[spmem:s18] =	stream.indirect.scatter.add.f32 [tilespmem:s6], [sflag:$0x5], $0x80, s1, s8, $0xb8;
	[tilespmem:$0x1BD00] =	vst v63  }
0x2c1: {  	_ =	swait.ge [sflag:s17], $0x2800  }
0x2c2: {  	s0 =	sld [smem:$0x7E6]  }
0x2c3: {  	[sflag:s17] =	ssyncset.done $0x0  }
0x2c4: {  	[sflag:s17] =	ssyncadd.s32 $0xFFFFD800  }
0x2c5: {  	[tilespmem:s14], [sflag:$0xB] =	stream.linear.gather [hbm4b:s0+s15], $0x50, $0x38;
	[tilespmem:$0x1BD00] =	vst v63  }
0x2c6: {  	_ =	swait.ge [sflag:s23], $0x50  }
0x2c7: {  	[sflag:s23] =	ssyncset.done $0x0  }
0x2c8: {  	[sflag:s23] =	ssyncadd.s32 $0xFFFFFFB0  }
0x2c9: {  	[tilespmem:s19], [sflag:$0x1] =	stream.indirect.gather [hbm4b:s24+s8], $0x80, s26, s8, $0xb8;
	[tilespmem:$0x1BD00] =	vst v63  }
0x2ca: {  	_ =	swait.ge [sflag:s25], $0x2800  }
0x2cb: {  	s0 =	sld [smem:$0x7E7]  }
0x2cc: {  	[sflag:s25] =	ssyncset.done $0x0  }
0x2cd: {  	[sflag:s25] =	ssyncadd.s32 $0xFFFFD800  }
0x2ce: {  	[tilespmem:s16], [sflag:$0x7] =	stream.linear.gather [hbm4b:s0+s15], $0x50, $0x38;
	[tilespmem:$0x1BD00] =	vst v63  }
0x2cf: {  	_ =	swait.ge [sflag:s7], $0x50  }
0x2d0: {  	[sflag:s7] =	ssyncset.done $0x0  }
0x2d1: {  	s31 =	simm.s32 $0x1BB00;
	[sflag:s7] =	ssyncadd.s32 $0xFFFFFFB0  }
0x2d2: {  	[spmem:s18] =	stream.indirect.scatter.add.f32 [tilespmem:s21], [sflag:$0x6], $0x80, s31, s8, $0xb8;
	[tilespmem:$0x1BD00] =	vst v63  }
0x2d3: {  	_ =	swait.ge [sflag:s29], $0x2800  }
0x2d4: {  	s0 =	sld [smem:$0x7E8]  }
0x2d5: {  	[sflag:s29] =	ssyncset.done $0x0  }
0x2d6: {  	[sflag:s29] =	ssyncadd.s32 $0xFFFFD800  }
0x2d7: {  	[tilespmem:s1], [sflag:$0xC] =	stream.linear.gather [hbm4b:s0+s15], $0x50, $0x38;
	[tilespmem:$0x1BD00] =	vst v63  }
0x2d8: {  	_ =	swait.ge [sflag:s10], $0x50  }
0x2d9: {  	[sflag:s10] =	ssyncset.done $0x0  }
0x2da: {  	[sflag:s10] =	ssyncadd.s32 $0xFFFFFFB0  }
0x2db: {  	[tilespmem:s6], [sflag:$0x2] =	stream.indirect.gather [hbm4b:s24+s8], $0x80, s13, s8, $0xb8;
	[tilespmem:$0x1BD00] =	vst v63  }
0x2dc: {  	_ =	swait.ge [sflag:s20], $0x2800  }
0x2dd: {  	s1 =	sld [smem:$0x7E9]  }
0x2de: {  	[sflag:s20] =	ssyncset.done $0x0  }
0x2df: {  	[sflag:s20] =	ssyncadd.s32 $0xFFFFD800  }
0x2e0: {  	[tilespmem:s26], [sflag:$0x8] =	stream.linear.gather [hbm4b:s1+s15], $0x50, $0x38;
	[tilespmem:$0x1BD00] =	vst v63  }
0x2e1: {  	_ =	swait.ge [sflag:s11], $0x50  }
0x2e2: {  	[sflag:s11] =	ssyncset.done $0x0  }
0x2e3: {  	s25 =	simm.s32 $0x6;
	s1 =	simm.s32 $0x1BB80;
	[sflag:s11] =	ssyncadd.s32 $0xFFFFFFB0  }
0x2e4: {  	[spmem:s18] =	stream.indirect.scatter.add.f32 [tilespmem:s19], [sflag:$0x4], $0x80, s1, s8, $0xb8;
	[tilespmem:$0x1BD00] =	vst v63  }
0x2e5: {  	_ =	swait.ge [sflag:s25], $0x2800  }
0x2e6: {  	s0 =	sld [smem:$0x7EA]  }
0x2e7: {  	[sflag:s25] =	ssyncset.done $0x0  }
0x2e8: {  	[sflag:s25] =	ssyncadd.s32 $0xFFFFD800  }
0x2e9: {  	[tilespmem:s31], [sflag:$0xD] =	stream.linear.gather [hbm4b:s0+s15], $0x50, $0x38;
	[tilespmem:$0x1BD00] =	vst v63  }
0x2ea: {  	_ =	swait.ge [sflag:s28], $0x50  }
0x2eb: {  	[sflag:s28] =	ssyncset.done $0x0  }
0x2ec: {  	[sflag:s28] =	ssyncadd.s32 $0xFFFFFFB0  }
0x2ed: {  	[tilespmem:s21], [sflag:$0x3] =	stream.indirect.gather [hbm4b:s24+s8], $0x80, s12, s8, $0xb8;
	[tilespmem:$0x1BD00] =	vst v63  }
0x2ee: {  	_ =	swait.ge [sflag:s9], $0x2800  }
0x2ef: {  	s0 =	sld [smem:$0x7EB]  }
0x2f0: {  	[sflag:s9] =	ssyncset.done $0x0  }
0x2f1: {  	[sflag:s9] =	ssyncadd.s32 $0xFFFFD800  }
0x2f2: {  	[tilespmem:s13], [sflag:$0x9] =	stream.linear.gather [hbm4b:s0+s15], $0x50, $0x38;
	[tilespmem:$0x1BD00] =	vst v63  }
0x2f3: {  	_ =	swait.ge [sflag:s5], $0x50  }
0x2f4: {  	[sflag:s5] =	ssyncset.done $0x0  }
0x2f5: {  	s31 =	simm.s32 $0x1BC00;
	[sflag:s5] =	ssyncadd.s32 $0xFFFFFFB0  }
0x2f6: {  	[spmem:s18] =	stream.indirect.scatter.add.f32 [tilespmem:s6], [sflag:$0x5], $0x80, s31, s8, $0xb8;
	[tilespmem:$0x1BD00] =	vst v63  }
0x2f7: {  	_ =	swait.ge [sflag:s17], $0x2800  }
0x2f8: {  	s0 =	sld [smem:$0x7EC]  }
0x2f9: {  	[sflag:s17] =	ssyncset.done $0x0  }
0x2fa: {  	[sflag:s17] =	ssyncadd.s32 $0xFFFFD800  }
0x2fb: {  	[tilespmem:s1], [sflag:$0xE] =	stream.linear.gather [hbm4b:s0+s15], $0x50, $0x38;
	[tilespmem:$0x1BD00] =	vst v63  }
0x2fc: {  	_ =	swait.ge [sflag:s2], $0x50  }
0x2fd: {  	[sflag:s2] =	ssyncset.done $0x0  }
0x2fe: {  	s17 =	simm.s32 $0x3;
	[sflag:s2] =	ssyncadd.s32 $0xFFFFFFB0  }
0x2ff: {  	[tilespmem:s19], [sflag:$0x1] =	stream.indirect.gather [hbm4b:s24+s8], $0x80, s16, s8, $0xb8;
	[tilespmem:$0x1BD00] =	vst v63  }
0x300: {  	_ =	swait.ge [sflag:s17], $0x2800  }
0x301: {  	s1 =	sld [smem:$0x7ED]  }
0x302: {  	[sflag:s17] =	ssyncset.done $0x0  }
0x303: {  	[sflag:s17] =	ssyncadd.s32 $0xFFFFD800  }
0x304: {  	[tilespmem:s12], [sflag:$0xA] =	stream.linear.gather [hbm4b:s1+s15], $0x50, $0x38;
	[tilespmem:$0x1BD00] =	vst v63  }
0x305: {  	_ =	swait.ge [sflag:s4], $0x50  }
0x306: {  	[sflag:s4] =	ssyncset.done $0x0  }
0x307: {  	[sflag:s4] =	ssyncadd.s32 $0xFFFFFFB0;
	s4 =	simm.s32 $0x1BC80  }
0x308: {  	[spmem:s18] =	stream.indirect.scatter.add.f32 [tilespmem:s21], [sflag:$0x6], $0x80, s4, s8, $0xb8;
	[tilespmem:$0x1BD00] =	vst v63  }
0x309: {  	_ =	swait.ge [sflag:s29], $0x2800  }
0x30a: {  	s1 =	sld [smem:$0x7EE]  }
0x30b: {  	[sflag:s29] =	ssyncset.done $0x0  }
0x30c: {  	[sflag:s29] =	ssyncadd.s32 $0xFFFFD800  }
0x30d: {  	[tilespmem:s31], [sflag:$0xF] =	stream.linear.gather [hbm4b:s1+s15], $0x50, $0x38;
	[tilespmem:$0x1BD00] =	vst v63  }
0x30e: {  	_ =	swait.ge [sflag:s23], $0x50  }
0x30f: {  	[sflag:s23] =	ssyncset.done $0x0  }
0x310: {  	[sflag:s23] =	ssyncadd.s32 $0xFFFFFFB0  }
0x311: {  	[tilespmem:s6], [sflag:$0x2] =	stream.indirect.gather [hbm4b:s24+s8], $0x80, s26, s8, $0xb8;
	[tilespmem:$0x1BD00] =	vst v63  }
0x312: {  	_ =	swait.ge [sflag:s20], $0x2800  }
0x313: {  	s4 =	sld [smem:$0x7EF]  }
0x314: {  	[sflag:s20] =	ssyncset.done $0x0  }
0x315: {  	[sflag:s20] =	ssyncadd.s32 $0xFFFFD800  }
0x316: {  	[tilespmem:s16], [sflag:$0x7] =	stream.linear.gather [hbm4b:s4+s15], $0x50, $0x38;
	[tilespmem:$0x1BD00] =	vst v63  }
0x317: {  	_ =	swait.ge [sflag:s22], $0x50  }
0x318: {  	[sflag:s22] =	ssyncset.done $0x0  }
0x319: {  	[sflag:s22] =	ssyncadd.s32 $0xFFFFFFB0  }
0x31a: {  	[spmem:s18] =	stream.indirect.scatter.add.f32 [tilespmem:s19], [sflag:$0x4], $0x80, s14, s8, $0xb8;
	[tilespmem:$0x1BD00] =	vst v63  }
0x31b: {  	_ =	swait.ge [sflag:s25], $0x2800  }
0x31c: {  	[sflag:s25] =	ssyncset.done $0x0  }
0x31d: {  	[sflag:s25] =	ssyncadd.s32 $0xFFFFD800  }
0x31e: {  	_ =	swait.ge [sflag:s10], $0x50  }
0x31f: {  	[sflag:s10] =	ssyncset.done $0x0  }
0x320: {  	[sflag:s10] =	ssyncadd.s32 $0xFFFFFFB0  }
0x321: {  	[tilespmem:s21], [sflag:$0x3] =	stream.indirect.gather [hbm4b:s24+s8], $0x80, s13, s8, $0xb8;
	[tilespmem:$0x1BD00] =	vst v63  }
0x322: {  	_ =	swait.ge [sflag:s9], $0x2800  }
0x323: {  	[sflag:s9] =	ssyncset.done $0x0  }
0x324: {  	[sflag:s9] =	ssyncadd.s32 $0xFFFFD800  }
0x325: {  	_ =	swait.ge [sflag:s3], $0x50  }
0x326: {  	[sflag:s3] =	ssyncset.done $0x0  }
0x327: {  	s10 =	simm.s32 $0x4;
	s13 =	simm.s32 $0x1BA80;
	[sflag:s3] =	ssyncadd.s32 $0xFFFFFFB0  }
0x328: {  	[spmem:s18] =	stream.indirect.scatter.add.f32 [tilespmem:s6], [sflag:$0x5], $0x80, s13, s8, $0xb8;
	[tilespmem:$0x1BD00] =	vst v63  }
0x329: {  	_ =	swait.ge [sflag:s10], $0x2800  }
0x32a: {  	[sflag:s10] =	ssyncset.done $0x0  }
0x32b: {  	[sflag:s10] =	ssyncadd.s32 $0xFFFFD800  }
0x32c: {  	_ =	swait.ge [sflag:s28], $0x50  }
0x32d: {  	[sflag:s28] =	ssyncset.done $0x0  }
0x32e: {  	[sflag:s28] =	ssyncadd.s32 $0xFFFFFFB0  }
0x32f: {  	[tilespmem:s19], [sflag:$0x1] =	stream.indirect.gather [hbm4b:s24+s8], $0x80, s12, s8, $0xb8;
	[tilespmem:$0x1BD00] =	vst v63  }
0x330: {  	_ =	swait.ge [sflag:s17], $0x2800  }
0x331: {  	[sflag:s17] =	ssyncset.done $0x0  }
0x332: {  	[sflag:s17] =	ssyncadd.s32 $0xFFFFD800  }
0x333: {  	_ =	swait.ge [sflag:s7], $0x50  }
0x334: {  	[sflag:s7] =	ssyncset.done $0x0  }
0x335: {  	s14 =	simm.s32 $0x1BB00;
	[sflag:s7] =	ssyncadd.s32 $0xFFFFFFB0  }
0x336: {  	[spmem:s18] =	stream.indirect.scatter.add.f32 [tilespmem:s21], [sflag:$0x6], $0x80, s14, s8, $0xb8;
	[tilespmem:$0x1BD00] =	vst v63  }
0x337: {  	_ =	swait.ge [sflag:s29], $0x2800  }
0x338: {  	[sflag:s29] =	ssyncset.done $0x0  }
0x339: {  	[sflag:s29] =	ssyncadd.s32 $0xFFFFD800  }
0x33a: {  	_ =	swait.ge [sflag:s2], $0x50  }
0x33b: {  	[sflag:s2] =	ssyncset.done $0x0  }
0x33c: {  	[sflag:s2] =	ssyncadd.s32 $0xFFFFFFB0  }
0x33d: {  	[tilespmem:s6], [sflag:$0x2] =	stream.indirect.gather [hbm4b:s24+s8], $0x80, s16, s8, $0xb8;
	[tilespmem:$0x1BD00] =	vst v63  }
0x33e: {  	_ =	swait.ge [sflag:s20], $0x2800  }
0x33f: {  	[sflag:s20] =	ssyncset.done $0x0  }
0x340: {  	[sflag:s20] =	ssyncadd.s32 $0xFFFFD800  }
0x341: {  	_ =	swait.ge [sflag:s11], $0x50  }
0x342: {  	[sflag:s11] =	ssyncset.done $0x0  }
0x343: {  	s19 =	simm.s32 $0x1BB80;
	s7 =	simm.s32 $0x14000;
	[sflag:s11] =	ssyncadd.s32 $0xFFFFFFB0  }
0x344: {  	[spmem:s18] =	stream.indirect.scatter.add.f32 [tilespmem:s7], [sflag:$0x4], $0x80, s19, s8, $0xb8;
	[tilespmem:$0x1BD00] =	vst v63  }
0x345: {  	_ =	swait.ge [sflag:s25], $0x2800  }
0x346: {  	[sflag:s25] =	ssyncset.done $0x0  }
0x347: {  	[sflag:s25] =	ssyncadd.s32 $0xFFFFD800  }
0x348: {  	_ =	swait.ge [sflag:s9], $0x2800  }
0x349: {  	[sflag:s9] =	ssyncset.done $0x0  }
0x34a: {  	[sflag:s9] =	ssyncadd.s32 $0xFFFFD800  }
0x34b: {  	_ =	swait.ge [sflag:s5], $0x50  }
0x34c: {  	[sflag:s5] =	ssyncset.done $0x0  }
0x34d: {  	s1 =	simm.s32 $0x1BC00;
	[sflag:s5] =	ssyncadd.s32 $0xFFFFFFB0  }
0x34e: {  	[spmem:s18] =	stream.indirect.scatter.add.f32 [tilespmem:s6], [sflag:$0x5], $0x80, s1, s8, $0xb8;
	[tilespmem:$0x1BD00] =	vst v63  }
0x34f: {  	_ =	swait.ge [sflag:s10], $0x2800  }
0x350: {  	[sflag:s10] =	ssyncset.done $0x0  }
0x351: {  	[sflag:s10] =	ssyncadd.s32 $0xFFFFD800  }
0x352: {  	_ =	swait.ge [sflag:s29], $0x2800  }
0x353: {  	[sflag:s29] =	ssyncset.done $0x0  }
0x354: {  	[sflag:s29] =	ssyncadd.s32 $0xFFFFD800  }
0x355: {  	[bflag:$0x0] =	sbarrier.arrive $0xFFFF  }
0x356: {  	s21 =	stileid.u32;
	s23 =	sld [smem:$0x7F0]  }
0x357: {  	s12 =	sshll.u32 s21, $0x6;
	s14 =	rddreg [dreg:$0x1c]  }
0x358: {  	s12 =	sor.u32 $0x1C11, s12;
	s22 =	sshrl.u32 s14, $0x3  }
0x359: {  	[hbm:s23], [sflag:s12] =	dma.local [spmem:s22], $0x2800  }
0x35a: {  	s22 =	simm.s32 $0x11  }
0x35b: {  	_ =	swait.ge [sflag:s22], $0x2800  }
0x35c: {  	s26 =	sld [smem:$0x7D4]  }
0x35d: {  	s28 =	sld [smem:$0x7F1];
	_ =	sdelay $0x1  }
0x35e: {  	s2 =	sadd.s32 $0x1, s26  }
0x35f: {  	p0 =	sne.s32 s2, s28  }
.Ltmp2:
0x360: {  	_ = 	snop;
	(pc) =	sbr.rel @p0 .LBB2_1-.Ltmp2, $3  }
0x361: {  	_ =	sdelay $0x1  }
0x362: {  	[sflag:s22] =	ssyncset.done $0x0  }
0x363: {  	s31 =	smov.u32 s18;
	s21 =	simm.s32 $0x16800;
	[sflag:s22] =	ssyncadd.s32 $0xFFFFD800  }
0x364: {  	_ =	sfence.sel $0x180000  }
0x365: {  	[bflag:$0x0] =	sbarrier.arrive $0xFFFF  }
0x366: {  	_ =	strace $0x90000047  }
0x367: {  	s0 =	stileid.u32;
	[bflag:$0x2] =	sbarrier.arrive $0xFFFF  }
0x368: {  	p0 =	sne.s32 s0, $0x0;
	s0 =	rddreg [dreg:$0x4]  }
0x369: {  	s0 =	sadd.s32 @!p0 $0x100000, s0  }
0x36a: {  	[sflag:s0] =	ssyncadd.tile.s32 @!p0 $0x1;
	_ =	shalt  }
.Lfunc_end2:
_tile_overlayer_lowered:
.L_overlay_start_2:
0x36b: {  	(tag) =	ssettag $0x2  }
0x36c: {  	s0 =	rddreg [dreg:$0x0];
	s2 =	stileid.u32  }
0x36d: {  	s1 =	rddreg [dreg:$0x1];
	p0 =	sne.s32 s2, $0x0  }
0x36e: {  	s3 =	rddreg [dreg:$0x2];
	[bflag:$0x3] =	sbarrier.arrive $0xFFFF;
	s2 =	simm.s32 @!p0 $0x1C11  }
0x36f: {  	[timem:s3], [sflag:s2] =	dma.local @!p0 [hbm:s0], s1  }
0x370: {  	s0 =	simm.s32 @!p0 $0x11  }
0x371: {  	_ =	swait.ge @!p0 [sflag:s0], s1  }
0x372: {  	s1 =	ssub.s32 @!p0 $0x0, s1;
	[sflag:s0] =	ssyncset.done @!p0 $0x0  }
0x373: {  	[sflag:s0] =	ssyncadd.s32 @!p0 s1  }
0x374: {  	[bflag:$0x3] =	sbarrier.arrive $0xFFFF  }
0x375: {  	_ =	shalt  }

</sc_bundles>
